<compile_context>
chip_gen: v7x
topology: tpu7x:2x2x1
jax: 0.10.2.dev20260603
libtpu: 0.0.44.dev20260713+nightly
codegen_flags: <defaults>
</compile_context>

<pallas_src>
import functools

import jax
import jax.numpy as jnp
from jax import lax
from jax.experimental import pallas as pl
from jax.experimental.pallas import tpu as pltpu
from jax.experimental.pallas import tpu_sc as plsc

_B = 16384
_D = 64
_F = 64
_A = 10

_NC, _NS = 2, 16
_NW = _NC * _NS
_BPW = _B // _NW
_HPW = _BPW // 2


def _sc_gather(se, sa_g, obs, nobs, act):
    mesh = plsc.VectorSubcoreMesh(core_axis_name="c", subcore_axis_name="s")

    @functools.partial(
        pl.kernel,
        mesh=mesh,
        out_type=[
            jax.ShapeDtypeStruct((_B // 2, 2 * _D), jnp.float32),
            jax.ShapeDtypeStruct((_B // 2, 2 * _D), jnp.float32),
        ],
        scratch_types=[
            pltpu.VMEM((_BPW,), jnp.int32),
            pltpu.VMEM((_BPW,), jnp.int32),
            pltpu.VMEM((_BPW,), jnp.int32),
            pltpu.VMEM((_HPW, 2 * _D), jnp.float32),
            pltpu.VMEM((_HPW, 2 * _D), jnp.float32),
            pltpu.SemaphoreType.DMA,
        ],
    )
    def k(se_hbm, sa_hbm, obs_hbm, nobs_hbm, act_hbm,
          emb_out, sa_out,
          obs_v, nobs_v, act_v, emb_v, sa_v, sem):
        wid = lax.axis_index("s") * _NC + lax.axis_index("c")
        base = wid * _BPW
        pltpu.sync_copy(obs_hbm.at[pl.ds(base, _BPW)], obs_v)
        pltpu.sync_copy(nobs_hbm.at[pl.ds(base, _BPW)], nobs_v)
        pltpu.sync_copy(act_hbm.at[pl.ds(base, _BPW)], act_v)

        def make_fire(off):
            def fire(c, _):
                cb = c * 16
                src = off * _HPW + cb
                obs16 = obs_v[pl.ds(src, 16)]
                nobs16 = nobs_v[pl.ds(src, 16)]
                act16 = act_v[pl.ds(src, 16)]
                for j in range(16):
                    dst = (cb + j, pl.ds(off * _D, _D))
                    pltpu.async_copy(se_hbm.at[obs16[j]], emb_v.at[dst], sem)
                    pltpu.async_copy(sa_hbm.at[act16[j], nobs16[j]],
                                     sa_v.at[dst], sem)
                return 0
            return fire

        lax.fori_loop(0, _HPW // 16, make_fire(0), 0)
        lax.fori_loop(0, _HPW // 16, make_fire(1), 0)
        pltpu.make_async_copy(emb_out.at[pl.ds(0, _HPW)], emb_v, sem).wait()
        pltpu.make_async_copy(emb_out.at[pl.ds(0, _HPW)], sa_v, sem).wait()
        pltpu.sync_copy(emb_v, emb_out.at[pl.ds(wid * _HPW, _HPW)])
        pltpu.sync_copy(sa_v, sa_out.at[pl.ds(wid * _HPW, _HPW)])

    return k(se, sa_g, obs, nobs, act)


_COS_C = (
    0.9999999999999938, -19.73920880217503, 64.93939402216306,
    -85.45681717974715, 60.24464064338281, -26.42624548946228,
    7.903429882766466, -1.7137692085152525, 0.27980881692562937,
    -0.032045487143534404,
)
_INV_2PI = 0.15915494309189535


def _fast_cos(x):
    r = x * _INV_2PI
    r = r - jnp.round(r)
    u = r * r
    p = jnp.full_like(u, _COS_C[-1])
    for c in _COS_C[-2::-1]:
        p = p * u + c
    return p


def _tc_body(emb_ref, sa_ref, act_ref, om_ref, sh_ref, ae_ref, aq_ref, pol_ref,
             out_ref):
    ep = emb_ref[...]
    sp = sa_ref[...]
    x = jnp.concatenate([ep[:, :_D], ep[:, _D:]], axis=0)
    sa = jnp.concatenate([sp[:, :_D], sp[:, _D:]], axis=0)
    ae = ae_ref[...]
    std = jnp.sqrt(jnp.maximum(1e-8, aq_ref[...] - ae * ae))
    x = (x - ae) / std
    om = om_ref[...]
    proj = lax.dot_general(x, om, (((1,), (1,)), ((), ())),
                           preferred_element_type=jnp.float32)
    proj = proj * (1.0 / (_D ** 0.5))
    el = _fast_cos(proj + sh_ref[...])
    logits = jnp.dot(el, pol_ref[...], preferred_element_type=jnp.float32)
    m = jnp.max(logits, axis=1, keepdims=True)
    e = jnp.exp(logits - m)
    probs = e / jnp.sum(e, axis=1, keepdims=True)
    ne = _fast_cos(lax.dot_general(sa, om, (((1,), (1,)), ((), ())),
                                   preferred_element_type=jnp.float32)
                   + sh_ref[...])
    et = jnp.sum(el * ne, axis=1, keepdims=True) * ((2.0 / _F) ** 0.5)
    iota = lax.broadcasted_iota(jnp.int32, (_BPW, _A), 1)
    ap = jnp.sum(jnp.where(iota == act_ref[...], probs, 0.0),
                 axis=1, keepdims=True)
    out_ref[...] = jnp.concatenate([probs, ap, et], axis=1)


def _tc_dense(emb_p, sa_p, act2, omega, shift2, ae2, aq2, policy):
    return pl.pallas_call(
        _tc_body,
        grid=(_NW,),
        in_specs=[
            pl.BlockSpec((_HPW, 2 * _D), lambda i: (i, 0)),
            pl.BlockSpec((_HPW, 2 * _D), lambda i: (i, 0)),
            pl.BlockSpec((_BPW, 1), lambda i: (i, 0)),
            pl.BlockSpec((_F, _D), lambda i: (0, 0)),
            pl.BlockSpec((1, _F), lambda i: (0, 0)),
            pl.BlockSpec((1, _D), lambda i: (0, 0)),
            pl.BlockSpec((1, _D), lambda i: (0, 0)),
            pl.BlockSpec((_F, _A), lambda i: (0, 0)),
        ],
        out_specs=pl.BlockSpec((_BPW, _A + 2), lambda i: (i, 0)),
        out_shape=jax.ShapeDtypeStruct((_B, _A + 2), jnp.float32),
    )(emb_p, sa_p, act2, omega, shift2, ae2, aq2, policy)


def kernel(observation, action, next_observation, state_embedder,
           state_action_embedder, omega, shift, average_embed,
           average_square, embed_policy):
    sa_g = jnp.transpose(state_action_embedder, (1, 0, 2))
    emb_p, sa_p = _sc_gather(state_embedder, sa_g, observation,
                             next_observation, action)
    return _tc_dense(
        emb_p, sa_p,
        action.reshape(_B, 1),
        omega,
        shift.reshape(1, _F),
        average_embed.reshape(1, _D),
        average_square.reshape(1, _D),
        embed_policy,
    )

# --- scband reference (transcript-rebuilt; emitter-appended) ---
"""Pipeline reference for scband-tabular-bcenergy-31868657336534 (READ-ONLY COPY).

The authoritative reference and input builder live on the scoring server;
editing this copy changes nothing except your own understanding.
"""

import jax, jax.numpy as jnp
import numpy as np

NUM_STATES = 100000
NUM_ACTIONS = 10
EMBED_DIM = 64
FOURIER_DIM = 64
BATCH = 16384


def setup_inputs(seed: int = 0) -> dict:
    key = jax.random.key(seed)
    ks = jax.random.split(key, 8)
    observation = jax.random.randint(ks[0], (BATCH,), 0, NUM_STATES, dtype=jnp.int32)
    action = jax.random.randint(ks[1], (BATCH,), 0, NUM_ACTIONS, dtype=jnp.int32)
    next_observation = jax.random.randint(ks[2], (BATCH,), 0, NUM_STATES, dtype=jnp.int32)
    state_embedder = jax.random.truncated_normal(ks[3], -2.0, 2.0, (NUM_STATES, EMBED_DIM), dtype=jnp.float32)
    state_action_embedder = jax.random.truncated_normal(ks[4], -2.0, 2.0, (NUM_STATES, NUM_ACTIONS, EMBED_DIM), dtype=jnp.float32)
    omega = jax.random.normal(ks[5], (FOURIER_DIM, EMBED_DIM), dtype=jnp.float32)
    shift = jax.random.uniform(ks[6], (FOURIER_DIM,), minval=0.0, maxval=2 * 3.14159, dtype=jnp.float32)
    average_embed = jnp.zeros((EMBED_DIM,), jnp.float32)
    average_square = jnp.ones((EMBED_DIM,), jnp.float32)
    embed_policy = 0.01 * jax.random.normal(ks[7], (FOURIER_DIM, NUM_ACTIONS), dtype=jnp.float32)
    return {
        'observation': observation,
        'action': action,
        'next_observation': next_observation,
        'state_embedder': state_embedder,
        'state_action_embedder': state_action_embedder,
        'omega': omega,
        'shift': shift,
        'average_embed': average_embed,
        'average_square': average_square,
        'embed_policy': embed_policy,
    }


def reference(observation, action, next_observation, state_embedder,
              state_action_embedder, omega, shift, average_embed,
              average_square, embed_policy):
    # _state_fourier: gather state embeddings then random Fourier features
    embed = jnp.take(state_embedder, observation, axis=0)
    stddev_embed = jnp.sqrt(jnp.maximum(1e-08, average_square - average_embed ** 2))
    normalized_omegas = omega / stddev_embed[None, :]
    projection = (embed - jax.lax.stop_gradient(average_embed)) @ normalized_omegas.T
    projection = projection / (EMBED_DIM ** 0.5)
    embed_linear = jnp.cos(projection + shift)
    # embed policy head (as in train_step)
    logits = embed_linear @ embed_policy
    embed_policy_probs = jax.nn.softmax(logits, axis=-1)
    action_prob = jnp.sum(embed_policy_probs * jax.nn.one_hot(action, NUM_ACTIONS), axis=-1)
    # _state_action_fourier: gather_nd over [num_states, num_actions, d]
    sa_embed = state_action_embedder[next_observation, action]
    next_embed = jnp.cos(sa_embed @ omega.T + shift[None, :])
    embed_transition = jnp.sqrt(2.0 / FOURIER_DIM) * jnp.sum(embed_linear * next_embed, axis=-1)
    return jnp.concatenate(
        [embed_policy_probs, action_prob[:, None], embed_transition[:, None]], axis=-1)

if __name__ == "__main__":
    import jax
    _d = setup_inputs()
    print(jax.jit(kernel)(*tuple(_d.values())))

</pallas_src>

<mosaic_0001>
#map = affine_map<(d0, d1) -> (0, 0)>
#map1 = affine_map<(d0, d1) -> (0, 0, 0)>
#map2 = affine_map<(d0, d1) -> (0)>
module attributes {stable_mosaic.version = 14 : i64} {
  func.func @k(%arg0: i32, %arg1: i32, %arg2: memref<100000x64xf32, #tpu.memory_space<hbm>>, %arg3: memref<10x100000x64xf32, #tpu.memory_space<hbm>>, %arg4: memref<16384xi32, #tpu.memory_space<hbm>>, %arg5: memref<16384xi32, #tpu.memory_space<hbm>>, %arg6: memref<16384xi32, #tpu.memory_space<hbm>>, %arg7: memref<8192x128xf32, #tpu.memory_space<hbm>>, %arg8: memref<8192x128xf32, #tpu.memory_space<hbm>>, %arg9: memref<512xi32, #tpu.memory_space<vmem>>, %arg10: memref<512xi32, #tpu.memory_space<vmem>>, %arg11: memref<512xi32, #tpu.memory_space<vmem>>, %arg12: memref<256x128xf32, #tpu.memory_space<vmem>>, %arg13: memref<256x128xf32, #tpu.memory_space<vmem>>, %arg14: memref<!tpu.dma_semaphore, #tpu.memory_space<semaphore_mem>>) attributes {dimension_semantics = [#tpu.dimension_semantics<core_parallel>, #tpu.dimension_semantics<subcore_parallel>], iteration_bounds = array<i64: 2, 16>, scalar_prefetch = 0 : i64, scratch_operands = 6 : i64, tpu.core_type = #tpu.core_type<sc_vector_subcore>, window_params = [{transform_indices = #map}, {transform_indices = #map1}, {transform_indices = #map2}, {transform_indices = #map2}, {transform_indices = #map2}, {transform_indices = #map}, {transform_indices = #map}]} {
    %mul3A = arith.constant 2 : i32
    %mul3A_0 = arith.muli %arg1, %mul3A : i32
    %add3A = arith.addi %mul3A_0, %arg0 : i32
    %mul3A_1 = arith.constant 512 : i32
    %mul3A_2 = arith.muli %add3A, %mul3A_1 : i32
    "tpu.region"() ({
      %run_scoped3A = tpu.sem_alloc : memref<!tpu.dma_semaphore, #tpu.memory_space<semaphore_mem>>
      %dma_start3A = tpu.memref_slice %arg4[%mul3A_2] : memref<16384xi32, #tpu.memory_space<hbm>> -> memref<512xi32, #tpu.memory_space<hbm>>
      %dma_start3A_31 = tpu.memref_slice %arg4[%mul3A_2] : memref<16384xi32, #tpu.memory_space<hbm>> -> memref<512xi32, #tpu.memory_space<hbm>>
      tpu.enqueue_dma source(%dma_start3A_31 : memref<512xi32, #tpu.memory_space<hbm>>) target(%arg9 : memref<512xi32, #tpu.memory_space<vmem>>) target_semaphore(%run_scoped3A : memref<!tpu.dma_semaphore, #tpu.memory_space<semaphore_mem>>)
      %dma_wait3A_32 = tpu.memref_slice %arg4[%mul3A_2] : memref<16384xi32, #tpu.memory_space<hbm>> -> memref<512xi32, #tpu.memory_space<hbm>>
      %dma_wait3A_33 = tpu.memref_slice %arg4[%mul3A_2] : memref<16384xi32, #tpu.memory_space<hbm>> -> memref<512xi32, #tpu.memory_space<hbm>>
      tpu.wait_dma2 semaphore(%run_scoped3A : memref<!tpu.dma_semaphore, #tpu.memory_space<semaphore_mem>>) src(%dma_wait3A_33 : memref<512xi32, #tpu.memory_space<hbm>>) dst(%arg9 : memref<512xi32, #tpu.memory_space<vmem>>)
      tpu.yield
    }) : () -> ()
    "tpu.region"() ({
      %run_scoped3A = tpu.sem_alloc : memref<!tpu.dma_semaphore, #tpu.memory_space<semaphore_mem>>
      %dma_start3A = tpu.memref_slice %arg5[%mul3A_2] : memref<16384xi32, #tpu.memory_space<hbm>> -> memref<512xi32, #tpu.memory_space<hbm>>
      %dma_start3A_31 = tpu.memref_slice %arg5[%mul3A_2] : memref<16384xi32, #tpu.memory_space<hbm>> -> memref<512xi32, #tpu.memory_space<hbm>>
      tpu.enqueue_dma source(%dma_start3A_31 : memref<512xi32, #tpu.memory_space<hbm>>) target(%arg10 : memref<512xi32, #tpu.memory_space<vmem>>) target_semaphore(%run_scoped3A : memref<!tpu.dma_semaphore, #tpu.memory_space<semaphore_mem>>)
      %dma_wait3A_32 = tpu.memref_slice %arg5[%mul3A_2] : memref<16384xi32, #tpu.memory_space<hbm>> -> memref<512xi32, #tpu.memory_space<hbm>>
      %dma_wait3A_33 = tpu.memref_slice %arg5[%mul3A_2] : memref<16384xi32, #tpu.memory_space<hbm>> -> memref<512xi32, #tpu.memory_space<hbm>>
      tpu.wait_dma2 semaphore(%run_scoped3A : memref<!tpu.dma_semaphore, #tpu.memory_space<semaphore_mem>>) src(%dma_wait3A_33 : memref<512xi32, #tpu.memory_space<hbm>>) dst(%arg10 : memref<512xi32, #tpu.memory_space<vmem>>)
      tpu.yield
    }) : () -> ()
    "tpu.region"() ({
      %run_scoped3A = tpu.sem_alloc : memref<!tpu.dma_semaphore, #tpu.memory_space<semaphore_mem>>
      %dma_start3A = tpu.memref_slice %arg6[%mul3A_2] : memref<16384xi32, #tpu.memory_space<hbm>> -> memref<512xi32, #tpu.memory_space<hbm>>
      %dma_start3A_31 = tpu.memref_slice %arg6[%mul3A_2] : memref<16384xi32, #tpu.memory_space<hbm>> -> memref<512xi32, #tpu.memory_space<hbm>>
      tpu.enqueue_dma source(%dma_start3A_31 : memref<512xi32, #tpu.memory_space<hbm>>) target(%arg11 : memref<512xi32, #tpu.memory_space<vmem>>) target_semaphore(%run_scoped3A : memref<!tpu.dma_semaphore, #tpu.memory_space<semaphore_mem>>)
      %dma_wait3A_32 = tpu.memref_slice %arg6[%mul3A_2] : memref<16384xi32, #tpu.memory_space<hbm>> -> memref<512xi32, #tpu.memory_space<hbm>>
      %dma_wait3A_33 = tpu.memref_slice %arg6[%mul3A_2] : memref<16384xi32, #tpu.memory_space<hbm>> -> memref<512xi32, #tpu.memory_space<hbm>>
      tpu.wait_dma2 semaphore(%run_scoped3A : memref<!tpu.dma_semaphore, #tpu.memory_space<semaphore_mem>>) src(%dma_wait3A_33 : memref<512xi32, #tpu.memory_space<hbm>>) dst(%arg11 : memref<512xi32, #tpu.memory_space<vmem>>)
      tpu.yield
    }) : () -> ()
    %scan3A = arith.constant 0 : i32
    %scan3A_3 = arith.constant 0 : i32
    %scan3A_4 = arith.constant 16 : i32
    %scan3A_5 = arith.addi %scan3A_3, %scan3A_4 : i32
    %scan3A_6 = arith.constant 1 : i32
    %scan3A_7 = scf.for %scan3A_31 = %scan3A_3 to %scan3A_5 step %scan3A_6 iter_args(%scan3A_32 = %scan3A) -> (i32)  : i32 {
      %mul3A_33 = arith.constant 16 : i32
      %mul3A_34 = arith.muli %scan3A_31, %mul3A_33 : i32
      %add3A_35 = arith.constant 0 : i32
      %add3A_36 = arith.addi %add3A_35, %mul3A_34 : i32
      %get3A = arith.index_cast %add3A_36 : i32 to index
      %get3A_37 = tpu.vector_load %arg9[%get3A] {strides = array<i32>} : memref<512xi32, #tpu.memory_space<vmem>>, vector<16xi32>,
      %get3A_38 = vector.shape_cast %get3A_37 : vector<16xi32> to vector<16xi32>
      %get3A_39 = arith.index_cast %add3A_36 : i32 to index
      %get3A_40 = tpu.vector_load %arg10[%get3A_39] {strides = array<i32>} : memref<512xi32, #tpu.memory_space<vmem>>, vector<16xi32>,
      %get3A_41 = vector.shape_cast %get3A_40 : vector<16xi32> to vector<16xi32>
      %get3A_42 = arith.index_cast %add3A_36 : i32 to index
      %get3A_43 = tpu.vector_load %arg11[%get3A_42] {strides = array<i32>} : memref<512xi32, #tpu.memory_space<vmem>>, vector<16xi32>,
      %get3A_44 = vector.shape_cast %get3A_43 : vector<16xi32> to vector<16xi32>
      %add3A_45 = arith.constant 0 : i32
      %add3A_46 = arith.addi %mul3A_34, %add3A_45 : i32
      %slice3A = vector.extract_strided_slice %get3A_38 {offsets = [0], sizes = [1], strides = [1]} : vector<16xi32> to vector<1xi32>
      %squeeze3A = vector.extract %slice3A[0] : i32 from vector<1xi32>
      %dma_start3A = arith.constant 0 : i32
      %dma_start3A_47 = tpu.memref_slice %arg12[%add3A_46, %dma_start3A] : memref<256x128xf32, #tpu.memory_space<vmem>> -> memref<1x64xf32, #tpu.memory_space<vmem>>
      %dma_start3A_48 = tpu.memref_squeeze %dma_start3A_47 : memref<1x64xf32, #tpu.memory_space<vmem>> -> memref<64xf32, #tpu.memory_space<vmem>>
      %dma_start3A_49 = arith.constant 0 : i32
      %dma_start3A_50 = tpu.memref_slice %arg2[%squeeze3A, %dma_start3A_49] : memref<100000x64xf32, #tpu.memory_space<hbm>> -> memref<1x64xf32, #tpu.memory_space<hbm>>
      %dma_start3A_51 = tpu.memref_squeeze %dma_start3A_50 : memref<1x64xf32, #tpu.memory_space<hbm>> -> memref<64xf32, #tpu.memory_space<hbm>>
      %dma_start3A_52 = arith.constant 0 : i32
      %dma_start3A_53 = tpu.memref_slice %arg12[%add3A_46, %dma_start3A_52] : memref<256x128xf32, #tpu.memory_space<vmem>> -> memref<1x64xf32, #tpu.memory_space<vmem>>
      %dma_start3A_54 = tpu.memref_squeeze %dma_start3A_53 : memref<1x64xf32, #tpu.memory_space<vmem>> -> memref<64xf32, #tpu.memory_space<vmem>>
      %dma_start3A_55 = arith.constant 0 : i32
      %dma_start3A_56 = tpu.memref_slice %arg2[%squeeze3A, %dma_start3A_55] : memref<100000x64xf32, #tpu.memory_space<hbm>> -> memref<1x64xf32, #tpu.memory_space<hbm>>
      %dma_start3A_57 = tpu.memref_squeeze %dma_start3A_56 : memref<1x64xf32, #tpu.memory_space<hbm>> -> memref<64xf32, #tpu.memory_space<hbm>>
      tpu.enqueue_dma source(%dma_start3A_57 : memref<64xf32, #tpu.memory_space<hbm>>) target(%dma_start3A_54 : memref<64xf32, #tpu.memory_space<vmem>>) target_semaphore(%arg14 : memref<!tpu.dma_semaphore, #tpu.memory_space<semaphore_mem>>)
      %slice3A_58 = vector.extract_strided_slice %get3A_44 {offsets = [0], sizes = [1], strides = [1]} : vector<16xi32> to vector<1xi32>
      %squeeze3A_59 = vector.extract %slice3A_58[0] : i32 from vector<1xi32>
      %slice3A_60 = vector.extract_strided_slice %get3A_41 {offsets = [0], sizes = [1], strides = [1]} : vector<16xi32> to vector<1xi32>
      %squeeze3A_61 = vector.extract %slice3A_60[0] : i32 from vector<1xi32>
      %dma_start3A_62 = arith.constant 0 : i32
      %dma_start3A_63 = tpu.memref_slice %arg13[%add3A_46, %dma_start3A_62] : memref<256x128xf32, #tpu.memory_space<vmem>> -> memref<1x64xf32, #tpu.memory_space<vmem>>
      %dma_start3A_64 = tpu.memref_squeeze %dma_start3A_63 : memref<1x64xf32, #tpu.memory_space<vmem>> -> memref<64xf32, #tpu.memory_space<vmem>>
      %dma_start3A_65 = arith.constant 0 : i32
      %dma_start3A_66 = tpu.memref_slice %arg3[%squeeze3A_59, %squeeze3A_61, %dma_start3A_65] : memref<10x100000x64xf32, #tpu.memory_space<hbm>> -> memref<1x1x64xf32, #tpu.memory_space<hbm>>
      %dma_start3A_67 = tpu.memref_squeeze %dma_start3A_66 : memref<1x1x64xf32, #tpu.memory_space<hbm>> -> memref<64xf32, #tpu.memory_space<hbm>>
      %dma_start3A_68 = arith.constant 0 : i32
      %dma_start3A_69 = tpu.memref_slice %arg13[%add3A_46, %dma_start3A_68] : memref<256x128xf32, #tpu.memory_space<vmem>> -> memref<1x64xf32, #tpu.memory_space<vmem>>
      %dma_start3A_70 = tpu.memref_squeeze %dma_start3A_69 : memref<1x64xf32, #tpu.memory_space<vmem>> -> memref<64xf32, #tpu.memory_space<vmem>>
      %dma_start3A_71 = arith.constant 0 : i32
      %dma_start3A_72 = tpu.memref_slice %arg3[%squeeze3A_59, %squeeze3A_61, %dma_start3A_71] : memref<10x100000x64xf32, #tpu.memory_space<hbm>> -> memref<1x1x64xf32, #tpu.memory_space<hbm>>
      %dma_start3A_73 = tpu.memref_squeeze %dma_start3A_72 : memref<1x1x64xf32, #tpu.memory_space<hbm>> -> memref<64xf32, #tpu.memory_space<hbm>>
      tpu.enqueue_dma source(%dma_start3A_73 : memref<64xf32, #tpu.memory_space<hbm>>) target(%dma_start3A_70 : memref<64xf32, #tpu.memory_space<vmem>>) target_semaphore(%arg14 : memref<!tpu.dma_semaphore, #tpu.memory_space<semaphore_mem>>)
      %add3A_74 = arith.constant 1 : i32
      %add3A_75 = arith.addi %mul3A_34, %add3A_74 : i32
      %slice3A_76 = vector.extract_strided_slice %get3A_38 {offsets = [1], sizes = [1], strides = [1]} : vector<16xi32> to vector<1xi32>
      %squeeze3A_77 = vector.extract %slice3A_76[0] : i32 from vector<1xi32>
      %dma_start3A_78 = arith.constant 0 : i32
      %dma_start3A_79 = tpu.memref_slice %arg12[%add3A_75, %dma_start3A_78] : memref<256x128xf32, #tpu.memory_space<vmem>> -> memref<1x64xf32, #tpu.memory_space<vmem>>
      %dma_start3A_80 = tpu.memref_squeeze %dma_start3A_79 : memref<1x64xf32, #tpu.memory_space<vmem>> -> memref<64xf32, #tpu.memory_space<vmem>>
      %dma_start3A_81 = arith.constant 0 : i32
      %dma_start3A_82 = tpu.memref_slice %arg2[%squeeze3A_77, %dma_start3A_81] : memref<100000x64xf32, #tpu.memory_space<hbm>> -> memref<1x64xf32, #tpu.memory_space<hbm>>
      %dma_start3A_83 = tpu.memref_squeeze %dma_start3A_82 : memref<1x64xf32, #tpu.memory_space<hbm>> -> memref<64xf32, #tpu.memory_space<hbm>>
      %dma_start3A_84 = arith.constant 0 : i32
      %dma_start3A_85 = tpu.memref_slice %arg12[%add3A_75, %dma_start3A_84] : memref<256x128xf32, #tpu.memory_space<vmem>> -> memref<1x64xf32, #tpu.memory_space<vmem>>
      %dma_start3A_86 = tpu.memref_squeeze %dma_start3A_85 : memref<1x64xf32, #tpu.memory_space<vmem>> -> memref<64xf32, #tpu.memory_space<vmem>>
      %dma_start3A_87 = arith.constant 0 : i32
      %dma_start3A_88 = tpu.memref_slice %arg2[%squeeze3A_77, %dma_start3A_87] : memref<100000x64xf32, #tpu.memory_space<hbm>> -> memref<1x64xf32, #tpu.memory_space<hbm>>
      %dma_start3A_89 = tpu.memref_squeeze %dma_start3A_88 : memref<1x64xf32, #tpu.memory_space<hbm>> -> memref<64xf32, #tpu.memory_space<hbm>>
      tpu.enqueue_dma source(%dma_start3A_89 : memref<64xf32, #tpu.memory_space<hbm>>) target(%dma_start3A_86 : memref<64xf32, #tpu.memory_space<vmem>>) target_semaphore(%arg14 : memref<!tpu.dma_semaphore, #tpu.memory_space<semaphore_mem>>)
      %slice3A_90 = vector.extract_strided_slice %get3A_44 {offsets = [1], sizes = [1], strides = [1]} : vector<16xi32> to vector<1xi32>
      %squeeze3A_91 = vector.extract %slice3A_90[0] : i32 from vector<1xi32>
      %slice3A_92 = vector.extract_strided_slice %get3A_41 {offsets = [1], sizes = [1], strides = [1]} : vector<16xi32> to vector<1xi32>
      %squeeze3A_93 = vector.extract %slice3A_92[0] : i32 from vector<1xi32>
      %dma_start3A_94 = arith.constant 0 : i32
      %dma_start3A_95 = tpu.memref_slice %arg13[%add3A_75, %dma_start3A_94] : memref<256x128xf32, #tpu.memory_space<vmem>> -> memref<1x64xf32, #tpu.memory_space<vmem>>
      %dma_start3A_96 = tpu.memref_squeeze %dma_start3A_95 : memref<1x64xf32, #tpu.memory_space<vmem>> -> memref<64xf32, #tpu.memory_space<vmem>>
      %dma_start3A_97 = arith.constant 0 : i32
      %dma_start3A_98 = tpu.memref_slice %arg3[%squeeze3A_91, %squeeze3A_93, %dma_start3A_97] : memref<10x100000x64xf32, #tpu.memory_space<hbm>> -> memref<1x1x64xf32, #tpu.memory_space<hbm>>
      %dma_start3A_99 = tpu.memref_squeeze %dma_start3A_98 : memref<1x1x64xf32, #tpu.memory_space<hbm>> -> memref<64xf32, #tpu.memory_space<hbm>>
      %dma_start3A_100 = arith.constant 0 : i32
      %dma_start3A_101 = tpu.memref_slice %arg13[%add3A_75, %dma_start3A_100] : memref<256x128xf32, #tpu.memory_space<vmem>> -> memref<1x64xf32, #tpu.memory_space<vmem>>
      %dma_start3A_102 = tpu.memref_squeeze %dma_start3A_101 : memref<1x64xf32, #tpu.memory_space<vmem>> -> memref<64xf32, #tpu.memory_space<vmem>>
      %dma_start3A_103 = arith.constant 0 : i32
      %dma_start3A_104 = tpu.memref_slice %arg3[%squeeze3A_91, %squeeze3A_93, %dma_start3A_103] : memref<10x100000x64xf32, #tpu.memory_space<hbm>> -> memref<1x1x64xf32, #tpu.memory_space<hbm>>
      %dma_start3A_105 = tpu.memref_squeeze %dma_start3A_104 : memref<1x1x64xf32, #tpu.memory_space<hbm>> -> memref<64xf32, #tpu.memory_space<hbm>>
      tpu.enqueue_dma source(%dma_start3A_105 : memref<64xf32, #tpu.memory_space<hbm>>) target(%dma_start3A_102 : memref<64xf32, #tpu.memory_space<vmem>>) target_semaphore(%arg14 : memref<!tpu.dma_semaphore, #tpu.memory_space<semaphore_mem>>)
      %add3A_106 = arith.constant 2 : i32
      %add3A_107 = arith.addi %mul3A_34, %add3A_106 : i32
      %slice3A_108 = vector.extract_strided_slice %get3A_38 {offsets = [2], sizes = [1], strides = [1]} : vector<16xi32> to vector<1xi32>
      %squeeze3A_109 = vector.extract %slice3A_108[0] : i32 from vector<1xi32>
      %dma_start3A_110 = arith.constant 0 : i32
      %dma_start3A_111 = tpu.memref_slice %arg12[%add3A_107, %dma_start3A_110] : memref<256x128xf32, #tpu.memory_space<vmem>> -> memref<1x64xf32, #tpu.memory_space<vmem>>
      %dma_start3A_112 = tpu.memref_squeeze %dma_start3A_111 : memref<1x64xf32, #tpu.memory_space<vmem>> -> memref<64xf32, #tpu.memory_space<vmem>>
      %dma_start3A_113 = arith.constant 0 : i32
      %dma_start3A_114 = tpu.memref_slice %arg2[%squeeze3A_109, %dma_start3A_113] : memref<100000x64xf32, #tpu.memory_space<hbm>> -> memref<1x64xf32, #tpu.memory_space<hbm>>
      %dma_start3A_115 = tpu.memref_squeeze %dma_start3A_114 : memref<1x64xf32, #tpu.memory_space<hbm>> -> memref<64xf32, #tpu.memory_space<hbm>>
      %dma_start3A_116 = arith.constant 0 : i32
      %dma_start3A_117 = tpu.memref_slice %arg12[%add3A_107, %dma_start3A_116] : memref<256x128xf32, #tpu.memory_space<vmem>> -> memref<1x64xf32, #tpu.memory_space<vmem>>
      %dma_start3A_118 = tpu.memref_squeeze %dma_start3A_117 : memref<1x64xf32, #tpu.memory_space<vmem>> -> memref<64xf32, #tpu.memory_space<vmem>>
      %dma_start3A_119 = arith.constant 0 : i32
      %dma_start3A_120 = tpu.memref_slice %arg2[%squeeze3A_109, %dma_start3A_119] : memref<100000x64xf32, #tpu.memory_space<hbm>> -> memref<1x64xf32, #tpu.memory_space<hbm>>
      %dma_start3A_121 = tpu.memref_squeeze %dma_start3A_120 : memref<1x64xf32, #tpu.memory_space<hbm>> -> memref<64xf32, #tpu.memory_space<hbm>>
      tpu.enqueue_dma source(%dma_start3A_121 : memref<64xf32, #tpu.memory_space<hbm>>) target(%dma_start3A_118 : memref<64xf32, #tpu.memory_space<vmem>>) target_semaphore(%arg14 : memref<!tpu.dma_semaphore, #tpu.memory_space<semaphore_mem>>)
      %slice3A_122 = vector.extract_strided_slice %get3A_44 {offsets = [2], sizes = [1], strides = [1]} : vector<16xi32> to vector<1xi32>
      %squeeze3A_123 = vector.extract %slice3A_122[0] : i32 from vector<1xi32>
      %slice3A_124 = vector.extract_strided_slice %get3A_41 {offsets = [2], sizes = [1], strides = [1]} : vector<16xi32> to vector<1xi32>
      %squeeze3A_125 = vector.extract %slice3A_124[0] : i32 from vector<1xi32>
      %dma_start3A_126 = arith.constant 0 : i32
      %dma_start3A_127 = tpu.memref_slice %arg13[%add3A_107, %dma_start3A_126] : memref<256x128xf32, #tpu.memory_space<vmem>> -> memref<1x64xf32, #tpu.memory_space<vmem>>
      %dma_start3A_128 = tpu.memref_squeeze %dma_start3A_127 : memref<1x64xf32, #tpu.memory_space<vmem>> -> memref<64xf32, #tpu.memory_space<vmem>>
      %dma_start3A_129 = arith.constant 0 : i32
      %dma_start3A_130 = tpu.memref_slice %arg3[%squeeze3A_123, %squeeze3A_125, %dma_start3A_129] : memref<10x100000x64xf32, #tpu.memory_space<hbm>> -> memref<1x1x64xf32, #tpu.memory_space<hbm>>
      %dma_start3A_131 = tpu.memref_squeeze %dma_start3A_130 : memref<1x1x64xf32, #tpu.memory_space<hbm>> -> memref<64xf32, #tpu.memory_space<hbm>>
      %dma_start3A_132 = arith.constant 0 : i32
      %dma_start3A_133 = tpu.memref_slice %arg13[%add3A_107, %dma_start3A_132] : memref<256x128xf32, #tpu.memory_space<vmem>> -> memref<1x64xf32, #tpu.memory_space<vmem>>
      %dma_start3A_134 = tpu.memref_squeeze %dma_start3A_133 : memref<1x64xf32, #tpu.memory_space<vmem>> -> memref<64xf32, #tpu.memory_space<vmem>>
      %dma_start3A_135 = arith.constant 0 : i32
      %dma_start3A_136 = tpu.memref_slice %arg3[%squeeze3A_123, %squeeze3A_125, %dma_start3A_135] : memref<10x100000x64xf32, #tpu.memory_space<hbm>> -> memref<1x1x64xf32, #tpu.memory_space<hbm>>
      %dma_start3A_137 = tpu.memref_squeeze %dma_start3A_136 : memref<1x1x64xf32, #tpu.memory_space<hbm>> -> memref<64xf32, #tpu.memory_space<hbm>>
      tpu.enqueue_dma source(%dma_start3A_137 : memref<64xf32, #tpu.memory_space<hbm>>) target(%dma_start3A_134 : memref<64xf32, #tpu.memory_space<vmem>>) target_semaphore(%arg14 : memref<!tpu.dma_semaphore, #tpu.memory_space<semaphore_mem>>)
      %add3A_138 = arith.constant 3 : i32
      %add3A_139 = arith.addi %mul3A_34, %add3A_138 : i32
      %slice3A_140 = vector.extract_strided_slice %get3A_38 {offsets = [3], sizes = [1], strides = [1]} : vector<16xi32> to vector<1xi32>
      %squeeze3A_141 = vector.extract %slice3A_140[0] : i32 from vector<1xi32>
      %dma_start3A_142 = arith.constant 0 : i32
      %dma_start3A_143 = tpu.memref_slice %arg12[%add3A_139, %dma_start3A_142] : memref<256x128xf32, #tpu.memory_space<vmem>> -> memref<1x64xf32, #tpu.memory_space<vmem>>
      %dma_start3A_144 = tpu.memref_squeeze %dma_start3A_143 : memref<1x64xf32, #tpu.memory_space<vmem>> -> memref<64xf32, #tpu.memory_space<vmem>>
      %dma_start3A_145 = arith.constant 0 : i32
      %dma_start3A_146 = tpu.memref_slice %arg2[%squeeze3A_141, %dma_start3A_145] : memref<100000x64xf32, #tpu.memory_space<hbm>> -> memref<1x64xf32, #tpu.memory_space<hbm>>
      %dma_start3A_147 = tpu.memref_squeeze %dma_start3A_146 : memref<1x64xf32, #tpu.memory_space<hbm>> -> memref<64xf32, #tpu.memory_space<hbm>>
      %dma_start3A_148 = arith.constant 0 : i32
      %dma_start3A_149 = tpu.memref_slice %arg12[%add3A_139, %dma_start3A_148] : memref<256x128xf32, #tpu.memory_space<vmem>> -> memref<1x64xf32, #tpu.memory_space<vmem>>
      %dma_start3A_150 = tpu.memref_squeeze %dma_start3A_149 : memref<1x64xf32, #tpu.memory_space<vmem>> -> memref<64xf32, #tpu.memory_space<vmem>>
      %dma_start3A_151 = arith.constant 0 : i32
      %dma_start3A_152 = tpu.memref_slice %arg2[%squeeze3A_141, %dma_start3A_151] : memref<100000x64xf32, #tpu.memory_space<hbm>> -> memref<1x64xf32, #tpu.memory_space<hbm>>
      %dma_start3A_153 = tpu.memref_squeeze %dma_start3A_152 : memref<1x64xf32, #tpu.memory_space<hbm>> -> memref<64xf32, #tpu.memory_space<hbm>>
      tpu.enqueue_dma source(%dma_start3A_153 : memref<64xf32, #tpu.memory_space<hbm>>) target(%dma_start3A_150 : memref<64xf32, #tpu.memory_space<vmem>>) target_semaphore(%arg14 : memref<!tpu.dma_semaphore, #tpu.memory_space<semaphore_mem>>)
      %slice3A_154 = vector.extract_strided_slice %get3A_44 {offsets = [3], sizes = [1], strides = [1]} : vector<16xi32> to vector<1xi32>
      %squeeze3A_155 = vector.extract %slice3A_154[0] : i32 from vector<1xi32>
      %slice3A_156 = vector.extract_strided_slice %get3A_41 {offsets = [3], sizes = [1], strides = [1]} : vector<16xi32> to vector<1xi32>
      %squeeze3A_157 = vector.extract %slice3A_156[0] : i32 from vector<1xi32>
      %dma_start3A_158 = arith.constant 0 : i32
      %dma_start3A_159 = tpu.memref_slice %arg13[%add3A_139, %dma_start3A_158] : memref<256x128xf32, #tpu.memory_space<vmem>> -> memref<1x64xf32, #tpu.memory_space<vmem>>
      %dma_start3A_160 = tpu.memref_squeeze %dma_start3A_159 : memref<1x64xf32, #tpu.memory_space<vmem>> -> memref<64xf32, #tpu.memory_space<vmem>>
      %dma_start3A_161 = arith.constant 0 : i32
      %dma_start3A_162 = tpu.memref_slice %arg3[%squeeze3A_155, %squeeze3A_157, %dma_start3A_161] : memref<10x100000x64xf32, #tpu.memory_space<hbm>> -> memref<1x1x64xf32, #tpu.memory_space<hbm>>
      %dma_start3A_163 = tpu.memref_squeeze %dma_start3A_162 : memref<1x1x64xf32, #tpu.memory_space<hbm>> -> memref<64xf32, #tpu.memory_space<hbm>>
      %dma_start3A_164 = arith.constant 0 : i32
      %dma_start3A_165 = tpu.memref_slice %arg13[%add3A_139, %dma_start3A_164] : memref<256x128xf32, #tpu.memory_space<vmem>> -> memref<1x64xf32, #tpu.memory_space<vmem>>
      %dma_start3A_166 = tpu.memref_squeeze %dma_start3A_165 : memref<1x64xf32, #tpu.memory_space<vmem>> -> memref<64xf32, #tpu.memory_space<vmem>>
      %dma_start3A_167 = arith.constant 0 : i32
      %dma_start3A_168 = tpu.memref_slice %arg3[%squeeze3A_155, %squeeze3A_157, %dma_start3A_167] : memref<10x100000x64xf32, #tpu.memory_space<hbm>> -> memref<1x1x64xf32, #tpu.memory_space<hbm>>
      %dma_start3A_169 = tpu.memref_squeeze %dma_start3A_168 : memref<1x1x64xf32, #tpu.memory_space<hbm>> -> memref<64xf32, #tpu.memory_space<hbm>>
      tpu.enqueue_dma source(%dma_start3A_169 : memref<64xf32, #tpu.memory_space<hbm>>) target(%dma_start3A_166 : memref<64xf32, #tpu.memory_space<vmem>>) target_semaphore(%arg14 : memref<!tpu.dma_semaphore, #tpu.memory_space<semaphore_mem>>)
      %add3A_170 = arith.constant 4 : i32
      %add3A_171 = arith.addi %mul3A_34, %add3A_170 : i32
      %slice3A_172 = vector.extract_strided_slice %get3A_38 {offsets = [4], sizes = [1], strides = [1]} : vector<16xi32> to vector<1xi32>
      %squeeze3A_173 = vector.extract %slice3A_172[0] : i32 from vector<1xi32>
      %dma_start3A_174 = arith.constant 0 : i32
      %dma_start3A_175 = tpu.memref_slice %arg12[%add3A_171, %dma_start3A_174] : memref<256x128xf32, #tpu.memory_space<vmem>> -> memref<1x64xf32, #tpu.memory_space<vmem>>
      %dma_start3A_176 = tpu.memref_squeeze %dma_start3A_175 : memref<1x64xf32, #tpu.memory_space<vmem>> -> memref<64xf32, #tpu.memory_space<vmem>>
      %dma_start3A_177 = arith.constant 0 : i32
      %dma_start3A_178 = tpu.memref_slice %arg2[%squeeze3A_173, %dma_start3A_177] : memref<100000x64xf32, #tpu.memory_space<hbm>> -> memref<1x64xf32, #tpu.memory_space<hbm>>
      %dma_start3A_179 = tpu.memref_squeeze %dma_start3A_178 : memref<1x64xf32, #tpu.memory_space<hbm>> -> memref<64xf32, #tpu.memory_space<hbm>>
      %dma_start3A_180 = arith.constant 0 : i32
      %dma_start3A_181 = tpu.memref_slice %arg12[%add3A_171, %dma_start3A_180] : memref<256x128xf32, #tpu.memory_space<vmem>> -> memref<1x64xf32, #tpu.memory_space<vmem>>
      %dma_start3A_182 = tpu.memref_squeeze %dma_start3A_181 : memref<1x64xf32, #tpu.memory_space<vmem>> -> memref<64xf32, #tpu.memory_space<vmem>>
      %dma_start3A_183 = arith.constant 0 : i32
      %dma_start3A_184 = tpu.memref_slice %arg2[%squeeze3A_173, %dma_start3A_183] : memref<100000x64xf32, #tpu.memory_space<hbm>> -> memref<1x64xf32, #tpu.memory_space<hbm>>
      %dma_start3A_185 = tpu.memref_squeeze %dma_start3A_184 : memref<1x64xf32, #tpu.memory_space<hbm>> -> memref<64xf32, #tpu.memory_space<hbm>>
      tpu.enqueue_dma source(%dma_start3A_185 : memref<64xf32, #tpu.memory_space<hbm>>) target(%dma_start3A_182 : memref<64xf32, #tpu.memory_space<vmem>>) target_semaphore(%arg14 : memref<!tpu.dma_semaphore, #tpu.memory_space<semaphore_mem>>)
      %slice3A_186 = vector.extract_strided_slice %get3A_44 {offsets = [4], sizes = [1], strides = [1]} : vector<16xi32> to vector<1xi32>
      %squeeze3A_187 = vector.extract %slice3A_186[0] : i32 from vector<1xi32>
      %slice3A_188 = vector.extract_strided_slice %get3A_41 {offsets = [4], sizes = [1], strides = [1]} : vector<16xi32> to vector<1xi32>
      %squeeze3A_189 = vector.extract %slice3A_188[0] : i32 from vector<1xi32>
      %dma_start3A_190 = arith.constant 0 : i32
      %dma_start3A_191 = tpu.memref_slice %arg13[%add3A_171, %dma_start3A_190] : memref<256x128xf32, #tpu.memory_space<vmem>> -> memref<1x64xf32, #tpu.memory_space<vmem>>
      %dma_start3A_192 = tpu.memref_squeeze %dma_start3A_191 : memref<1x64xf32, #tpu.memory_space<vmem>> -> memref<64xf32, #tpu.memory_space<vmem>>
      %dma_start3A_193 = arith.constant 0 : i32
      %dma_start3A_194 = tpu.memref_slice %arg3[%squeeze3A_187, %squeeze3A_189, %dma_start3A_193] : memref<10x100000x64xf32, #tpu.memory_space<hbm>> -> memref<1x1x64xf32, #tpu.memory_space<hbm>>
      %dma_start3A_195 = tpu.memref_squeeze %dma_start3A_194 : memref<1x1x64xf32, #tpu.memory_space<hbm>> -> memref<64xf32, #tpu.memory_space<hbm>>
      %dma_start3A_196 = arith.constant 0 : i32
      %dma_start3A_197 = tpu.memref_slice %arg13[%add3A_171, %dma_start3A_196] : memref<256x128xf32, #tpu.memory_space<vmem>> -> memref<1x64xf32, #tpu.memory_space<vmem>>
      %dma_start3A_198 = tpu.memref_squeeze %dma_start3A_197 : memref<1x64xf32, #tpu.memory_space<vmem>> -> memref<64xf32, #tpu.memory_space<vmem>>
      %dma_start3A_199 = arith.constant 0 : i32
      %dma_start3A_200 = tpu.memref_slice %arg3[%squeeze3A_187, %squeeze3A_189, %dma_start3A_199] : memref<10x100000x64xf32, #tpu.memory_space<hbm>> -> memref<1x1x64xf32, #tpu.memory_space<hbm>>
      %dma_start3A_201 = tpu.memref_squeeze %dma_start3A_200 : memref<1x1x64xf32, #tpu.memory_space<hbm>> -> memref<64xf32, #tpu.memory_space<hbm>>
      tpu.enqueue_dma source(%dma_start3A_201 : memref<64xf32, #tpu.memory_space<hbm>>) target(%dma_start3A_198 : memref<64xf32, #tpu.memory_space<vmem>>) target_semaphore(%arg14 : memref<!tpu.dma_semaphore, #tpu.memory_space<semaphore_mem>>)
      %add3A_202 = arith.constant 5 : i32
      %add3A_203 = arith.addi %mul3A_34, %add3A_202 : i32
      %slice3A_204 = vector.extract_strided_slice %get3A_38 {offsets = [5], sizes = [1], strides = [1]} : vector<16xi32> to vector<1xi32>
      %squeeze3A_205 = vector.extract %slice3A_204[0] : i32 from vector<1xi32>
      %dma_start3A_206 = arith.constant 0 : i32
      %dma_start3A_207 = tpu.memref_slice %arg12[%add3A_203, %dma_start3A_206] : memref<256x128xf32, #tpu.memory_space<vmem>> -> memref<1x64xf32, #tpu.memory_space<vmem>>
      %dma_start3A_208 = tpu.memref_squeeze %dma_start3A_207 : memref<1x64xf32, #tpu.memory_space<vmem>> -> memref<64xf32, #tpu.memory_space<vmem>>
      %dma_start3A_209 = arith.constant 0 : i32
      %dma_start3A_210 = tpu.memref_slice %arg2[%squeeze3A_205, %dma_start3A_209] : memref<100000x64xf32, #tpu.memory_space<hbm>> -> memref<1x64xf32, #tpu.memory_space<hbm>>
      %dma_start3A_211 = tpu.memref_squeeze %dma_start3A_210 : memref<1x64xf32, #tpu.memory_space<hbm>> -> memref<64xf32, #tpu.memory_space<hbm>>
      %dma_start3A_212 = arith.constant 0 : i32
      %dma_start3A_213 = tpu.memref_slice %arg12[%add3A_203, %dma_start3A_212] : memref<256x128xf32, #tpu.memory_space<vmem>> -> memref<1x64xf32, #tpu.memory_space<vmem>>
      %dma_start3A_214 = tpu.memref_squeeze %dma_start3A_213 : memref<1x64xf32, #tpu.memory_space<vmem>> -> memref<64xf32, #tpu.memory_space<vmem>>
      %dma_start3A_215 = arith.constant 0 : i32
      %dma_start3A_216 = tpu.memref_slice %arg2[%squeeze3A_205, %dma_start3A_215] : memref<100000x64xf32, #tpu.memory_space<hbm>> -> memref<1x64xf32, #tpu.memory_space<hbm>>
      %dma_start3A_217 = tpu.memref_squeeze %dma_start3A_216 : memref<1x64xf32, #tpu.memory_space<hbm>> -> memref<64xf32, #tpu.memory_space<hbm>>
      tpu.enqueue_dma source(%dma_start3A_217 : memref<64xf32, #tpu.memory_space<hbm>>) target(%dma_start3A_214 : memref<64xf32, #tpu.memory_space<vmem>>) target_semaphore(%arg14 : memref<!tpu.dma_semaphore, #tpu.memory_space<semaphore_mem>>)
      %slice3A_218 = vector.extract_strided_slice %get3A_44 {offsets = [5], sizes = [1], strides = [1]} : vector<16xi32> to vector<1xi32>
      %squeeze3A_219 = vector.extract %slice3A_218[0] : i32 from vector<1xi32>
      %slice3A_220 = vector.extract_strided_slice %get3A_41 {offsets = [5], sizes = [1], strides = [1]} : vector<16xi32> to vector<1xi32>
      %squeeze3A_221 = vector.extract %slice3A_220[0] : i32 from vector<1xi32>
      %dma_start3A_222 = arith.constant 0 : i32
      %dma_start3A_223 = tpu.memref_slice %arg13[%add3A_203, %dma_start3A_222] : memref<256x128xf32, #tpu.memory_space<vmem>> -> memref<1x64xf32, #tpu.memory_space<vmem>>
      %dma_start3A_224 = tpu.memref_squeeze %dma_start3A_223 : memref<1x64xf32, #tpu.memory_space<vmem>> -> memref<64xf32, #tpu.memory_space<vmem>>
      %dma_start3A_225 = arith.constant 0 : i32
      %dma_start3A_226 = tpu.memref_slice %arg3[%squeeze3A_219, %squeeze3A_221, %dma_start3A_225] : memref<10x100000x64xf32, #tpu.memory_space<hbm>> -> memref<1x1x64xf32, #tpu.memory_space<hbm>>
      %dma_start3A_227 = tpu.memref_squeeze %dma_start3A_226 : memref<1x1x64xf32, #tpu.memory_space<hbm>> -> memref<64xf32, #tpu.memory_space<hbm>>
      %dma_start3A_228 = arith.constant 0 : i32
      %dma_start3A_229 = tpu.memref_slice %arg13[%add3A_203, %dma_start3A_228] : memref<256x128xf32, #tpu.memory_space<vmem>> -> memref<1x64xf32, #tpu.memory_space<vmem>>
      %dma_start3A_230 = tpu.memref_squeeze %dma_start3A_229 : memref<1x64xf32, #tpu.memory_space<vmem>> -> memref<64xf32, #tpu.memory_space<vmem>>
      %dma_start3A_231 = arith.constant 0 : i32
      %dma_start3A_232 = tpu.memref_slice %arg3[%squeeze3A_219, %squeeze3A_221, %dma_start3A_231] : memref<10x100000x64xf32, #tpu.memory_space<hbm>> -> memref<1x1x64xf32, #tpu.memory_space<hbm>>
      %dma_start3A_233 = tpu.memref_squeeze %dma_start3A_232 : memref<1x1x64xf32, #tpu.memory_space<hbm>> -> memref<64xf32, #tpu.memory_space<hbm>>
      tpu.enqueue_dma source(%dma_start3A_233 : memref<64xf32, #tpu.memory_space<hbm>>) target(%dma_start3A_230 : memref<64xf32, #tpu.memory_space<vmem>>) target_semaphore(%arg14 : memref<!tpu.dma_semaphore, #tpu.memory_space<semaphore_mem>>)
      %add3A_234 = arith.constant 6 : i32
      %add3A_235 = arith.addi %mul3A_34, %add3A_234 : i32
      %slice3A_236 = vector.extract_strided_slice %get3A_38 {offsets = [6], sizes = [1], strides = [1]} : vector<16xi32> to vector<1xi32>
      %squeeze3A_237 = vector.extract %slice3A_236[0] : i32 from vector<1xi32>
      %dma_start3A_238 = arith.constant 0 : i32
      %dma_start3A_239 = tpu.memref_slice %arg12[%add3A_235, %dma_start3A_238] : memref<256x128xf32, #tpu.memory_space<vmem>> -> memref<1x64xf32, #tpu.memory_space<vmem>>
      %dma_start3A_240 = tpu.memref_squeeze %dma_start3A_239 : memref<1x64xf32, #tpu.memory_space<vmem>> -> memref<64xf32, #tpu.memory_space<vmem>>
      %dma_start3A_241 = arith.constant 0 : i32
      %dma_start3A_242 = tpu.memref_slice %arg2[%squeeze3A_237, %dma_start3A_241] : memref<100000x64xf32, #tpu.memory_space<hbm>> -> memref<1x64xf32, #tpu.memory_space<hbm>>
      %dma_start3A_243 = tpu.memref_squeeze %dma_start3A_242 : memref<1x64xf32, #tpu.memory_space<hbm>> -> memref<64xf32, #tpu.memory_space<hbm>>
      %dma_start3A_244 = arith.constant 0 : i32
      %dma_start3A_245 = tpu.memref_slice %arg12[%add3A_235, %dma_start3A_244] : memref<256x128xf32, #tpu.memory_space<vmem>> -> memref<1x64xf32, #tpu.memory_space<vmem>>
      %dma_start3A_246 = tpu.memref_squeeze %dma_start3A_245 : memref<1x64xf32, #tpu.memory_space<vmem>> -> memref<64xf32, #tpu.memory_space<vmem>>
      %dma_start3A_247 = arith.constant 0 : i32
      %dma_start3A_248 = tpu.memref_slice %arg2[%squeeze3A_237, %dma_start3A_247] : memref<100000x64xf32, #tpu.memory_space<hbm>> -> memref<1x64xf32, #tpu.memory_space<hbm>>
      %dma_start3A_249 = tpu.memref_squeeze %dma_start3A_248 : memref<1x64xf32, #tpu.memory_space<hbm>> -> memref<64xf32, #tpu.memory_space<hbm>>
      tpu.enqueue_dma source(%dma_start3A_249 : memref<64xf32, #tpu.memory_space<hbm>>) target(%dma_start3A_246 : memref<64xf32, #tpu.memory_space<vmem>>) target_semaphore(%arg14 : memref<!tpu.dma_semaphore, #tpu.memory_space<semaphore_mem>>)
      %slice3A_250 = vector.extract_strided_slice %get3A_44 {offsets = [6], sizes = [1], strides = [1]} : vector<16xi32> to vector<1xi32>
      %squeeze3A_251 = vector.extract %slice3A_250[0] : i32 from vector<1xi32>
      %slice3A_252 = vector.extract_strided_slice %get3A_41 {offsets = [6], sizes = [1], strides = [1]} : vector<16xi32> to vector<1xi32>
      %squeeze3A_253 = vector.extract %slice3A_252[0] : i32 from vector<1xi32>
      %dma_start3A_254 = arith.constant 0 : i32
      %dma_start3A_255 = tpu.memref_slice %arg13[%add3A_235, %dma_start3A_254] : memref<256x128xf32, #tpu.memory_space<vmem>> -> memref<1x64xf32, #tpu.memory_space<vmem>>
      %dma_start3A_256 = tpu.memref_squeeze %dma_start3A_255 : memref<1x64xf32, #tpu.memory_space<vmem>> -> memref<64xf32, #tpu.memory_space<vmem>>
      %dma_start3A_257 = arith.constant 0 : i32
      %dma_start3A_258 = tpu.memref_slice %arg3[%squeeze3A_251, %squeeze3A_253, %dma_start3A_257] : memref<10x100000x64xf32, #tpu.memory_space<hbm>> -> memref<1x1x64xf32, #tpu.memory_space<hbm>>
      %dma_start3A_259 = tpu.memref_squeeze %dma_start3A_258 : memref<1x1x64xf32, #tpu.memory_space<hbm>> -> memref<64xf32, #tpu.memory_space<hbm>>
      %dma_start3A_260 = arith.constant 0 : i32
      %dma_start3A_261 = tpu.memref_slice %arg13[%add3A_235, %dma_start3A_260] : memref<256x128xf32, #tpu.memory_space<vmem>> -> memref<1x64xf32, #tpu.memory_space<vmem>>
      %dma_start3A_262 = tpu.memref_squeeze %dma_start3A_261 : memref<1x64xf32, #tpu.memory_space<vmem>> -> memref<64xf32, #tpu.memory_space<vmem>>
      %dma_start3A_263 = arith.constant 0 : i32
      %dma_start3A_264 = tpu.memref_slice %arg3[%squeeze3A_251, %squeeze3A_253, %dma_start3A_263] : memref<10x100000x64xf32, #tpu.memory_space<hbm>> -> memref<1x1x64xf32, #tpu.memory_space<hbm>>
      %dma_start3A_265 = tpu.memref_squeeze %dma_start3A_264 : memref<1x1x64xf32, #tpu.memory_space<hbm>> -> memref<64xf32, #tpu.memory_space<hbm>>
      tpu.enqueue_dma source(%dma_start3A_265 : memref<64xf32, #tpu.memory_space<hbm>>) target(%dma_start3A_262 : memref<64xf32, #tpu.memory_space<vmem>>) target_semaphore(%arg14 : memref<!tpu.dma_semaphore, #tpu.memory_space<semaphore_mem>>)
      %add3A_266 = arith.constant 7 : i32
      %add3A_267 = arith.addi %mul3A_34, %add3A_266 : i32
      %slice3A_268 = vector.extract_strided_slice %get3A_38 {offsets = [7], sizes = [1], strides = [1]} : vector<16xi32> to vector<1xi32>
      %squeeze3A_269 = vector.extract %slice3A_268[0] : i32 from vector<1xi32>
      %dma_start3A_270 = arith.constant 0 : i32
      %dma_start3A_271 = tpu.memref_slice %arg12[%add3A_267, %dma_start3A_270] : memref<256x128xf32, #tpu.memory_space<vmem>> -> memref<1x64xf32, #tpu.memory_space<vmem>>
      %dma_start3A_272 = tpu.memref_squeeze %dma_start3A_271 : memref<1x64xf32, #tpu.memory_space<vmem>> -> memref<64xf32, #tpu.memory_space<vmem>>
      %dma_start3A_273 = arith.constant 0 : i32
      %dma_start3A_274 = tpu.memref_slice %arg2[%squeeze3A_269, %dma_start3A_273] : memref<100000x64xf32, #tpu.memory_space<hbm>> -> memref<1x64xf32, #tpu.memory_space<hbm>>
      %dma_start3A_275 = tpu.memref_squeeze %dma_start3A_274 : memref<1x64xf32, #tpu.memory_space<hbm>> -> memref<64xf32, #tpu.memory_space<hbm>>
      %dma_start3A_276 = arith.constant 0 : i32
      %dma_start3A_277 = tpu.memref_slice %arg12[%add3A_267, %dma_start3A_276] : memref<256x128xf32, #tpu.memory_space<vmem>> -> memref<1x64xf32, #tpu.memory_space<vmem>>
      %dma_start3A_278 = tpu.memref_squeeze %dma_start3A_277 : memref<1x64xf32, #tpu.memory_space<vmem>> -> memref<64xf32, #tpu.memory_space<vmem>>
      %dma_start3A_279 = arith.constant 0 : i32
      %dma_start3A_280 = tpu.memref_slice %arg2[%squeeze3A_269, %dma_start3A_279] : memref<100000x64xf32, #tpu.memory_space<hbm>> -> memref<1x64xf32, #tpu.memory_space<hbm>>
      %dma_start3A_281 = tpu.memref_squeeze %dma_start3A_280 : memref<1x64xf32, #tpu.memory_space<hbm>> -> memref<64xf32, #tpu.memory_space<hbm>>
      tpu.enqueue_dma source(%dma_start3A_281 : memref<64xf32, #tpu.memory_space<hbm>>) target(%dma_start3A_278 : memref<64xf32, #tpu.memory_space<vmem>>) target_semaphore(%arg14 : memref<!tpu.dma_semaphore, #tpu.memory_space<semaphore_mem>>)
      %slice3A_282 = vector.extract_strided_slice %get3A_44 {offsets = [7], sizes = [1], strides = [1]} : vector<16xi32> to vector<1xi32>
      %squeeze3A_283 = vector.extract %slice3A_282[0] : i32 from vector<1xi32>
      %slice3A_284 = vector.extract_strided_slice %get3A_41 {offsets = [7], sizes = [1], strides = [1]} : vector<16xi32> to vector<1xi32>
      %squeeze3A_285 = vector.extract %slice3A_284[0] : i32 from vector<1xi32>
      %dma_start3A_286 = arith.constant 0 : i32
      %dma_start3A_287 = tpu.memref_slice %arg13[%add3A_267, %dma_start3A_286] : memref<256x128xf32, #tpu.memory_space<vmem>> -> memref<1x64xf32, #tpu.memory_space<vmem>>
      %dma_start3A_288 = tpu.memref_squeeze %dma_start3A_287 : memref<1x64xf32, #tpu.memory_space<vmem>> -> memref<64xf32, #tpu.memory_space<vmem>>
      %dma_start3A_289 = arith.constant 0 : i32
      %dma_start3A_290 = tpu.memref_slice %arg3[%squeeze3A_283, %squeeze3A_285, %dma_start3A_289] : memref<10x100000x64xf32, #tpu.memory_space<hbm>> -> memref<1x1x64xf32, #tpu.memory_space<hbm>>
      %dma_start3A_291 = tpu.memref_squeeze %dma_start3A_290 : memref<1x1x64xf32, #tpu.memory_space<hbm>> -> memref<64xf32, #tpu.memory_space<hbm>>
      %dma_start3A_292 = arith.constant 0 : i32
      %dma_start3A_293 = tpu.memref_slice %arg13[%add3A_267, %dma_start3A_292] : memref<256x128xf32, #tpu.memory_space<vmem>> -> memref<1x64xf32, #tpu.memory_space<vmem>>
      %dma_start3A_294 = tpu.memref_squeeze %dma_start3A_293 : memref<1x64xf32, #tpu.memory_space<vmem>> -> memref<64xf32, #tpu.memory_space<vmem>>
      %dma_start3A_295 = arith.constant 0 : i32
      %dma_start3A_296 = tpu.memref_slice %arg3[%squeeze3A_283, %squeeze3A_285, %dma_start3A_295] : memref<10x100000x64xf32, #tpu.memory_space<hbm>> -> memref<1x1x64xf32, #tpu.memory_space<hbm>>
      %dma_start3A_297 = tpu.memref_squeeze %dma_start3A_296 : memref<1x1x64xf32, #tpu.memory_space<hbm>> -> memref<64xf32, #tpu.memory_space<hbm>>
      tpu.enqueue_dma source(%dma_start3A_297 : memref<64xf32, #tpu.memory_space<hbm>>) target(%dma_start3A_294 : memref<64xf32, #tpu.memory_space<vmem>>) target_semaphore(%arg14 : memref<!tpu.dma_semaphore, #tpu.memory_space<semaphore_mem>>)
      %add3A_298 = arith.constant 8 : i32
      %add3A_299 = arith.addi %mul3A_34, %add3A_298 : i32
      %slice3A_300 = vector.extract_strided_slice %get3A_38 {offsets = [8], sizes = [1], strides = [1]} : vector<16xi32> to vector<1xi32>
      %squeeze3A_301 = vector.extract %slice3A_300[0] : i32 from vector<1xi32>
      %dma_start3A_302 = arith.constant 0 : i32
      %dma_start3A_303 = tpu.memref_slice %arg12[%add3A_299, %dma_start3A_302] : memref<256x128xf32, #tpu.memory_space<vmem>> -> memref<1x64xf32, #tpu.memory_space<vmem>>
      %dma_start3A_304 = tpu.memref_squeeze %dma_start3A_303 : memref<1x64xf32, #tpu.memory_space<vmem>> -> memref<64xf32, #tpu.memory_space<vmem>>
      %dma_start3A_305 = arith.constant 0 : i32
      %dma_start3A_306 = tpu.memref_slice %arg2[%squeeze3A_301, %dma_start3A_305] : memref<100000x64xf32, #tpu.memory_space<hbm>> -> memref<1x64xf32, #tpu.memory_space<hbm>>
      %dma_start3A_307 = tpu.memref_squeeze %dma_start3A_306 : memref<1x64xf32, #tpu.memory_space<hbm>> -> memref<64xf32, #tpu.memory_space<hbm>>
      %dma_start3A_308 = arith.constant 0 : i32
      %dma_start3A_309 = tpu.memref_slice %arg12[%add3A_299, %dma_start3A_308] : memref<256x128xf32, #tpu.memory_space<vmem>> -> memref<1x64xf32, #tpu.memory_space<vmem>>
      %dma_start3A_310 = tpu.memref_squeeze %dma_start3A_309 : memref<1x64xf32, #tpu.memory_space<vmem>> -> memref<64xf32, #tpu.memory_space<vmem>>
      %dma_start3A_311 = arith.constant 0 : i32
      %dma_start3A_312 = tpu.memref_slice %arg2[%squeeze3A_301, %dma_start3A_311] : memref<100000x64xf32, #tpu.memory_space<hbm>> -> memref<1x64xf32, #tpu.memory_space<hbm>>
      %dma_start3A_313 = tpu.memref_squeeze %dma_start3A_312 : memref<1x64xf32, #tpu.memory_space<hbm>> -> memref<64xf32, #tpu.memory_space<hbm>>
      tpu.enqueue_dma source(%dma_start3A_313 : memref<64xf32, #tpu.memory_space<hbm>>) target(%dma_start3A_310 : memref<64xf32, #tpu.memory_space<vmem>>) target_semaphore(%arg14 : memref<!tpu.dma_semaphore, #tpu.memory_space<semaphore_mem>>)
      %slice3A_314 = vector.extract_strided_slice %get3A_44 {offsets = [8], sizes = [1], strides = [1]} : vector<16xi32> to vector<1xi32>
      %squeeze3A_315 = vector.extract %slice3A_314[0] : i32 from vector<1xi32>
      %slice3A_316 = vector.extract_strided_slice %get3A_41 {offsets = [8], sizes = [1], strides = [1]} : vector<16xi32> to vector<1xi32>
      %squeeze3A_317 = vector.extract %slice3A_316[0] : i32 from vector<1xi32>
      %dma_start3A_318 = arith.constant 0 : i32
      %dma_start3A_319 = tpu.memref_slice %arg13[%add3A_299, %dma_start3A_318] : memref<256x128xf32, #tpu.memory_space<vmem>> -> memref<1x64xf32, #tpu.memory_space<vmem>>
      %dma_start3A_320 = tpu.memref_squeeze %dma_start3A_319 : memref<1x64xf32, #tpu.memory_space<vmem>> -> memref<64xf32, #tpu.memory_space<vmem>>
      %dma_start3A_321 = arith.constant 0 : i32
      %dma_start3A_322 = tpu.memref_slice %arg3[%squeeze3A_315, %squeeze3A_317, %dma_start3A_321] : memref<10x100000x64xf32, #tpu.memory_space<hbm>> -> memref<1x1x64xf32, #tpu.memory_space<hbm>>
      %dma_start3A_323 = tpu.memref_squeeze %dma_start3A_322 : memref<1x1x64xf32, #tpu.memory_space<hbm>> -> memref<64xf32, #tpu.memory_space<hbm>>
      %dma_start3A_324 = arith.constant 0 : i32
      %dma_start3A_325 = tpu.memref_slice %arg13[%add3A_299, %dma_start3A_324] : memref<256x128xf32, #tpu.memory_space<vmem>> -> memref<1x64xf32, #tpu.memory_space<vmem>>
      %dma_start3A_326 = tpu.memref_squeeze %dma_start3A_325 : memref<1x64xf32, #tpu.memory_space<vmem>> -> memref<64xf32, #tpu.memory_space<vmem>>
      %dma_start3A_327 = arith.constant 0 : i32
      %dma_start3A_328 = tpu.memref_slice %arg3[%squeeze3A_315, %squeeze3A_317, %dma_start3A_327] : memref<10x100000x64xf32, #tpu.memory_space<hbm>> -> memref<1x1x64xf32, #tpu.memory_space<hbm>>
      %dma_start3A_329 = tpu.memref_squeeze %dma_start3A_328 : memref<1x1x64xf32, #tpu.memory_space<hbm>> -> memref<64xf32, #tpu.memory_space<hbm>>
      tpu.enqueue_dma source(%dma_start3A_329 : memref<64xf32, #tpu.memory_space<hbm>>) target(%dma_start3A_326 : memref<64xf32, #tpu.memory_space<vmem>>) target_semaphore(%arg14 : memref<!tpu.dma_semaphore, #tpu.memory_space<semaphore_mem>>)
      %add3A_330 = arith.constant 9 : i32
      %add3A_331 = arith.addi %mul3A_34, %add3A_330 : i32
      %slice3A_332 = vector.extract_strided_slice %get3A_38 {offsets = [9], sizes = [1], strides = [1]} : vector<16xi32> to vector<1xi32>
      %squeeze3A_333 = vector.extract %slice3A_332[0] : i32 from vector<1xi32>
      %dma_start3A_334 = arith.constant 0 : i32
      %dma_start3A_335 = tpu.memref_slice %arg12[%add3A_331, %dma_start3A_334] : memref<256x128xf32, #tpu.memory_space<vmem>> -> memref<1x64xf32, #tpu.memory_space<vmem>>
      %dma_start3A_336 = tpu.memref_squeeze %dma_start3A_335 : memref<1x64xf32, #tpu.memory_space<vmem>> -> memref<64xf32, #tpu.memory_space<vmem>>
      %dma_start3A_337 = arith.constant 0 : i32
      %dma_start3A_338 = tpu.memref_slice %arg2[%squeeze3A_333, %dma_start3A_337] : memref<100000x64xf32, #tpu.memory_space<hbm>> -> memref<1x64xf32, #tpu.memory_space<hbm>>
      %dma_start3A_339 = tpu.memref_squeeze %dma_start3A_338 : memref<1x64xf32, #tpu.memory_space<hbm>> -> memref<64xf32, #tpu.memory_space<hbm>>
      %dma_start3A_340 = arith.constant 0 : i32
      %dma_start3A_341 = tpu.memref_slice %arg12[%add3A_331, %dma_start3A_340] : memref<256x128xf32, #tpu.memory_space<vmem>> -> memref<1x64xf32, #tpu.memory_space<vmem>>
      %dma_start3A_342 = tpu.memref_squeeze %dma_start3A_341 : memref<1x64xf32, #tpu.memory_space<vmem>> -> memref<64xf32, #tpu.memory_space<vmem>>
      %dma_start3A_343 = arith.constant 0 : i32
      %dma_start3A_344 = tpu.memref_slice %arg2[%squeeze3A_333, %dma_start3A_343] : memref<100000x64xf32, #tpu.memory_space<hbm>> -> memref<1x64xf32, #tpu.memory_space<hbm>>
      %dma_start3A_345 = tpu.memref_squeeze %dma_start3A_344 : memref<1x64xf32, #tpu.memory_space<hbm>> -> memref<64xf32, #tpu.memory_space<hbm>>
      tpu.enqueue_dma source(%dma_start3A_345 : memref<64xf32, #tpu.memory_space<hbm>>) target(%dma_start3A_342 : memref<64xf32, #tpu.memory_space<vmem>>) target_semaphore(%arg14 : memref<!tpu.dma_semaphore, #tpu.memory_space<semaphore_mem>>)
      %slice3A_346 = vector.extract_strided_slice %get3A_44 {offsets = [9], sizes = [1], strides = [1]} : vector<16xi32> to vector<1xi32>
      %squeeze3A_347 = vector.extract %slice3A_346[0] : i32 from vector<1xi32>
      %slice3A_348 = vector.extract_strided_slice %get3A_41 {offsets = [9], sizes = [1], strides = [1]} : vector<16xi32> to vector<1xi32>
      %squeeze3A_349 = vector.extract %slice3A_348[0] : i32 from vector<1xi32>
      %dma_start3A_350 = arith.constant 0 : i32
      %dma_start3A_351 = tpu.memref_slice %arg13[%add3A_331, %dma_start3A_350] : memref<256x128xf32, #tpu.memory_space<vmem>> -> memref<1x64xf32, #tpu.memory_space<vmem>>
      %dma_start3A_352 = tpu.memref_squeeze %dma_start3A_351 : memref<1x64xf32, #tpu.memory_space<vmem>> -> memref<64xf32, #tpu.memory_space<vmem>>
      %dma_start3A_353 = arith.constant 0 : i32
      %dma_start3A_354 = tpu.memref_slice %arg3[%squeeze3A_347, %squeeze3A_349, %dma_start3A_353] : memref<10x100000x64xf32, #tpu.memory_space<hbm>> -> memref<1x1x64xf32, #tpu.memory_space<hbm>>
      %dma_start3A_355 = tpu.memref_squeeze %dma_start3A_354 : memref<1x1x64xf32, #tpu.memory_space<hbm>> -> memref<64xf32, #tpu.memory_space<hbm>>
      %dma_start3A_356 = arith.constant 0 : i32
      %dma_start3A_357 = tpu.memref_slice %arg13[%add3A_331, %dma_start3A_356] : memref<256x128xf32, #tpu.memory_space<vmem>> -> memref<1x64xf32, #tpu.memory_space<vmem>>
      %dma_start3A_358 = tpu.memref_squeeze %dma_start3A_357 : memref<1x64xf32, #tpu.memory_space<vmem>> -> memref<64xf32, #tpu.memory_space<vmem>>
      %dma_start3A_359 = arith.constant 0 : i32
      %dma_start3A_360 = tpu.memref_slice %arg3[%squeeze3A_347, %squeeze3A_349, %dma_start3A_359] : memref<10x100000x64xf32, #tpu.memory_space<hbm>> -> memref<1x1x64xf32, #tpu.memory_space<hbm>>
      %dma_start3A_361 = tpu.memref_squeeze %dma_start3A_360 : memref<1x1x64xf32, #tpu.memory_space<hbm>> -> memref<64xf32, #tpu.memory_space<hbm>>
      tpu.enqueue_dma source(%dma_start3A_361 : memref<64xf32, #tpu.memory_space<hbm>>) target(%dma_start3A_358 : memref<64xf32, #tpu.memory_space<vmem>>) target_semaphore(%arg14 : memref<!tpu.dma_semaphore, #tpu.memory_space<semaphore_mem>>)
      %add3A_362 = arith.constant 10 : i32
      %add3A_363 = arith.addi %mul3A_34, %add3A_362 : i32
      %slice3A_364 = vector.extract_strided_slice %get3A_38 {offsets = [10], sizes = [1], strides = [1]} : vector<16xi32> to vector<1xi32>
      %squeeze3A_365 = vector.extract %slice3A_364[0] : i32 from vector<1xi32>
      %dma_start3A_366 = arith.constant 0 : i32
      %dma_start3A_367 = tpu.memref_slice %arg12[%add3A_363, %dma_start3A_366] : memref<256x128xf32, #tpu.memory_space<vmem>> -> memref<1x64xf32, #tpu.memory_space<vmem>>
      %dma_start3A_368 = tpu.memref_squeeze %dma_start3A_367 : memref<1x64xf32, #tpu.memory_space<vmem>> -> memref<64xf32, #tpu.memory_space<vmem>>
      %dma_start3A_369 = arith.constant 0 : i32
      %dma_start3A_370 = tpu.memref_slice %arg2[%squeeze3A_365, %dma_start3A_369] : memref<100000x64xf32, #tpu.memory_space<hbm>> -> memref<1x64xf32, #tpu.memory_space<hbm>>
      %dma_start3A_371 = tpu.memref_squeeze %dma_start3A_370 : memref<1x64xf32, #tpu.memory_space<hbm>> -> memref<64xf32, #tpu.memory_space<hbm>>
      %dma_start3A_372 = arith.constant 0 : i32
      %dma_start3A_373 = tpu.memref_slice %arg12[%add3A_363, %dma_start3A_372] : memref<256x128xf32, #tpu.memory_space<vmem>> -> memref<1x64xf32, #tpu.memory_space<vmem>>
      %dma_start3A_374 = tpu.memref_squeeze %dma_start3A_373 : memref<1x64xf32, #tpu.memory_space<vmem>> -> memref<64xf32, #tpu.memory_space<vmem>>
      %dma_start3A_375 = arith.constant 0 : i32
      %dma_start3A_376 = tpu.memref_slice %arg2[%squeeze3A_365, %dma_start3A_375] : memref<100000x64xf32, #tpu.memory_space<hbm>> -> memref<1x64xf32, #tpu.memory_space<hbm>>
      %dma_start3A_377 = tpu.memref_squeeze %dma_start3A_376 : memref<1x64xf32, #tpu.memory_space<hbm>> -> memref<64xf32, #tpu.memory_space<hbm>>
      tpu.enqueue_dma source(%dma_start3A_377 : memref<64xf32, #tpu.memory_space<hbm>>) target(%dma_start3A_374 : memref<64xf32, #tpu.memory_space<vmem>>) target_semaphore(%arg14 : memref<!tpu.dma_semaphore, #tpu.memory_space<semaphore_mem>>)
      %slice3A_378 = vector.extract_strided_slice %get3A_44 {offsets = [10], sizes = [1], strides = [1]} : vector<16xi32> to vector<1xi32>
      %squeeze3A_379 = vector.extract %slice3A_378[0] : i32 from vector<1xi32>
      %slice3A_380 = vector.extract_strided_slice %get3A_41 {offsets = [10], sizes = [1], strides = [1]} : vector<16xi32> to vector<1xi32>
      %squeeze3A_381 = vector.extract %slice3A_380[0] : i32 from vector<1xi32>
      %dma_start3A_382 = arith.constant 0 : i32
      %dma_start3A_383 = tpu.memref_slice %arg13[%add3A_363, %dma_start3A_382] : memref<256x128xf32, #tpu.memory_space<vmem>> -> memref<1x64xf32, #tpu.memory_space<vmem>>
      %dma_start3A_384 = tpu.memref_squeeze %dma_start3A_383 : memref<1x64xf32, #tpu.memory_space<vmem>> -> memref<64xf32, #tpu.memory_space<vmem>>
      %dma_start3A_385 = arith.constant 0 : i32
      %dma_start3A_386 = tpu.memref_slice %arg3[%squeeze3A_379, %squeeze3A_381, %dma_start3A_385] : memref<10x100000x64xf32, #tpu.memory_space<hbm>> -> memref<1x1x64xf32, #tpu.memory_space<hbm>>
      %dma_start3A_387 = tpu.memref_squeeze %dma_start3A_386 : memref<1x1x64xf32, #tpu.memory_space<hbm>> -> memref<64xf32, #tpu.memory_space<hbm>>
      %dma_start3A_388 = arith.constant 0 : i32
      %dma_start3A_389 = tpu.memref_slice %arg13[%add3A_363, %dma_start3A_388] : memref<256x128xf32, #tpu.memory_space<vmem>> -> memref<1x64xf32, #tpu.memory_space<vmem>>
      %dma_start3A_390 = tpu.memref_squeeze %dma_start3A_389 : memref<1x64xf32, #tpu.memory_space<vmem>> -> memref<64xf32, #tpu.memory_space<vmem>>
      %dma_start3A_391 = arith.constant 0 : i32
      %dma_start3A_392 = tpu.memref_slice %arg3[%squeeze3A_379, %squeeze3A_381, %dma_start3A_391] : memref<10x100000x64xf32, #tpu.memory_space<hbm>> -> memref<1x1x64xf32, #tpu.memory_space<hbm>>
      %dma_start3A_393 = tpu.memref_squeeze %dma_start3A_392 : memref<1x1x64xf32, #tpu.memory_space<hbm>> -> memref<64xf32, #tpu.memory_space<hbm>>
      tpu.enqueue_dma source(%dma_start3A_393 : memref<64xf32, #tpu.memory_space<hbm>>) target(%dma_start3A_390 : memref<64xf32, #tpu.memory_space<vmem>>) target_semaphore(%arg14 : memref<!tpu.dma_semaphore, #tpu.memory_space<semaphore_mem>>)
      %add3A_394 = arith.constant 11 : i32
      %add3A_395 = arith.addi %mul3A_34, %add3A_394 : i32
      %slice3A_396 = vector.extract_strided_slice %get3A_38 {offsets = [11], sizes = [1], strides = [1]} : vector<16xi32> to vector<1xi32>
      %squeeze3A_397 = vector.extract %slice3A_396[0] : i32 from vector<1xi32>
      %dma_start3A_398 = arith.constant 0 : i32
      %dma_start3A_399 = tpu.memref_slice %arg12[%add3A_395, %dma_start3A_398] : memref<256x128xf32, #tpu.memory_space<vmem>> -> memref<1x64xf32, #tpu.memory_space<vmem>>
      %dma_start3A_400 = tpu.memref_squeeze %dma_start3A_399 : memref<1x64xf32, #tpu.memory_space<vmem>> -> memref<64xf32, #tpu.memory_space<vmem>>
      %dma_start3A_401 = arith.constant 0 : i32
      %dma_start3A_402 = tpu.memref_slice %arg2[%squeeze3A_397, %dma_start3A_401] : memref<100000x64xf32, #tpu.memory_space<hbm>> -> memref<1x64xf32, #tpu.memory_space<hbm>>
      %dma_start3A_403 = tpu.memref_squeeze %dma_start3A_402 : memref<1x64xf32, #tpu.memory_space<hbm>> -> memref<64xf32, #tpu.memory_space<hbm>>
      %dma_start3A_404 = arith.constant 0 : i32
      %dma_start3A_405 = tpu.memref_slice %arg12[%add3A_395, %dma_start3A_404] : memref<256x128xf32, #tpu.memory_space<vmem>> -> memref<1x64xf32, #tpu.memory_space<vmem>>
      %dma_start3A_406 = tpu.memref_squeeze %dma_start3A_405 : memref<1x64xf32, #tpu.memory_space<vmem>> -> memref<64xf32, #tpu.memory_space<vmem>>
      %dma_start3A_407 = arith.constant 0 : i32
      %dma_start3A_408 = tpu.memref_slice %arg2[%squeeze3A_397, %dma_start3A_407] : memref<100000x64xf32, #tpu.memory_space<hbm>> -> memref<1x64xf32, #tpu.memory_space<hbm>>
      %dma_start3A_409 = tpu.memref_squeeze %dma_start3A_408 : memref<1x64xf32, #tpu.memory_space<hbm>> -> memref<64xf32, #tpu.memory_space<hbm>>
      tpu.enqueue_dma source(%dma_start3A_409 : memref<64xf32, #tpu.memory_space<hbm>>) target(%dma_start3A_406 : memref<64xf32, #tpu.memory_space<vmem>>) target_semaphore(%arg14 : memref<!tpu.dma_semaphore, #tpu.memory_space<semaphore_mem>>)
      %slice3A_410 = vector.extract_strided_slice %get3A_44 {offsets = [11], sizes = [1], strides = [1]} : vector<16xi32> to vector<1xi32>
      %squeeze3A_411 = vector.extract %slice3A_410[0] : i32 from vector<1xi32>
      %slice3A_412 = vector.extract_strided_slice %get3A_41 {offsets = [11], sizes = [1], strides = [1]} : vector<16xi32> to vector<1xi32>
      %squeeze3A_413 = vector.extract %slice3A_412[0] : i32 from vector<1xi32>
      %dma_start3A_414 = arith.constant 0 : i32
      %dma_start3A_415 = tpu.memref_slice %arg13[%add3A_395, %dma_start3A_414] : memref<256x128xf32, #tpu.memory_space<vmem>> -> memref<1x64xf32, #tpu.memory_space<vmem>>
      %dma_start3A_416 = tpu.memref_squeeze %dma_start3A_415 : memref<1x64xf32, #tpu.memory_space<vmem>> -> memref<64xf32, #tpu.memory_space<vmem>>
      %dma_start3A_417 = arith.constant 0 : i32
      %dma_start3A_418 = tpu.memref_slice %arg3[%squeeze3A_411, %squeeze3A_413, %dma_start3A_417] : memref<10x100000x64xf32, #tpu.memory_space<hbm>> -> memref<1x1x64xf32, #tpu.memory_space<hbm>>
      %dma_start3A_419 = tpu.memref_squeeze %dma_start3A_418 : memref<1x1x64xf32, #tpu.memory_space<hbm>> -> memref<64xf32, #tpu.memory_space<hbm>>
      %dma_start3A_420 = arith.constant 0 : i32
      %dma_start3A_421 = tpu.memref_slice %arg13[%add3A_395, %dma_start3A_420] : memref<256x128xf32, #tpu.memory_space<vmem>> -> memref<1x64xf32, #tpu.memory_space<vmem>>
      %dma_start3A_422 = tpu.memref_squeeze %dma_start3A_421 : memref<1x64xf32, #tpu.memory_space<vmem>> -> memref<64xf32, #tpu.memory_space<vmem>>
      %dma_start3A_423 = arith.constant 0 : i32
      %dma_start3A_424 = tpu.memref_slice %arg3[%squeeze3A_411, %squeeze3A_413, %dma_start3A_423] : memref<10x100000x64xf32, #tpu.memory_space<hbm>> -> memref<1x1x64xf32, #tpu.memory_space<hbm>>
      %dma_start3A_425 = tpu.memref_squeeze %dma_start3A_424 : memref<1x1x64xf32, #tpu.memory_space<hbm>> -> memref<64xf32, #tpu.memory_space<hbm>>
      tpu.enqueue_dma source(%dma_start3A_425 : memref<64xf32, #tpu.memory_space<hbm>>) target(%dma_start3A_422 : memref<64xf32, #tpu.memory_space<vmem>>) target_semaphore(%arg14 : memref<!tpu.dma_semaphore, #tpu.memory_space<semaphore_mem>>)
      %add3A_426 = arith.constant 12 : i32
      %add3A_427 = arith.addi %mul3A_34, %add3A_426 : i32
      %slice3A_428 = vector.extract_strided_slice %get3A_38 {offsets = [12], sizes = [1], strides = [1]} : vector<16xi32> to vector<1xi32>
      %squeeze3A_429 = vector.extract %slice3A_428[0] : i32 from vector<1xi32>
      %dma_start3A_430 = arith.constant 0 : i32
      %dma_start3A_431 = tpu.memref_slice %arg12[%add3A_427, %dma_start3A_430] : memref<256x128xf32, #tpu.memory_space<vmem>> -> memref<1x64xf32, #tpu.memory_space<vmem>>
      %dma_start3A_432 = tpu.memref_squeeze %dma_start3A_431 : memref<1x64xf32, #tpu.memory_space<vmem>> -> memref<64xf32, #tpu.memory_space<vmem>>
      %dma_start3A_433 = arith.constant 0 : i32
      %dma_start3A_434 = tpu.memref_slice %arg2[%squeeze3A_429, %dma_start3A_433] : memref<100000x64xf32, #tpu.memory_space<hbm>> -> memref<1x64xf32, #tpu.memory_space<hbm>>
      %dma_start3A_435 = tpu.memref_squeeze %dma_start3A_434 : memref<1x64xf32, #tpu.memory_space<hbm>> -> memref<64xf32, #tpu.memory_space<hbm>>
      %dma_start3A_436 = arith.constant 0 : i32
      %dma_start3A_437 = tpu.memref_slice %arg12[%add3A_427, %dma_start3A_436] : memref<256x128xf32, #tpu.memory_space<vmem>> -> memref<1x64xf32, #tpu.memory_space<vmem>>
      %dma_start3A_438 = tpu.memref_squeeze %dma_start3A_437 : memref<1x64xf32, #tpu.memory_space<vmem>> -> memref<64xf32, #tpu.memory_space<vmem>>
      %dma_start3A_439 = arith.constant 0 : i32
      %dma_start3A_440 = tpu.memref_slice %arg2[%squeeze3A_429, %dma_start3A_439] : memref<100000x64xf32, #tpu.memory_space<hbm>> -> memref<1x64xf32, #tpu.memory_space<hbm>>
      %dma_start3A_441 = tpu.memref_squeeze %dma_start3A_440 : memref<1x64xf32, #tpu.memory_space<hbm>> -> memref<64xf32, #tpu.memory_space<hbm>>
      tpu.enqueue_dma source(%dma_start3A_441 : memref<64xf32, #tpu.memory_space<hbm>>) target(%dma_start3A_438 : memref<64xf32, #tpu.memory_space<vmem>>) target_semaphore(%arg14 : memref<!tpu.dma_semaphore, #tpu.memory_space<semaphore_mem>>)
      %slice3A_442 = vector.extract_strided_slice %get3A_44 {offsets = [12], sizes = [1], strides = [1]} : vector<16xi32> to vector<1xi32>
      %squeeze3A_443 = vector.extract %slice3A_442[0] : i32 from vector<1xi32>
      %slice3A_444 = vector.extract_strided_slice %get3A_41 {offsets = [12], sizes = [1], strides = [1]} : vector<16xi32> to vector<1xi32>
      %squeeze3A_445 = vector.extract %slice3A_444[0] : i32 from vector<1xi32>
      %dma_start3A_446 = arith.constant 0 : i32
      %dma_start3A_447 = tpu.memref_slice %arg13[%add3A_427, %dma_start3A_446] : memref<256x128xf32, #tpu.memory_space<vmem>> -> memref<1x64xf32, #tpu.memory_space<vmem>>
      %dma_start3A_448 = tpu.memref_squeeze %dma_start3A_447 : memref<1x64xf32, #tpu.memory_space<vmem>> -> memref<64xf32, #tpu.memory_space<vmem>>
      %dma_start3A_449 = arith.constant 0 : i32
      %dma_start3A_450 = tpu.memref_slice %arg3[%squeeze3A_443, %squeeze3A_445, %dma_start3A_449] : memref<10x100000x64xf32, #tpu.memory_space<hbm>> -> memref<1x1x64xf32, #tpu.memory_space<hbm>>
      %dma_start3A_451 = tpu.memref_squeeze %dma_start3A_450 : memref<1x1x64xf32, #tpu.memory_space<hbm>> -> memref<64xf32, #tpu.memory_space<hbm>>
      %dma_start3A_452 = arith.constant 0 : i32
      %dma_start3A_453 = tpu.memref_slice %arg13[%add3A_427, %dma_start3A_452] : memref<256x128xf32, #tpu.memory_space<vmem>> -> memref<1x64xf32, #tpu.memory_space<vmem>>
      %dma_start3A_454 = tpu.memref_squeeze %dma_start3A_453 : memref<1x64xf32, #tpu.memory_space<vmem>> -> memref<64xf32, #tpu.memory_space<vmem>>
      %dma_start3A_455 = arith.constant 0 : i32
      %dma_start3A_456 = tpu.memref_slice %arg3[%squeeze3A_443, %squeeze3A_445, %dma_start3A_455] : memref<10x100000x64xf32, #tpu.memory_space<hbm>> -> memref<1x1x64xf32, #tpu.memory_space<hbm>>
      %dma_start3A_457 = tpu.memref_squeeze %dma_start3A_456 : memref<1x1x64xf32, #tpu.memory_space<hbm>> -> memref<64xf32, #tpu.memory_space<hbm>>
      tpu.enqueue_dma source(%dma_start3A_457 : memref<64xf32, #tpu.memory_space<hbm>>) target(%dma_start3A_454 : memref<64xf32, #tpu.memory_space<vmem>>) target_semaphore(%arg14 : memref<!tpu.dma_semaphore, #tpu.memory_space<semaphore_mem>>)
      %add3A_458 = arith.constant 13 : i32
      %add3A_459 = arith.addi %mul3A_34, %add3A_458 : i32
      %slice3A_460 = vector.extract_strided_slice %get3A_38 {offsets = [13], sizes = [1], strides = [1]} : vector<16xi32> to vector<1xi32>
      %squeeze3A_461 = vector.extract %slice3A_460[0] : i32 from vector<1xi32>
      %dma_start3A_462 = arith.constant 0 : i32
      %dma_start3A_463 = tpu.memref_slice %arg12[%add3A_459, %dma_start3A_462] : memref<256x128xf32, #tpu.memory_space<vmem>> -> memref<1x64xf32, #tpu.memory_space<vmem>>
      %dma_start3A_464 = tpu.memref_squeeze %dma_start3A_463 : memref<1x64xf32, #tpu.memory_space<vmem>> -> memref<64xf32, #tpu.memory_space<vmem>>
      %dma_start3A_465 = arith.constant 0 : i32
      %dma_start3A_466 = tpu.memref_slice %arg2[%squeeze3A_461, %dma_start3A_465] : memref<100000x64xf32, #tpu.memory_space<hbm>> -> memref<1x64xf32, #tpu.memory_space<hbm>>
      %dma_start3A_467 = tpu.memref_squeeze %dma_start3A_466 : memref<1x64xf32, #tpu.memory_space<hbm>> -> memref<64xf32, #tpu.memory_space<hbm>>
      %dma_start3A_468 = arith.constant 0 : i32
      %dma_start3A_469 = tpu.memref_slice %arg12[%add3A_459, %dma_start3A_468] : memref<256x128xf32, #tpu.memory_space<vmem>> -> memref<1x64xf32, #tpu.memory_space<vmem>>
      %dma_start3A_470 = tpu.memref_squeeze %dma_start3A_469 : memref<1x64xf32, #tpu.memory_space<vmem>> -> memref<64xf32, #tpu.memory_space<vmem>>
      %dma_start3A_471 = arith.constant 0 : i32
      %dma_start3A_472 = tpu.memref_slice %arg2[%squeeze3A_461, %dma_start3A_471] : memref<100000x64xf32, #tpu.memory_space<hbm>> -> memref<1x64xf32, #tpu.memory_space<hbm>>
      %dma_start3A_473 = tpu.memref_squeeze %dma_start3A_472 : memref<1x64xf32, #tpu.memory_space<hbm>> -> memref<64xf32, #tpu.memory_space<hbm>>
      tpu.enqueue_dma source(%dma_start3A_473 : memref<64xf32, #tpu.memory_space<hbm>>) target(%dma_start3A_470 : memref<64xf32, #tpu.memory_space<vmem>>) target_semaphore(%arg14 : memref<!tpu.dma_semaphore, #tpu.memory_space<semaphore_mem>>)
      %slice3A_474 = vector.extract_strided_slice %get3A_44 {offsets = [13], sizes = [1], strides = [1]} : vector<16xi32> to vector<1xi32>
      %squeeze3A_475 = vector.extract %slice3A_474[0] : i32 from vector<1xi32>
      %slice3A_476 = vector.extract_strided_slice %get3A_41 {offsets = [13], sizes = [1], strides = [1]} : vector<16xi32> to vector<1xi32>
      %squeeze3A_477 = vector.extract %slice3A_476[0] : i32 from vector<1xi32>
      %dma_start3A_478 = arith.constant 0 : i32
      %dma_start3A_479 = tpu.memref_slice %arg13[%add3A_459, %dma_start3A_478] : memref<256x128xf32, #tpu.memory_space<vmem>> -> memref<1x64xf32, #tpu.memory_space<vmem>>
      %dma_start3A_480 = tpu.memref_squeeze %dma_start3A_479 : memref<1x64xf32, #tpu.memory_space<vmem>> -> memref<64xf32, #tpu.memory_space<vmem>>
      %dma_start3A_481 = arith.constant 0 : i32
      %dma_start3A_482 = tpu.memref_slice %arg3[%squeeze3A_475, %squeeze3A_477, %dma_start3A_481] : memref<10x100000x64xf32, #tpu.memory_space<hbm>> -> memref<1x1x64xf32, #tpu.memory_space<hbm>>
      %dma_start3A_483 = tpu.memref_squeeze %dma_start3A_482 : memref<1x1x64xf32, #tpu.memory_space<hbm>> -> memref<64xf32, #tpu.memory_space<hbm>>
      %dma_start3A_484 = arith.constant 0 : i32
      %dma_start3A_485 = tpu.memref_slice %arg13[%add3A_459, %dma_start3A_484] : memref<256x128xf32, #tpu.memory_space<vmem>> -> memref<1x64xf32, #tpu.memory_space<vmem>>
      %dma_start3A_486 = tpu.memref_squeeze %dma_start3A_485 : memref<1x64xf32, #tpu.memory_space<vmem>> -> memref<64xf32, #tpu.memory_space<vmem>>
      %dma_start3A_487 = arith.constant 0 : i32
      %dma_start3A_488 = tpu.memref_slice %arg3[%squeeze3A_475, %squeeze3A_477, %dma_start3A_487] : memref<10x100000x64xf32, #tpu.memory_space<hbm>> -> memref<1x1x64xf32, #tpu.memory_space<hbm>>
      %dma_start3A_489 = tpu.memref_squeeze %dma_start3A_488 : memref<1x1x64xf32, #tpu.memory_space<hbm>> -> memref<64xf32, #tpu.memory_space<hbm>>
      tpu.enqueue_dma source(%dma_start3A_489 : memref<64xf32, #tpu.memory_space<hbm>>) target(%dma_start3A_486 : memref<64xf32, #tpu.memory_space<vmem>>) target_semaphore(%arg14 : memref<!tpu.dma_semaphore, #tpu.memory_space<semaphore_mem>>)
      %add3A_490 = arith.constant 14 : i32
      %add3A_491 = arith.addi %mul3A_34, %add3A_490 : i32
      %slice3A_492 = vector.extract_strided_slice %get3A_38 {offsets = [14], sizes = [1], strides = [1]} : vector<16xi32> to vector<1xi32>
      %squeeze3A_493 = vector.extract %slice3A_492[0] : i32 from vector<1xi32>
      %dma_start3A_494 = arith.constant 0 : i32
      %dma_start3A_495 = tpu.memref_slice %arg12[%add3A_491, %dma_start3A_494] : memref<256x128xf32, #tpu.memory_space<vmem>> -> memref<1x64xf32, #tpu.memory_space<vmem>>
      %dma_start3A_496 = tpu.memref_squeeze %dma_start3A_495 : memref<1x64xf32, #tpu.memory_space<vmem>> -> memref<64xf32, #tpu.memory_space<vmem>>
      %dma_start3A_497 = arith.constant 0 : i32
      %dma_start3A_498 = tpu.memref_slice %arg2[%squeeze3A_493, %dma_start3A_497] : memref<100000x64xf32, #tpu.memory_space<hbm>> -> memref<1x64xf32, #tpu.memory_space<hbm>>
      %dma_start3A_499 = tpu.memref_squeeze %dma_start3A_498 : memref<1x64xf32, #tpu.memory_space<hbm>> -> memref<64xf32, #tpu.memory_space<hbm>>
      %dma_start3A_500 = arith.constant 0 : i32
      %dma_start3A_501 = tpu.memref_slice %arg12[%add3A_491, %dma_start3A_500] : memref<256x128xf32, #tpu.memory_space<vmem>> -> memref<1x64xf32, #tpu.memory_space<vmem>>
      %dma_start3A_502 = tpu.memref_squeeze %dma_start3A_501 : memref<1x64xf32, #tpu.memory_space<vmem>> -> memref<64xf32, #tpu.memory_space<vmem>>
      %dma_start3A_503 = arith.constant 0 : i32
      %dma_start3A_504 = tpu.memref_slice %arg2[%squeeze3A_493, %dma_start3A_503] : memref<100000x64xf32, #tpu.memory_space<hbm>> -> memref<1x64xf32, #tpu.memory_space<hbm>>
      %dma_start3A_505 = tpu.memref_squeeze %dma_start3A_504 : memref<1x64xf32, #tpu.memory_space<hbm>> -> memref<64xf32, #tpu.memory_space<hbm>>
      tpu.enqueue_dma source(%dma_start3A_505 : memref<64xf32, #tpu.memory_space<hbm>>) target(%dma_start3A_502 : memref<64xf32, #tpu.memory_space<vmem>>) target_semaphore(%arg14 : memref<!tpu.dma_semaphore, #tpu.memory_space<semaphore_mem>>)
      %slice3A_506 = vector.extract_strided_slice %get3A_44 {offsets = [14], sizes = [1], strides = [1]} : vector<16xi32> to vector<1xi32>
      %squeeze3A_507 = vector.extract %slice3A_506[0] : i32 from vector<1xi32>
      %slice3A_508 = vector.extract_strided_slice %get3A_41 {offsets = [14], sizes = [1], strides = [1]} : vector<16xi32> to vector<1xi32>
      %squeeze3A_509 = vector.extract %slice3A_508[0] : i32 from vector<1xi32>
      %dma_start3A_510 = arith.constant 0 : i32
      %dma_start3A_511 = tpu.memref_slice %arg13[%add3A_491, %dma_start3A_510] : memref<256x128xf32, #tpu.memory_space<vmem>> -> memref<1x64xf32, #tpu.memory_space<vmem>>
      %dma_start3A_512 = tpu.memref_squeeze %dma_start3A_511 : memref<1x64xf32, #tpu.memory_space<vmem>> -> memref<64xf32, #tpu.memory_space<vmem>>
      %dma_start3A_513 = arith.constant 0 : i32
      %dma_start3A_514 = tpu.memref_slice %arg3[%squeeze3A_507, %squeeze3A_509, %dma_start3A_513] : memref<10x100000x64xf32, #tpu.memory_space<hbm>> -> memref<1x1x64xf32, #tpu.memory_space<hbm>>
      %dma_start3A_515 = tpu.memref_squeeze %dma_start3A_514 : memref<1x1x64xf32, #tpu.memory_space<hbm>> -> memref<64xf32, #tpu.memory_space<hbm>>
      %dma_start3A_516 = arith.constant 0 : i32
      %dma_start3A_517 = tpu.memref_slice %arg13[%add3A_491, %dma_start3A_516] : memref<256x128xf32, #tpu.memory_space<vmem>> -> memref<1x64xf32, #tpu.memory_space<vmem>>
      %dma_start3A_518 = tpu.memref_squeeze %dma_start3A_517 : memref<1x64xf32, #tpu.memory_space<vmem>> -> memref<64xf32, #tpu.memory_space<vmem>>
      %dma_start3A_519 = arith.constant 0 : i32
      %dma_start3A_520 = tpu.memref_slice %arg3[%squeeze3A_507, %squeeze3A_509, %dma_start3A_519] : memref<10x100000x64xf32, #tpu.memory_space<hbm>> -> memref<1x1x64xf32, #tpu.memory_space<hbm>>
      %dma_start3A_521 = tpu.memref_squeeze %dma_start3A_520 : memref<1x1x64xf32, #tpu.memory_space<hbm>> -> memref<64xf32, #tpu.memory_space<hbm>>
      tpu.enqueue_dma source(%dma_start3A_521 : memref<64xf32, #tpu.memory_space<hbm>>) target(%dma_start3A_518 : memref<64xf32, #tpu.memory_space<vmem>>) target_semaphore(%arg14 : memref<!tpu.dma_semaphore, #tpu.memory_space<semaphore_mem>>)
      %add3A_522 = arith.constant 15 : i32
      %add3A_523 = arith.addi %mul3A_34, %add3A_522 : i32
      %slice3A_524 = vector.extract_strided_slice %get3A_38 {offsets = [15], sizes = [1], strides = [1]} : vector<16xi32> to vector<1xi32>
      %squeeze3A_525 = vector.extract %slice3A_524[0] : i32 from vector<1xi32>
      %dma_start3A_526 = arith.constant 0 : i32
      %dma_start3A_527 = tpu.memref_slice %arg12[%add3A_523, %dma_start3A_526] : memref<256x128xf32, #tpu.memory_space<vmem>> -> memref<1x64xf32, #tpu.memory_space<vmem>>
      %dma_start3A_528 = tpu.memref_squeeze %dma_start3A_527 : memref<1x64xf32, #tpu.memory_space<vmem>> -> memref<64xf32, #tpu.memory_space<vmem>>
      %dma_start3A_529 = arith.constant 0 : i32
      %dma_start3A_530 = tpu.memref_slice %arg2[%squeeze3A_525, %dma_start3A_529] : memref<100000x64xf32, #tpu.memory_space<hbm>> -> memref<1x64xf32, #tpu.memory_space<hbm>>
      %dma_start3A_531 = tpu.memref_squeeze %dma_start3A_530 : memref<1x64xf32, #tpu.memory_space<hbm>> -> memref<64xf32, #tpu.memory_space<hbm>>
      %dma_start3A_532 = arith.constant 0 : i32
      %dma_start3A_533 = tpu.memref_slice %arg12[%add3A_523, %dma_start3A_532] : memref<256x128xf32, #tpu.memory_space<vmem>> -> memref<1x64xf32, #tpu.memory_space<vmem>>
      %dma_start3A_534 = tpu.memref_squeeze %dma_start3A_533 : memref<1x64xf32, #tpu.memory_space<vmem>> -> memref<64xf32, #tpu.memory_space<vmem>>
      %dma_start3A_535 = arith.constant 0 : i32
      %dma_start3A_536 = tpu.memref_slice %arg2[%squeeze3A_525, %dma_start3A_535] : memref<100000x64xf32, #tpu.memory_space<hbm>> -> memref<1x64xf32, #tpu.memory_space<hbm>>
      %dma_start3A_537 = tpu.memref_squeeze %dma_start3A_536 : memref<1x64xf32, #tpu.memory_space<hbm>> -> memref<64xf32, #tpu.memory_space<hbm>>
      tpu.enqueue_dma source(%dma_start3A_537 : memref<64xf32, #tpu.memory_space<hbm>>) target(%dma_start3A_534 : memref<64xf32, #tpu.memory_space<vmem>>) target_semaphore(%arg14 : memref<!tpu.dma_semaphore, #tpu.memory_space<semaphore_mem>>)
      %slice3A_538 = vector.extract_strided_slice %get3A_44 {offsets = [15], sizes = [1], strides = [1]} : vector<16xi32> to vector<1xi32>
      %squeeze3A_539 = vector.extract %slice3A_538[0] : i32 from vector<1xi32>
      %slice3A_540 = vector.extract_strided_slice %get3A_41 {offsets = [15], sizes = [1], strides = [1]} : vector<16xi32> to vector<1xi32>
      %squeeze3A_541 = vector.extract %slice3A_540[0] : i32 from vector<1xi32>
      %dma_start3A_542 = arith.constant 0 : i32
      %dma_start3A_543 = tpu.memref_slice %arg13[%add3A_523, %dma_start3A_542] : memref<256x128xf32, #tpu.memory_space<vmem>> -> memref<1x64xf32, #tpu.memory_space<vmem>>
      %dma_start3A_544 = tpu.memref_squeeze %dma_start3A_543 : memref<1x64xf32, #tpu.memory_space<vmem>> -> memref<64xf32, #tpu.memory_space<vmem>>
      %dma_start3A_545 = arith.constant 0 : i32
      %dma_start3A_546 = tpu.memref_slice %arg3[%squeeze3A_539, %squeeze3A_541, %dma_start3A_545] : memref<10x100000x64xf32, #tpu.memory_space<hbm>> -> memref<1x1x64xf32, #tpu.memory_space<hbm>>
      %dma_start3A_547 = tpu.memref_squeeze %dma_start3A_546 : memref<1x1x64xf32, #tpu.memory_space<hbm>> -> memref<64xf32, #tpu.memory_space<hbm>>
      %dma_start3A_548 = arith.constant 0 : i32
      %dma_start3A_549 = tpu.memref_slice %arg13[%add3A_523, %dma_start3A_548] : memref<256x128xf32, #tpu.memory_space<vmem>> -> memref<1x64xf32, #tpu.memory_space<vmem>>
      %dma_start3A_550 = tpu.memref_squeeze %dma_start3A_549 : memref<1x64xf32, #tpu.memory_space<vmem>> -> memref<64xf32, #tpu.memory_space<vmem>>
      %dma_start3A_551 = arith.constant 0 : i32
      %dma_start3A_552 = tpu.memref_slice %arg3[%squeeze3A_539, %squeeze3A_541, %dma_start3A_551] : memref<10x100000x64xf32, #tpu.memory_space<hbm>> -> memref<1x1x64xf32, #tpu.memory_space<hbm>>
      %dma_start3A_553 = tpu.memref_squeeze %dma_start3A_552 : memref<1x1x64xf32, #tpu.memory_space<hbm>> -> memref<64xf32, #tpu.memory_space<hbm>>
      tpu.enqueue_dma source(%dma_start3A_553 : memref<64xf32, #tpu.memory_space<hbm>>) target(%dma_start3A_550 : memref<64xf32, #tpu.memory_space<vmem>>) target_semaphore(%arg14 : memref<!tpu.dma_semaphore, #tpu.memory_space<semaphore_mem>>)
      %scan3A_554 = arith.constant 0 : i32
      scf.yield %scan3A_554 : i32
    }
    %scan3A_8 = arith.constant 16 : i32
    %scan3A_9 = arith.constant 0 : i32
    %scan3A_10 = arith.constant 0 : i32
    %scan3A_11 = arith.constant 16 : i32
    %scan3A_12 = arith.addi %scan3A_10, %scan3A_11 : i32
    %scan3A_13 = arith.constant 1 : i32
    %scan3A_14 = scf.for %scan3A_31 = %scan3A_10 to %scan3A_12 step %scan3A_13 iter_args(%scan3A_32 = %scan3A_9) -> (i32)  : i32 {
      %mul3A_33 = arith.constant 16 : i32
      %mul3A_34 = arith.muli %scan3A_31, %mul3A_33 : i32
      %add3A_35 = arith.constant 256 : i32
      %add3A_36 = arith.addi %add3A_35, %mul3A_34 : i32
      %get3A = arith.index_cast %add3A_36 : i32 to index
      %get3A_37 = tpu.vector_load %arg9[%get3A] {strides = array<i32>} : memref<512xi32, #tpu.memory_space<vmem>>, vector<16xi32>,
      %get3A_38 = vector.shape_cast %get3A_37 : vector<16xi32> to vector<16xi32>
      %get3A_39 = arith.index_cast %add3A_36 : i32 to index
      %get3A_40 = tpu.vector_load %arg10[%get3A_39] {strides = array<i32>} : memref<512xi32, #tpu.memory_space<vmem>>, vector<16xi32>,
      %get3A_41 = vector.shape_cast %get3A_40 : vector<16xi32> to vector<16xi32>
      %get3A_42 = arith.index_cast %add3A_36 : i32 to index
      %get3A_43 = tpu.vector_load %arg11[%get3A_42] {strides = array<i32>} : memref<512xi32, #tpu.memory_space<vmem>>, vector<16xi32>,
      %get3A_44 = vector.shape_cast %get3A_43 : vector<16xi32> to vector<16xi32>
      %add3A_45 = arith.constant 0 : i32
      %add3A_46 = arith.addi %mul3A_34, %add3A_45 : i32
      %slice3A = vector.extract_strided_slice %get3A_38 {offsets = [0], sizes = [1], strides = [1]} : vector<16xi32> to vector<1xi32>
      %squeeze3A = vector.extract %slice3A[0] : i32 from vector<1xi32>
      %dma_start3A = arith.constant 64 : i32
      %dma_start3A_47 = tpu.memref_slice %arg12[%add3A_46, %dma_start3A] : memref<256x128xf32, #tpu.memory_space<vmem>> -> memref<1x64xf32, #tpu.memory_space<vmem>>
      %dma_start3A_48 = tpu.memref_squeeze %dma_start3A_47 : memref<1x64xf32, #tpu.memory_space<vmem>> -> memref<64xf32, #tpu.memory_space<vmem>>
      %dma_start3A_49 = arith.constant 0 : i32
      %dma_start3A_50 = tpu.memref_slice %arg2[%squeeze3A, %dma_start3A_49] : memref<100000x64xf32, #tpu.memory_space<hbm>> -> memref<1x64xf32, #tpu.memory_space<hbm>>
      %dma_start3A_51 = tpu.memref_squeeze %dma_start3A_50 : memref<1x64xf32, #tpu.memory_space<hbm>> -> memref<64xf32, #tpu.memory_space<hbm>>
      %dma_start3A_52 = arith.constant 64 : i32
      %dma_start3A_53 = tpu.memref_slice %arg12[%add3A_46, %dma_start3A_52] : memref<256x128xf32, #tpu.memory_space<vmem>> -> memref<1x64xf32, #tpu.memory_space<vmem>>
      %dma_start3A_54 = tpu.memref_squeeze %dma_start3A_53 : memref<1x64xf32, #tpu.memory_space<vmem>> -> memref<64xf32, #tpu.memory_space<vmem>>
      %dma_start3A_55 = arith.constant 0 : i32
      %dma_start3A_56 = tpu.memref_slice %arg2[%squeeze3A, %dma_start3A_55] : memref<100000x64xf32, #tpu.memory_space<hbm>> -> memref<1x64xf32, #tpu.memory_space<hbm>>
      %dma_start3A_57 = tpu.memref_squeeze %dma_start3A_56 : memref<1x64xf32, #tpu.memory_space<hbm>> -> memref<64xf32, #tpu.memory_space<hbm>>
      tpu.enqueue_dma source(%dma_start3A_57 : memref<64xf32, #tpu.memory_space<hbm>>) target(%dma_start3A_54 : memref<64xf32, #tpu.memory_space<vmem>>) target_semaphore(%arg14 : memref<!tpu.dma_semaphore, #tpu.memory_space<semaphore_mem>>)
      %slice3A_58 = vector.extract_strided_slice %get3A_44 {offsets = [0], sizes = [1], strides = [1]} : vector<16xi32> to vector<1xi32>
      %squeeze3A_59 = vector.extract %slice3A_58[0] : i32 from vector<1xi32>
      %slice3A_60 = vector.extract_strided_slice %get3A_41 {offsets = [0], sizes = [1], strides = [1]} : vector<16xi32> to vector<1xi32>
      %squeeze3A_61 = vector.extract %slice3A_60[0] : i32 from vector<1xi32>
      %dma_start3A_62 = arith.constant 64 : i32
      %dma_start3A_63 = tpu.memref_slice %arg13[%add3A_46, %dma_start3A_62] : memref<256x128xf32, #tpu.memory_space<vmem>> -> memref<1x64xf32, #tpu.memory_space<vmem>>
      %dma_start3A_64 = tpu.memref_squeeze %dma_start3A_63 : memref<1x64xf32, #tpu.memory_space<vmem>> -> memref<64xf32, #tpu.memory_space<vmem>>
      %dma_start3A_65 = arith.constant 0 : i32
      %dma_start3A_66 = tpu.memref_slice %arg3[%squeeze3A_59, %squeeze3A_61, %dma_start3A_65] : memref<10x100000x64xf32, #tpu.memory_space<hbm>> -> memref<1x1x64xf32, #tpu.memory_space<hbm>>
      %dma_start3A_67 = tpu.memref_squeeze %dma_start3A_66 : memref<1x1x64xf32, #tpu.memory_space<hbm>> -> memref<64xf32, #tpu.memory_space<hbm>>
      %dma_start3A_68 = arith.constant 64 : i32
      %dma_start3A_69 = tpu.memref_slice %arg13[%add3A_46, %dma_start3A_68] : memref<256x128xf32, #tpu.memory_space<vmem>> -> memref<1x64xf32, #tpu.memory_space<vmem>>
      %dma_start3A_70 = tpu.memref_squeeze %dma_start3A_69 : memref<1x64xf32, #tpu.memory_space<vmem>> -> memref<64xf32, #tpu.memory_space<vmem>>
      %dma_start3A_71 = arith.constant 0 : i32
      %dma_start3A_72 = tpu.memref_slice %arg3[%squeeze3A_59, %squeeze3A_61, %dma_start3A_71] : memref<10x100000x64xf32, #tpu.memory_space<hbm>> -> memref<1x1x64xf32, #tpu.memory_space<hbm>>
      %dma_start3A_73 = tpu.memref_squeeze %dma_start3A_72 : memref<1x1x64xf32, #tpu.memory_space<hbm>> -> memref<64xf32, #tpu.memory_space<hbm>>
      tpu.enqueue_dma source(%dma_start3A_73 : memref<64xf32, #tpu.memory_space<hbm>>) target(%dma_start3A_70 : memref<64xf32, #tpu.memory_space<vmem>>) target_semaphore(%arg14 : memref<!tpu.dma_semaphore, #tpu.memory_space<semaphore_mem>>)
      %add3A_74 = arith.constant 1 : i32
      %add3A_75 = arith.addi %mul3A_34, %add3A_74 : i32
      %slice3A_76 = vector.extract_strided_slice %get3A_38 {offsets = [1], sizes = [1], strides = [1]} : vector<16xi32> to vector<1xi32>
      %squeeze3A_77 = vector.extract %slice3A_76[0] : i32 from vector<1xi32>
      %dma_start3A_78 = arith.constant 64 : i32
      %dma_start3A_79 = tpu.memref_slice %arg12[%add3A_75, %dma_start3A_78] : memref<256x128xf32, #tpu.memory_space<vmem>> -> memref<1x64xf32, #tpu.memory_space<vmem>>
      %dma_start3A_80 = tpu.memref_squeeze %dma_start3A_79 : memref<1x64xf32, #tpu.memory_space<vmem>> -> memref<64xf32, #tpu.memory_space<vmem>>
      %dma_start3A_81 = arith.constant 0 : i32
      %dma_start3A_82 = tpu.memref_slice %arg2[%squeeze3A_77, %dma_start3A_81] : memref<100000x64xf32, #tpu.memory_space<hbm>> -> memref<1x64xf32, #tpu.memory_space<hbm>>
      %dma_start3A_83 = tpu.memref_squeeze %dma_start3A_82 : memref<1x64xf32, #tpu.memory_space<hbm>> -> memref<64xf32, #tpu.memory_space<hbm>>
      %dma_start3A_84 = arith.constant 64 : i32
      %dma_start3A_85 = tpu.memref_slice %arg12[%add3A_75, %dma_start3A_84] : memref<256x128xf32, #tpu.memory_space<vmem>> -> memref<1x64xf32, #tpu.memory_space<vmem>>
      %dma_start3A_86 = tpu.memref_squeeze %dma_start3A_85 : memref<1x64xf32, #tpu.memory_space<vmem>> -> memref<64xf32, #tpu.memory_space<vmem>>
      %dma_start3A_87 = arith.constant 0 : i32
      %dma_start3A_88 = tpu.memref_slice %arg2[%squeeze3A_77, %dma_start3A_87] : memref<100000x64xf32, #tpu.memory_space<hbm>> -> memref<1x64xf32, #tpu.memory_space<hbm>>
      %dma_start3A_89 = tpu.memref_squeeze %dma_start3A_88 : memref<1x64xf32, #tpu.memory_space<hbm>> -> memref<64xf32, #tpu.memory_space<hbm>>
      tpu.enqueue_dma source(%dma_start3A_89 : memref<64xf32, #tpu.memory_space<hbm>>) target(%dma_start3A_86 : memref<64xf32, #tpu.memory_space<vmem>>) target_semaphore(%arg14 : memref<!tpu.dma_semaphore, #tpu.memory_space<semaphore_mem>>)
      %slice3A_90 = vector.extract_strided_slice %get3A_44 {offsets = [1], sizes = [1], strides = [1]} : vector<16xi32> to vector<1xi32>
      %squeeze3A_91 = vector.extract %slice3A_90[0] : i32 from vector<1xi32>
      %slice3A_92 = vector.extract_strided_slice %get3A_41 {offsets = [1], sizes = [1], strides = [1]} : vector<16xi32> to vector<1xi32>
      %squeeze3A_93 = vector.extract %slice3A_92[0] : i32 from vector<1xi32>
      %dma_start3A_94 = arith.constant 64 : i32
      %dma_start3A_95 = tpu.memref_slice %arg13[%add3A_75, %dma_start3A_94] : memref<256x128xf32, #tpu.memory_space<vmem>> -> memref<1x64xf32, #tpu.memory_space<vmem>>
      %dma_start3A_96 = tpu.memref_squeeze %dma_start3A_95 : memref<1x64xf32, #tpu.memory_space<vmem>> -> memref<64xf32, #tpu.memory_space<vmem>>
      %dma_start3A_97 = arith.constant 0 : i32
      %dma_start3A_98 = tpu.memref_slice %arg3[%squeeze3A_91, %squeeze3A_93, %dma_start3A_97] : memref<10x100000x64xf32, #tpu.memory_space<hbm>> -> memref<1x1x64xf32, #tpu.memory_space<hbm>>
      %dma_start3A_99 = tpu.memref_squeeze %dma_start3A_98 : memref<1x1x64xf32, #tpu.memory_space<hbm>> -> memref<64xf32, #tpu.memory_space<hbm>>
      %dma_start3A_100 = arith.constant 64 : i32
      %dma_start3A_101 = tpu.memref_slice %arg13[%add3A_75, %dma_start3A_100] : memref<256x128xf32, #tpu.memory_space<vmem>> -> memref<1x64xf32, #tpu.memory_space<vmem>>
      %dma_start3A_102 = tpu.memref_squeeze %dma_start3A_101 : memref<1x64xf32, #tpu.memory_space<vmem>> -> memref<64xf32, #tpu.memory_space<vmem>>
      %dma_start3A_103 = arith.constant 0 : i32
      %dma_start3A_104 = tpu.memref_slice %arg3[%squeeze3A_91, %squeeze3A_93, %dma_start3A_103] : memref<10x100000x64xf32, #tpu.memory_space<hbm>> -> memref<1x1x64xf32, #tpu.memory_space<hbm>>
      %dma_start3A_105 = tpu.memref_squeeze %dma_start3A_104 : memref<1x1x64xf32, #tpu.memory_space<hbm>> -> memref<64xf32, #tpu.memory_space<hbm>>
      tpu.enqueue_dma source(%dma_start3A_105 : memref<64xf32, #tpu.memory_space<hbm>>) target(%dma_start3A_102 : memref<64xf32, #tpu.memory_space<vmem>>) target_semaphore(%arg14 : memref<!tpu.dma_semaphore, #tpu.memory_space<semaphore_mem>>)
      %add3A_106 = arith.constant 2 : i32
      %add3A_107 = arith.addi %mul3A_34, %add3A_106 : i32
      %slice3A_108 = vector.extract_strided_slice %get3A_38 {offsets = [2], sizes = [1], strides = [1]} : vector<16xi32> to vector<1xi32>
      %squeeze3A_109 = vector.extract %slice3A_108[0] : i32 from vector<1xi32>
      %dma_start3A_110 = arith.constant 64 : i32
      %dma_start3A_111 = tpu.memref_slice %arg12[%add3A_107, %dma_start3A_110] : memref<256x128xf32, #tpu.memory_space<vmem>> -> memref<1x64xf32, #tpu.memory_space<vmem>>
      %dma_start3A_112 = tpu.memref_squeeze %dma_start3A_111 : memref<1x64xf32, #tpu.memory_space<vmem>> -> memref<64xf32, #tpu.memory_space<vmem>>
      %dma_start3A_113 = arith.constant 0 : i32
      %dma_start3A_114 = tpu.memref_slice %arg2[%squeeze3A_109, %dma_start3A_113] : memref<100000x64xf32, #tpu.memory_space<hbm>> -> memref<1x64xf32, #tpu.memory_space<hbm>>
      %dma_start3A_115 = tpu.memref_squeeze %dma_start3A_114 : memref<1x64xf32, #tpu.memory_space<hbm>> -> memref<64xf32, #tpu.memory_space<hbm>>
      %dma_start3A_116 = arith.constant 64 : i32
      %dma_start3A_117 = tpu.memref_slice %arg12[%add3A_107, %dma_start3A_116] : memref<256x128xf32, #tpu.memory_space<vmem>> -> memref<1x64xf32, #tpu.memory_space<vmem>>
      %dma_start3A_118 = tpu.memref_squeeze %dma_start3A_117 : memref<1x64xf32, #tpu.memory_space<vmem>> -> memref<64xf32, #tpu.memory_space<vmem>>
      %dma_start3A_119 = arith.constant 0 : i32
      %dma_start3A_120 = tpu.memref_slice %arg2[%squeeze3A_109, %dma_start3A_119] : memref<100000x64xf32, #tpu.memory_space<hbm>> -> memref<1x64xf32, #tpu.memory_space<hbm>>
      %dma_start3A_121 = tpu.memref_squeeze %dma_start3A_120 : memref<1x64xf32, #tpu.memory_space<hbm>> -> memref<64xf32, #tpu.memory_space<hbm>>
      tpu.enqueue_dma source(%dma_start3A_121 : memref<64xf32, #tpu.memory_space<hbm>>) target(%dma_start3A_118 : memref<64xf32, #tpu.memory_space<vmem>>) target_semaphore(%arg14 : memref<!tpu.dma_semaphore, #tpu.memory_space<semaphore_mem>>)
      %slice3A_122 = vector.extract_strided_slice %get3A_44 {offsets = [2], sizes = [1], strides = [1]} : vector<16xi32> to vector<1xi32>
      %squeeze3A_123 = vector.extract %slice3A_122[0] : i32 from vector<1xi32>
      %slice3A_124 = vector.extract_strided_slice %get3A_41 {offsets = [2], sizes = [1], strides = [1]} : vector<16xi32> to vector<1xi32>
      %squeeze3A_125 = vector.extract %slice3A_124[0] : i32 from vector<1xi32>
      %dma_start3A_126 = arith.constant 64 : i32
      %dma_start3A_127 = tpu.memref_slice %arg13[%add3A_107, %dma_start3A_126] : memref<256x128xf32, #tpu.memory_space<vmem>> -> memref<1x64xf32, #tpu.memory_space<vmem>>
      %dma_start3A_128 = tpu.memref_squeeze %dma_start3A_127 : memref<1x64xf32, #tpu.memory_space<vmem>> -> memref<64xf32, #tpu.memory_space<vmem>>
      %dma_start3A_129 = arith.constant 0 : i32
      %dma_start3A_130 = tpu.memref_slice %arg3[%squeeze3A_123, %squeeze3A_125, %dma_start3A_129] : memref<10x100000x64xf32, #tpu.memory_space<hbm>> -> memref<1x1x64xf32, #tpu.memory_space<hbm>>
      %dma_start3A_131 = tpu.memref_squeeze %dma_start3A_130 : memref<1x1x64xf32, #tpu.memory_space<hbm>> -> memref<64xf32, #tpu.memory_space<hbm>>
      %dma_start3A_132 = arith.constant 64 : i32
      %dma_start3A_133 = tpu.memref_slice %arg13[%add3A_107, %dma_start3A_132] : memref<256x128xf32, #tpu.memory_space<vmem>> -> memref<1x64xf32, #tpu.memory_space<vmem>>
      %dma_start3A_134 = tpu.memref_squeeze %dma_start3A_133 : memref<1x64xf32, #tpu.memory_space<vmem>> -> memref<64xf32, #tpu.memory_space<vmem>>
      %dma_start3A_135 = arith.constant 0 : i32
      %dma_start3A_136 = tpu.memref_slice %arg3[%squeeze3A_123, %squeeze3A_125, %dma_start3A_135] : memref<10x100000x64xf32, #tpu.memory_space<hbm>> -> memref<1x1x64xf32, #tpu.memory_space<hbm>>
      %dma_start3A_137 = tpu.memref_squeeze %dma_start3A_136 : memref<1x1x64xf32, #tpu.memory_space<hbm>> -> memref<64xf32, #tpu.memory_space<hbm>>
      tpu.enqueue_dma source(%dma_start3A_137 : memref<64xf32, #tpu.memory_space<hbm>>) target(%dma_start3A_134 : memref<64xf32, #tpu.memory_space<vmem>>) target_semaphore(%arg14 : memref<!tpu.dma_semaphore, #tpu.memory_space<semaphore_mem>>)
      %add3A_138 = arith.constant 3 : i32
      %add3A_139 = arith.addi %mul3A_34, %add3A_138 : i32
      %slice3A_140 = vector.extract_strided_slice %get3A_38 {offsets = [3], sizes = [1], strides = [1]} : vector<16xi32> to vector<1xi32>
      %squeeze3A_141 = vector.extract %slice3A_140[0] : i32 from vector<1xi32>
      %dma_start3A_142 = arith.constant 64 : i32
      %dma_start3A_143 = tpu.memref_slice %arg12[%add3A_139, %dma_start3A_142] : memref<256x128xf32, #tpu.memory_space<vmem>> -> memref<1x64xf32, #tpu.memory_space<vmem>>
      %dma_start3A_144 = tpu.memref_squeeze %dma_start3A_143 : memref<1x64xf32, #tpu.memory_space<vmem>> -> memref<64xf32, #tpu.memory_space<vmem>>
      %dma_start3A_145 = arith.constant 0 : i32
      %dma_start3A_146 = tpu.memref_slice %arg2[%squeeze3A_141, %dma_start3A_145] : memref<100000x64xf32, #tpu.memory_space<hbm>> -> memref<1x64xf32, #tpu.memory_space<hbm>>
      %dma_start3A_147 = tpu.memref_squeeze %dma_start3A_146 : memref<1x64xf32, #tpu.memory_space<hbm>> -> memref<64xf32, #tpu.memory_space<hbm>>
      %dma_start3A_148 = arith.constant 64 : i32
      %dma_start3A_149 = tpu.memref_slice %arg12[%add3A_139, %dma_start3A_148] : memref<256x128xf32, #tpu.memory_space<vmem>> -> memref<1x64xf32, #tpu.memory_space<vmem>>
      %dma_start3A_150 = tpu.memref_squeeze %dma_start3A_149 : memref<1x64xf32, #tpu.memory_space<vmem>> -> memref<64xf32, #tpu.memory_space<vmem>>
      %dma_start3A_151 = arith.constant 0 : i32
      %dma_start3A_152 = tpu.memref_slice %arg2[%squeeze3A_141, %dma_start3A_151] : memref<100000x64xf32, #tpu.memory_space<hbm>> -> memref<1x64xf32, #tpu.memory_space<hbm>>
      %dma_start3A_153 = tpu.memref_squeeze %dma_start3A_152 : memref<1x64xf32, #tpu.memory_space<hbm>> -> memref<64xf32, #tpu.memory_space<hbm>>
      tpu.enqueue_dma source(%dma_start3A_153 : memref<64xf32, #tpu.memory_space<hbm>>) target(%dma_start3A_150 : memref<64xf32, #tpu.memory_space<vmem>>) target_semaphore(%arg14 : memref<!tpu.dma_semaphore, #tpu.memory_space<semaphore_mem>>)
      %slice3A_154 = vector.extract_strided_slice %get3A_44 {offsets = [3], sizes = [1], strides = [1]} : vector<16xi32> to vector<1xi32>
      %squeeze3A_155 = vector.extract %slice3A_154[0] : i32 from vector<1xi32>
      %slice3A_156 = vector.extract_strided_slice %get3A_41 {offsets = [3], sizes = [1], strides = [1]} : vector<16xi32> to vector<1xi32>
      %squeeze3A_157 = vector.extract %slice3A_156[0] : i32 from vector<1xi32>
      %dma_start3A_158 = arith.constant 64 : i32
      %dma_start3A_159 = tpu.memref_slice %arg13[%add3A_139, %dma_start3A_158] : memref<256x128xf32, #tpu.memory_space<vmem>> -> memref<1x64xf32, #tpu.memory_space<vmem>>
      %dma_start3A_160 = tpu.memref_squeeze %dma_start3A_159 : memref<1x64xf32, #tpu.memory_space<vmem>> -> memref<64xf32, #tpu.memory_space<vmem>>
      %dma_start3A_161 = arith.constant 0 : i32
      %dma_start3A_162 = tpu.memref_slice %arg3[%squeeze3A_155, %squeeze3A_157, %dma_start3A_161] : memref<10x100000x64xf32, #tpu.memory_space<hbm>> -> memref<1x1x64xf32, #tpu.memory_space<hbm>>
      %dma_start3A_163 = tpu.memref_squeeze %dma_start3A_162 : memref<1x1x64xf32, #tpu.memory_space<hbm>> -> memref<64xf32, #tpu.memory_space<hbm>>
      %dma_start3A_164 = arith.constant 64 : i32
      %dma_start3A_165 = tpu.memref_slice %arg13[%add3A_139, %dma_start3A_164] : memref<256x128xf32, #tpu.memory_space<vmem>> -> memref<1x64xf32, #tpu.memory_space<vmem>>
      %dma_start3A_166 = tpu.memref_squeeze %dma_start3A_165 : memref<1x64xf32, #tpu.memory_space<vmem>> -> memref<64xf32, #tpu.memory_space<vmem>>
      %dma_start3A_167 = arith.constant 0 : i32
      %dma_start3A_168 = tpu.memref_slice %arg3[%squeeze3A_155, %squeeze3A_157, %dma_start3A_167] : memref<10x100000x64xf32, #tpu.memory_space<hbm>> -> memref<1x1x64xf32, #tpu.memory_space<hbm>>
      %dma_start3A_169 = tpu.memref_squeeze %dma_start3A_168 : memref<1x1x64xf32, #tpu.memory_space<hbm>> -> memref<64xf32, #tpu.memory_space<hbm>>
      tpu.enqueue_dma source(%dma_start3A_169 : memref<64xf32, #tpu.memory_space<hbm>>) target(%dma_start3A_166 : memref<64xf32, #tpu.memory_space<vmem>>) target_semaphore(%arg14 : memref<!tpu.dma_semaphore, #tpu.memory_space<semaphore_mem>>)
      %add3A_170 = arith.constant 4 : i32
      %add3A_171 = arith.addi %mul3A_34, %add3A_170 : i32
      %slice3A_172 = vector.extract_strided_slice %get3A_38 {offsets = [4], sizes = [1], strides = [1]} : vector<16xi32> to vector<1xi32>
      %squeeze3A_173 = vector.extract %slice3A_172[0] : i32 from vector<1xi32>
      %dma_start3A_174 = arith.constant 64 : i32
      %dma_start3A_175 = tpu.memref_slice %arg12[%add3A_171, %dma_start3A_174] : memref<256x128xf32, #tpu.memory_space<vmem>> -> memref<1x64xf32, #tpu.memory_space<vmem>>
      %dma_start3A_176 = tpu.memref_squeeze %dma_start3A_175 : memref<1x64xf32, #tpu.memory_space<vmem>> -> memref<64xf32, #tpu.memory_space<vmem>>
      %dma_start3A_177 = arith.constant 0 : i32
      %dma_start3A_178 = tpu.memref_slice %arg2[%squeeze3A_173, %dma_start3A_177] : memref<100000x64xf32, #tpu.memory_space<hbm>> -> memref<1x64xf32, #tpu.memory_space<hbm>>
      %dma_start3A_179 = tpu.memref_squeeze %dma_start3A_178 : memref<1x64xf32, #tpu.memory_space<hbm>> -> memref<64xf32, #tpu.memory_space<hbm>>
      %dma_start3A_180 = arith.constant 64 : i32
      %dma_start3A_181 = tpu.memref_slice %arg12[%add3A_171, %dma_start3A_180] : memref<256x128xf32, #tpu.memory_space<vmem>> -> memref<1x64xf32, #tpu.memory_space<vmem>>
      %dma_start3A_182 = tpu.memref_squeeze %dma_start3A_181 : memref<1x64xf32, #tpu.memory_space<vmem>> -> memref<64xf32, #tpu.memory_space<vmem>>
      %dma_start3A_183 = arith.constant 0 : i32
      %dma_start3A_184 = tpu.memref_slice %arg2[%squeeze3A_173, %dma_start3A_183] : memref<100000x64xf32, #tpu.memory_space<hbm>> -> memref<1x64xf32, #tpu.memory_space<hbm>>
      %dma_start3A_185 = tpu.memref_squeeze %dma_start3A_184 : memref<1x64xf32, #tpu.memory_space<hbm>> -> memref<64xf32, #tpu.memory_space<hbm>>
      tpu.enqueue_dma source(%dma_start3A_185 : memref<64xf32, #tpu.memory_space<hbm>>) target(%dma_start3A_182 : memref<64xf32, #tpu.memory_space<vmem>>) target_semaphore(%arg14 : memref<!tpu.dma_semaphore, #tpu.memory_space<semaphore_mem>>)
      %slice3A_186 = vector.extract_strided_slice %get3A_44 {offsets = [4], sizes = [1], strides = [1]} : vector<16xi32> to vector<1xi32>
      %squeeze3A_187 = vector.extract %slice3A_186[0] : i32 from vector<1xi32>
      %slice3A_188 = vector.extract_strided_slice %get3A_41 {offsets = [4], sizes = [1], strides = [1]} : vector<16xi32> to vector<1xi32>
      %squeeze3A_189 = vector.extract %slice3A_188[0] : i32 from vector<1xi32>
      %dma_start3A_190 = arith.constant 64 : i32
      %dma_start3A_191 = tpu.memref_slice %arg13[%add3A_171, %dma_start3A_190] : memref<256x128xf32, #tpu.memory_space<vmem>> -> memref<1x64xf32, #tpu.memory_space<vmem>>
      %dma_start3A_192 = tpu.memref_squeeze %dma_start3A_191 : memref<1x64xf32, #tpu.memory_space<vmem>> -> memref<64xf32, #tpu.memory_space<vmem>>
      %dma_start3A_193 = arith.constant 0 : i32
      %dma_start3A_194 = tpu.memref_slice %arg3[%squeeze3A_187, %squeeze3A_189, %dma_start3A_193] : memref<10x100000x64xf32, #tpu.memory_space<hbm>> -> memref<1x1x64xf32, #tpu.memory_space<hbm>>
      %dma_start3A_195 = tpu.memref_squeeze %dma_start3A_194 : memref<1x1x64xf32, #tpu.memory_space<hbm>> -> memref<64xf32, #tpu.memory_space<hbm>>
      %dma_start3A_196 = arith.constant 64 : i32
      %dma_start3A_197 = tpu.memref_slice %arg13[%add3A_171, %dma_start3A_196] : memref<256x128xf32, #tpu.memory_space<vmem>> -> memref<1x64xf32, #tpu.memory_space<vmem>>
      %dma_start3A_198 = tpu.memref_squeeze %dma_start3A_197 : memref<1x64xf32, #tpu.memory_space<vmem>> -> memref<64xf32, #tpu.memory_space<vmem>>
      %dma_start3A_199 = arith.constant 0 : i32
      %dma_start3A_200 = tpu.memref_slice %arg3[%squeeze3A_187, %squeeze3A_189, %dma_start3A_199] : memref<10x100000x64xf32, #tpu.memory_space<hbm>> -> memref<1x1x64xf32, #tpu.memory_space<hbm>>
      %dma_start3A_201 = tpu.memref_squeeze %dma_start3A_200 : memref<1x1x64xf32, #tpu.memory_space<hbm>> -> memref<64xf32, #tpu.memory_space<hbm>>
      tpu.enqueue_dma source(%dma_start3A_201 : memref<64xf32, #tpu.memory_space<hbm>>) target(%dma_start3A_198 : memref<64xf32, #tpu.memory_space<vmem>>) target_semaphore(%arg14 : memref<!tpu.dma_semaphore, #tpu.memory_space<semaphore_mem>>)
      %add3A_202 = arith.constant 5 : i32
      %add3A_203 = arith.addi %mul3A_34, %add3A_202 : i32
      %slice3A_204 = vector.extract_strided_slice %get3A_38 {offsets = [5], sizes = [1], strides = [1]} : vector<16xi32> to vector<1xi32>
      %squeeze3A_205 = vector.extract %slice3A_204[0] : i32 from vector<1xi32>
      %dma_start3A_206 = arith.constant 64 : i32
      %dma_start3A_207 = tpu.memref_slice %arg12[%add3A_203, %dma_start3A_206] : memref<256x128xf32, #tpu.memory_space<vmem>> -> memref<1x64xf32, #tpu.memory_space<vmem>>
      %dma_start3A_208 = tpu.memref_squeeze %dma_start3A_207 : memref<1x64xf32, #tpu.memory_space<vmem>> -> memref<64xf32, #tpu.memory_space<vmem>>
      %dma_start3A_209 = arith.constant 0 : i32
      %dma_start3A_210 = tpu.memref_slice %arg2[%squeeze3A_205, %dma_start3A_209] : memref<100000x64xf32, #tpu.memory_space<hbm>> -> memref<1x64xf32, #tpu.memory_space<hbm>>
      %dma_start3A_211 = tpu.memref_squeeze %dma_start3A_210 : memref<1x64xf32, #tpu.memory_space<hbm>> -> memref<64xf32, #tpu.memory_space<hbm>>
      %dma_start3A_212 = arith.constant 64 : i32
      %dma_start3A_213 = tpu.memref_slice %arg12[%add3A_203, %dma_start3A_212] : memref<256x128xf32, #tpu.memory_space<vmem>> -> memref<1x64xf32, #tpu.memory_space<vmem>>
      %dma_start3A_214 = tpu.memref_squeeze %dma_start3A_213 : memref<1x64xf32, #tpu.memory_space<vmem>> -> memref<64xf32, #tpu.memory_space<vmem>>
      %dma_start3A_215 = arith.constant 0 : i32
      %dma_start3A_216 = tpu.memref_slice %arg2[%squeeze3A_205, %dma_start3A_215] : memref<100000x64xf32, #tpu.memory_space<hbm>> -> memref<1x64xf32, #tpu.memory_space<hbm>>
      %dma_start3A_217 = tpu.memref_squeeze %dma_start3A_216 : memref<1x64xf32, #tpu.memory_space<hbm>> -> memref<64xf32, #tpu.memory_space<hbm>>
      tpu.enqueue_dma source(%dma_start3A_217 : memref<64xf32, #tpu.memory_space<hbm>>) target(%dma_start3A_214 : memref<64xf32, #tpu.memory_space<vmem>>) target_semaphore(%arg14 : memref<!tpu.dma_semaphore, #tpu.memory_space<semaphore_mem>>)
      %slice3A_218 = vector.extract_strided_slice %get3A_44 {offsets = [5], sizes = [1], strides = [1]} : vector<16xi32> to vector<1xi32>
      %squeeze3A_219 = vector.extract %slice3A_218[0] : i32 from vector<1xi32>
      %slice3A_220 = vector.extract_strided_slice %get3A_41 {offsets = [5], sizes = [1], strides = [1]} : vector<16xi32> to vector<1xi32>
      %squeeze3A_221 = vector.extract %slice3A_220[0] : i32 from vector<1xi32>
      %dma_start3A_222 = arith.constant 64 : i32
      %dma_start3A_223 = tpu.memref_slice %arg13[%add3A_203, %dma_start3A_222] : memref<256x128xf32, #tpu.memory_space<vmem>> -> memref<1x64xf32, #tpu.memory_space<vmem>>
      %dma_start3A_224 = tpu.memref_squeeze %dma_start3A_223 : memref<1x64xf32, #tpu.memory_space<vmem>> -> memref<64xf32, #tpu.memory_space<vmem>>
      %dma_start3A_225 = arith.constant 0 : i32
      %dma_start3A_226 = tpu.memref_slice %arg3[%squeeze3A_219, %squeeze3A_221, %dma_start3A_225] : memref<10x100000x64xf32, #tpu.memory_space<hbm>> -> memref<1x1x64xf32, #tpu.memory_space<hbm>>
      %dma_start3A_227 = tpu.memref_squeeze %dma_start3A_226 : memref<1x1x64xf32, #tpu.memory_space<hbm>> -> memref<64xf32, #tpu.memory_space<hbm>>
      %dma_start3A_228 = arith.constant 64 : i32
      %dma_start3A_229 = tpu.memref_slice %arg13[%add3A_203, %dma_start3A_228] : memref<256x128xf32, #tpu.memory_space<vmem>> -> memref<1x64xf32, #tpu.memory_space<vmem>>
      %dma_start3A_230 = tpu.memref_squeeze %dma_start3A_229 : memref<1x64xf32, #tpu.memory_space<vmem>> -> memref<64xf32, #tpu.memory_space<vmem>>
      %dma_start3A_231 = arith.constant 0 : i32
      %dma_start3A_232 = tpu.memref_slice %arg3[%squeeze3A_219, %squeeze3A_221, %dma_start3A_231] : memref<10x100000x64xf32, #tpu.memory_space<hbm>> -> memref<1x1x64xf32, #tpu.memory_space<hbm>>
      %dma_start3A_233 = tpu.memref_squeeze %dma_start3A_232 : memref<1x1x64xf32, #tpu.memory_space<hbm>> -> memref<64xf32, #tpu.memory_space<hbm>>
      tpu.enqueue_dma source(%dma_start3A_233 : memref<64xf32, #tpu.memory_space<hbm>>) target(%dma_start3A_230 : memref<64xf32, #tpu.memory_space<vmem>>) target_semaphore(%arg14 : memref<!tpu.dma_semaphore, #tpu.memory_space<semaphore_mem>>)
      %add3A_234 = arith.constant 6 : i32
      %add3A_235 = arith.addi %mul3A_34, %add3A_234 : i32
      %slice3A_236 = vector.extract_strided_slice %get3A_38 {offsets = [6], sizes = [1], strides = [1]} : vector<16xi32> to vector<1xi32>
      %squeeze3A_237 = vector.extract %slice3A_236[0] : i32 from vector<1xi32>
      %dma_start3A_238 = arith.constant 64 : i32
      %dma_start3A_239 = tpu.memref_slice %arg12[%add3A_235, %dma_start3A_238] : memref<256x128xf32, #tpu.memory_space<vmem>> -> memref<1x64xf32, #tpu.memory_space<vmem>>
      %dma_start3A_240 = tpu.memref_squeeze %dma_start3A_239 : memref<1x64xf32, #tpu.memory_space<vmem>> -> memref<64xf32, #tpu.memory_space<vmem>>
      %dma_start3A_241 = arith.constant 0 : i32
      %dma_start3A_242 = tpu.memref_slice %arg2[%squeeze3A_237, %dma_start3A_241] : memref<100000x64xf32, #tpu.memory_space<hbm>> -> memref<1x64xf32, #tpu.memory_space<hbm>>
      %dma_start3A_243 = tpu.memref_squeeze %dma_start3A_242 : memref<1x64xf32, #tpu.memory_space<hbm>> -> memref<64xf32, #tpu.memory_space<hbm>>
      %dma_start3A_244 = arith.constant 64 : i32
      %dma_start3A_245 = tpu.memref_slice %arg12[%add3A_235, %dma_start3A_244] : memref<256x128xf32, #tpu.memory_space<vmem>> -> memref<1x64xf32, #tpu.memory_space<vmem>>
      %dma_start3A_246 = tpu.memref_squeeze %dma_start3A_245 : memref<1x64xf32, #tpu.memory_space<vmem>> -> memref<64xf32, #tpu.memory_space<vmem>>
      %dma_start3A_247 = arith.constant 0 : i32
      %dma_start3A_248 = tpu.memref_slice %arg2[%squeeze3A_237, %dma_start3A_247] : memref<100000x64xf32, #tpu.memory_space<hbm>> -> memref<1x64xf32, #tpu.memory_space<hbm>>
      %dma_start3A_249 = tpu.memref_squeeze %dma_start3A_248 : memref<1x64xf32, #tpu.memory_space<hbm>> -> memref<64xf32, #tpu.memory_space<hbm>>
      tpu.enqueue_dma source(%dma_start3A_249 : memref<64xf32, #tpu.memory_space<hbm>>) target(%dma_start3A_246 : memref<64xf32, #tpu.memory_space<vmem>>) target_semaphore(%arg14 : memref<!tpu.dma_semaphore, #tpu.memory_space<semaphore_mem>>)
      %slice3A_250 = vector.extract_strided_slice %get3A_44 {offsets = [6], sizes = [1], strides = [1]} : vector<16xi32> to vector<1xi32>
      %squeeze3A_251 = vector.extract %slice3A_250[0] : i32 from vector<1xi32>
      %slice3A_252 = vector.extract_strided_slice %get3A_41 {offsets = [6], sizes = [1], strides = [1]} : vector<16xi32> to vector<1xi32>
      %squeeze3A_253 = vector.extract %slice3A_252[0] : i32 from vector<1xi32>
      %dma_start3A_254 = arith.constant 64 : i32
      %dma_start3A_255 = tpu.memref_slice %arg13[%add3A_235, %dma_start3A_254] : memref<256x128xf32, #tpu.memory_space<vmem>> -> memref<1x64xf32, #tpu.memory_space<vmem>>
      %dma_start3A_256 = tpu.memref_squeeze %dma_start3A_255 : memref<1x64xf32, #tpu.memory_space<vmem>> -> memref<64xf32, #tpu.memory_space<vmem>>
      %dma_start3A_257 = arith.constant 0 : i32
      %dma_start3A_258 = tpu.memref_slice %arg3[%squeeze3A_251, %squeeze3A_253, %dma_start3A_257] : memref<10x100000x64xf32, #tpu.memory_space<hbm>> -> memref<1x1x64xf32, #tpu.memory_space<hbm>>
      %dma_start3A_259 = tpu.memref_squeeze %dma_start3A_258 : memref<1x1x64xf32, #tpu.memory_space<hbm>> -> memref<64xf32, #tpu.memory_space<hbm>>
      %dma_start3A_260 = arith.constant 64 : i32
      %dma_start3A_261 = tpu.memref_slice %arg13[%add3A_235, %dma_start3A_260] : memref<256x128xf32, #tpu.memory_space<vmem>> -> memref<1x64xf32, #tpu.memory_space<vmem>>
      %dma_start3A_262 = tpu.memref_squeeze %dma_start3A_261 : memref<1x64xf32, #tpu.memory_space<vmem>> -> memref<64xf32, #tpu.memory_space<vmem>>
      %dma_start3A_263 = arith.constant 0 : i32
      %dma_start3A_264 = tpu.memref_slice %arg3[%squeeze3A_251, %squeeze3A_253, %dma_start3A_263] : memref<10x100000x64xf32, #tpu.memory_space<hbm>> -> memref<1x1x64xf32, #tpu.memory_space<hbm>>
      %dma_start3A_265 = tpu.memref_squeeze %dma_start3A_264 : memref<1x1x64xf32, #tpu.memory_space<hbm>> -> memref<64xf32, #tpu.memory_space<hbm>>
      tpu.enqueue_dma source(%dma_start3A_265 : memref<64xf32, #tpu.memory_space<hbm>>) target(%dma_start3A_262 : memref<64xf32, #tpu.memory_space<vmem>>) target_semaphore(%arg14 : memref<!tpu.dma_semaphore, #tpu.memory_space<semaphore_mem>>)
      %add3A_266 = arith.constant 7 : i32
      %add3A_267 = arith.addi %mul3A_34, %add3A_266 : i32
      %slice3A_268 = vector.extract_strided_slice %get3A_38 {offsets = [7], sizes = [1], strides = [1]} : vector<16xi32> to vector<1xi32>
      %squeeze3A_269 = vector.extract %slice3A_268[0] : i32 from vector<1xi32>
      %dma_start3A_270 = arith.constant 64 : i32
      %dma_start3A_271 = tpu.memref_slice %arg12[%add3A_267, %dma_start3A_270] : memref<256x128xf32, #tpu.memory_space<vmem>> -> memref<1x64xf32, #tpu.memory_space<vmem>>
      %dma_start3A_272 = tpu.memref_squeeze %dma_start3A_271 : memref<1x64xf32, #tpu.memory_space<vmem>> -> memref<64xf32, #tpu.memory_space<vmem>>
      %dma_start3A_273 = arith.constant 0 : i32
      %dma_start3A_274 = tpu.memref_slice %arg2[%squeeze3A_269, %dma_start3A_273] : memref<100000x64xf32, #tpu.memory_space<hbm>> -> memref<1x64xf32, #tpu.memory_space<hbm>>
      %dma_start3A_275 = tpu.memref_squeeze %dma_start3A_274 : memref<1x64xf32, #tpu.memory_space<hbm>> -> memref<64xf32, #tpu.memory_space<hbm>>
      %dma_start3A_276 = arith.constant 64 : i32
      %dma_start3A_277 = tpu.memref_slice %arg12[%add3A_267, %dma_start3A_276] : memref<256x128xf32, #tpu.memory_space<vmem>> -> memref<1x64xf32, #tpu.memory_space<vmem>>
      %dma_start3A_278 = tpu.memref_squeeze %dma_start3A_277 : memref<1x64xf32, #tpu.memory_space<vmem>> -> memref<64xf32, #tpu.memory_space<vmem>>
      %dma_start3A_279 = arith.constant 0 : i32
      %dma_start3A_280 = tpu.memref_slice %arg2[%squeeze3A_269, %dma_start3A_279] : memref<100000x64xf32, #tpu.memory_space<hbm>> -> memref<1x64xf32, #tpu.memory_space<hbm>>
      %dma_start3A_281 = tpu.memref_squeeze %dma_start3A_280 : memref<1x64xf32, #tpu.memory_space<hbm>> -> memref<64xf32, #tpu.memory_space<hbm>>
      tpu.enqueue_dma source(%dma_start3A_281 : memref<64xf32, #tpu.memory_space<hbm>>) target(%dma_start3A_278 : memref<64xf32, #tpu.memory_space<vmem>>) target_semaphore(%arg14 : memref<!tpu.dma_semaphore, #tpu.memory_space<semaphore_mem>>)
      %slice3A_282 = vector.extract_strided_slice %get3A_44 {offsets = [7], sizes = [1], strides = [1]} : vector<16xi32> to vector<1xi32>
      %squeeze3A_283 = vector.extract %slice3A_282[0] : i32 from vector<1xi32>
      %slice3A_284 = vector.extract_strided_slice %get3A_41 {offsets = [7], sizes = [1], strides = [1]} : vector<16xi32> to vector<1xi32>
      %squeeze3A_285 = vector.extract %slice3A_284[0] : i32 from vector<1xi32>
      %dma_start3A_286 = arith.constant 64 : i32
      %dma_start3A_287 = tpu.memref_slice %arg13[%add3A_267, %dma_start3A_286] : memref<256x128xf32, #tpu.memory_space<vmem>> -> memref<1x64xf32, #tpu.memory_space<vmem>>
      %dma_start3A_288 = tpu.memref_squeeze %dma_start3A_287 : memref<1x64xf32, #tpu.memory_space<vmem>> -> memref<64xf32, #tpu.memory_space<vmem>>
      %dma_start3A_289 = arith.constant 0 : i32
      %dma_start3A_290 = tpu.memref_slice %arg3[%squeeze3A_283, %squeeze3A_285, %dma_start3A_289] : memref<10x100000x64xf32, #tpu.memory_space<hbm>> -> memref<1x1x64xf32, #tpu.memory_space<hbm>>
      %dma_start3A_291 = tpu.memref_squeeze %dma_start3A_290 : memref<1x1x64xf32, #tpu.memory_space<hbm>> -> memref<64xf32, #tpu.memory_space<hbm>>
      %dma_start3A_292 = arith.constant 64 : i32
      %dma_start3A_293 = tpu.memref_slice %arg13[%add3A_267, %dma_start3A_292] : memref<256x128xf32, #tpu.memory_space<vmem>> -> memref<1x64xf32, #tpu.memory_space<vmem>>
      %dma_start3A_294 = tpu.memref_squeeze %dma_start3A_293 : memref<1x64xf32, #tpu.memory_space<vmem>> -> memref<64xf32, #tpu.memory_space<vmem>>
      %dma_start3A_295 = arith.constant 0 : i32
      %dma_start3A_296 = tpu.memref_slice %arg3[%squeeze3A_283, %squeeze3A_285, %dma_start3A_295] : memref<10x100000x64xf32, #tpu.memory_space<hbm>> -> memref<1x1x64xf32, #tpu.memory_space<hbm>>
      %dma_start3A_297 = tpu.memref_squeeze %dma_start3A_296 : memref<1x1x64xf32, #tpu.memory_space<hbm>> -> memref<64xf32, #tpu.memory_space<hbm>>
      tpu.enqueue_dma source(%dma_start3A_297 : memref<64xf32, #tpu.memory_space<hbm>>) target(%dma_start3A_294 : memref<64xf32, #tpu.memory_space<vmem>>) target_semaphore(%arg14 : memref<!tpu.dma_semaphore, #tpu.memory_space<semaphore_mem>>)
      %add3A_298 = arith.constant 8 : i32
      %add3A_299 = arith.addi %mul3A_34, %add3A_298 : i32
      %slice3A_300 = vector.extract_strided_slice %get3A_38 {offsets = [8], sizes = [1], strides = [1]} : vector<16xi32> to vector<1xi32>
      %squeeze3A_301 = vector.extract %slice3A_300[0] : i32 from vector<1xi32>
      %dma_start3A_302 = arith.constant 64 : i32
      %dma_start3A_303 = tpu.memref_slice %arg12[%add3A_299, %dma_start3A_302] : memref<256x128xf32, #tpu.memory_space<vmem>> -> memref<1x64xf32, #tpu.memory_space<vmem>>
      %dma_start3A_304 = tpu.memref_squeeze %dma_start3A_303 : memref<1x64xf32, #tpu.memory_space<vmem>> -> memref<64xf32, #tpu.memory_space<vmem>>
      %dma_start3A_305 = arith.constant 0 : i32
      %dma_start3A_306 = tpu.memref_slice %arg2[%squeeze3A_301, %dma_start3A_305] : memref<100000x64xf32, #tpu.memory_space<hbm>> -> memref<1x64xf32, #tpu.memory_space<hbm>>
      %dma_start3A_307 = tpu.memref_squeeze %dma_start3A_306 : memref<1x64xf32, #tpu.memory_space<hbm>> -> memref<64xf32, #tpu.memory_space<hbm>>
      %dma_start3A_308 = arith.constant 64 : i32
      %dma_start3A_309 = tpu.memref_slice %arg12[%add3A_299, %dma_start3A_308] : memref<256x128xf32, #tpu.memory_space<vmem>> -> memref<1x64xf32, #tpu.memory_space<vmem>>
      %dma_start3A_310 = tpu.memref_squeeze %dma_start3A_309 : memref<1x64xf32, #tpu.memory_space<vmem>> -> memref<64xf32, #tpu.memory_space<vmem>>
      %dma_start3A_311 = arith.constant 0 : i32
      %dma_start3A_312 = tpu.memref_slice %arg2[%squeeze3A_301, %dma_start3A_311] : memref<100000x64xf32, #tpu.memory_space<hbm>> -> memref<1x64xf32, #tpu.memory_space<hbm>>
      %dma_start3A_313 = tpu.memref_squeeze %dma_start3A_312 : memref<1x64xf32, #tpu.memory_space<hbm>> -> memref<64xf32, #tpu.memory_space<hbm>>
      tpu.enqueue_dma source(%dma_start3A_313 : memref<64xf32, #tpu.memory_space<hbm>>) target(%dma_start3A_310 : memref<64xf32, #tpu.memory_space<vmem>>) target_semaphore(%arg14 : memref<!tpu.dma_semaphore, #tpu.memory_space<semaphore_mem>>)
      %slice3A_314 = vector.extract_strided_slice %get3A_44 {offsets = [8], sizes = [1], strides = [1]} : vector<16xi32> to vector<1xi32>
      %squeeze3A_315 = vector.extract %slice3A_314[0] : i32 from vector<1xi32>
      %slice3A_316 = vector.extract_strided_slice %get3A_41 {offsets = [8], sizes = [1], strides = [1]} : vector<16xi32> to vector<1xi32>
      %squeeze3A_317 = vector.extract %slice3A_316[0] : i32 from vector<1xi32>
      %dma_start3A_318 = arith.constant 64 : i32
      %dma_start3A_319 = tpu.memref_slice %arg13[%add3A_299, %dma_start3A_318] : memref<256x128xf32, #tpu.memory_space<vmem>> -> memref<1x64xf32, #tpu.memory_space<vmem>>
      %dma_start3A_320 = tpu.memref_squeeze %dma_start3A_319 : memref<1x64xf32, #tpu.memory_space<vmem>> -> memref<64xf32, #tpu.memory_space<vmem>>
      %dma_start3A_321 = arith.constant 0 : i32
      %dma_start3A_322 = tpu.memref_slice %arg3[%squeeze3A_315, %squeeze3A_317, %dma_start3A_321] : memref<10x100000x64xf32, #tpu.memory_space<hbm>> -> memref<1x1x64xf32, #tpu.memory_space<hbm>>
      %dma_start3A_323 = tpu.memref_squeeze %dma_start3A_322 : memref<1x1x64xf32, #tpu.memory_space<hbm>> -> memref<64xf32, #tpu.memory_space<hbm>>
      %dma_start3A_324 = arith.constant 64 : i32
      %dma_start3A_325 = tpu.memref_slice %arg13[%add3A_299, %dma_start3A_324] : memref<256x128xf32, #tpu.memory_space<vmem>> -> memref<1x64xf32, #tpu.memory_space<vmem>>
      %dma_start3A_326 = tpu.memref_squeeze %dma_start3A_325 : memref<1x64xf32, #tpu.memory_space<vmem>> -> memref<64xf32, #tpu.memory_space<vmem>>
      %dma_start3A_327 = arith.constant 0 : i32
      %dma_start3A_328 = tpu.memref_slice %arg3[%squeeze3A_315, %squeeze3A_317, %dma_start3A_327] : memref<10x100000x64xf32, #tpu.memory_space<hbm>> -> memref<1x1x64xf32, #tpu.memory_space<hbm>>
      %dma_start3A_329 = tpu.memref_squeeze %dma_start3A_328 : memref<1x1x64xf32, #tpu.memory_space<hbm>> -> memref<64xf32, #tpu.memory_space<hbm>>
      tpu.enqueue_dma source(%dma_start3A_329 : memref<64xf32, #tpu.memory_space<hbm>>) target(%dma_start3A_326 : memref<64xf32, #tpu.memory_space<vmem>>) target_semaphore(%arg14 : memref<!tpu.dma_semaphore, #tpu.memory_space<semaphore_mem>>)
      %add3A_330 = arith.constant 9 : i32
      %add3A_331 = arith.addi %mul3A_34, %add3A_330 : i32
      %slice3A_332 = vector.extract_strided_slice %get3A_38 {offsets = [9], sizes = [1], strides = [1]} : vector<16xi32> to vector<1xi32>
      %squeeze3A_333 = vector.extract %slice3A_332[0] : i32 from vector<1xi32>
      %dma_start3A_334 = arith.constant 64 : i32
      %dma_start3A_335 = tpu.memref_slice %arg12[%add3A_331, %dma_start3A_334] : memref<256x128xf32, #tpu.memory_space<vmem>> -> memref<1x64xf32, #tpu.memory_space<vmem>>
      %dma_start3A_336 = tpu.memref_squeeze %dma_start3A_335 : memref<1x64xf32, #tpu.memory_space<vmem>> -> memref<64xf32, #tpu.memory_space<vmem>>
      %dma_start3A_337 = arith.constant 0 : i32
      %dma_start3A_338 = tpu.memref_slice %arg2[%squeeze3A_333, %dma_start3A_337] : memref<100000x64xf32, #tpu.memory_space<hbm>> -> memref<1x64xf32, #tpu.memory_space<hbm>>
      %dma_start3A_339 = tpu.memref_squeeze %dma_start3A_338 : memref<1x64xf32, #tpu.memory_space<hbm>> -> memref<64xf32, #tpu.memory_space<hbm>>
      %dma_start3A_340 = arith.constant 64 : i32
      %dma_start3A_341 = tpu.memref_slice %arg12[%add3A_331, %dma_start3A_340] : memref<256x128xf32, #tpu.memory_space<vmem>> -> memref<1x64xf32, #tpu.memory_space<vmem>>
      %dma_start3A_342 = tpu.memref_squeeze %dma_start3A_341 : memref<1x64xf32, #tpu.memory_space<vmem>> -> memref<64xf32, #tpu.memory_space<vmem>>
      %dma_start3A_343 = arith.constant 0 : i32
      %dma_start3A_344 = tpu.memref_slice %arg2[%squeeze3A_333, %dma_start3A_343] : memref<100000x64xf32, #tpu.memory_space<hbm>> -> memref<1x64xf32, #tpu.memory_space<hbm>>
      %dma_start3A_345 = tpu.memref_squeeze %dma_start3A_344 : memref<1x64xf32, #tpu.memory_space<hbm>> -> memref<64xf32, #tpu.memory_space<hbm>>
      tpu.enqueue_dma source(%dma_start3A_345 : memref<64xf32, #tpu.memory_space<hbm>>) target(%dma_start3A_342 : memref<64xf32, #tpu.memory_space<vmem>>) target_semaphore(%arg14 : memref<!tpu.dma_semaphore, #tpu.memory_space<semaphore_mem>>)
      %slice3A_346 = vector.extract_strided_slice %get3A_44 {offsets = [9], sizes = [1], strides = [1]} : vector<16xi32> to vector<1xi32>
      %squeeze3A_347 = vector.extract %slice3A_346[0] : i32 from vector<1xi32>
      %slice3A_348 = vector.extract_strided_slice %get3A_41 {offsets = [9], sizes = [1], strides = [1]} : vector<16xi32> to vector<1xi32>
      %squeeze3A_349 = vector.extract %slice3A_348[0] : i32 from vector<1xi32>
      %dma_start3A_350 = arith.constant 64 : i32
      %dma_start3A_351 = tpu.memref_slice %arg13[%add3A_331, %dma_start3A_350] : memref<256x128xf32, #tpu.memory_space<vmem>> -> memref<1x64xf32, #tpu.memory_space<vmem>>
      %dma_start3A_352 = tpu.memref_squeeze %dma_start3A_351 : memref<1x64xf32, #tpu.memory_space<vmem>> -> memref<64xf32, #tpu.memory_space<vmem>>
      %dma_start3A_353 = arith.constant 0 : i32
      %dma_start3A_354 = tpu.memref_slice %arg3[%squeeze3A_347, %squeeze3A_349, %dma_start3A_353] : memref<10x100000x64xf32, #tpu.memory_space<hbm>> -> memref<1x1x64xf32, #tpu.memory_space<hbm>>
      %dma_start3A_355 = tpu.memref_squeeze %dma_start3A_354 : memref<1x1x64xf32, #tpu.memory_space<hbm>> -> memref<64xf32, #tpu.memory_space<hbm>>
      %dma_start3A_356 = arith.constant 64 : i32
      %dma_start3A_357 = tpu.memref_slice %arg13[%add3A_331, %dma_start3A_356] : memref<256x128xf32, #tpu.memory_space<vmem>> -> memref<1x64xf32, #tpu.memory_space<vmem>>
      %dma_start3A_358 = tpu.memref_squeeze %dma_start3A_357 : memref<1x64xf32, #tpu.memory_space<vmem>> -> memref<64xf32, #tpu.memory_space<vmem>>
      %dma_start3A_359 = arith.constant 0 : i32
      %dma_start3A_360 = tpu.memref_slice %arg3[%squeeze3A_347, %squeeze3A_349, %dma_start3A_359] : memref<10x100000x64xf32, #tpu.memory_space<hbm>> -> memref<1x1x64xf32, #tpu.memory_space<hbm>>
      %dma_start3A_361 = tpu.memref_squeeze %dma_start3A_360 : memref<1x1x64xf32, #tpu.memory_space<hbm>> -> memref<64xf32, #tpu.memory_space<hbm>>
      tpu.enqueue_dma source(%dma_start3A_361 : memref<64xf32, #tpu.memory_space<hbm>>) target(%dma_start3A_358 : memref<64xf32, #tpu.memory_space<vmem>>) target_semaphore(%arg14 : memref<!tpu.dma_semaphore, #tpu.memory_space<semaphore_mem>>)
      %add3A_362 = arith.constant 10 : i32
      %add3A_363 = arith.addi %mul3A_34, %add3A_362 : i32
      %slice3A_364 = vector.extract_strided_slice %get3A_38 {offsets = [10], sizes = [1], strides = [1]} : vector<16xi32> to vector<1xi32>
      %squeeze3A_365 = vector.extract %slice3A_364[0] : i32 from vector<1xi32>
      %dma_start3A_366 = arith.constant 64 : i32
      %dma_start3A_367 = tpu.memref_slice %arg12[%add3A_363, %dma_start3A_366] : memref<256x128xf32, #tpu.memory_space<vmem>> -> memref<1x64xf32, #tpu.memory_space<vmem>>
      %dma_start3A_368 = tpu.memref_squeeze %dma_start3A_367 : memref<1x64xf32, #tpu.memory_space<vmem>> -> memref<64xf32, #tpu.memory_space<vmem>>
      %dma_start3A_369 = arith.constant 0 : i32
      %dma_start3A_370 = tpu.memref_slice %arg2[%squeeze3A_365, %dma_start3A_369] : memref<100000x64xf32, #tpu.memory_space<hbm>> -> memref<1x64xf32, #tpu.memory_space<hbm>>
      %dma_start3A_371 = tpu.memref_squeeze %dma_start3A_370 : memref<1x64xf32, #tpu.memory_space<hbm>> -> memref<64xf32, #tpu.memory_space<hbm>>
      %dma_start3A_372 = arith.constant 64 : i32
      %dma_start3A_373 = tpu.memref_slice %arg12[%add3A_363, %dma_start3A_372] : memref<256x128xf32, #tpu.memory_space<vmem>> -> memref<1x64xf32, #tpu.memory_space<vmem>>
      %dma_start3A_374 = tpu.memref_squeeze %dma_start3A_373 : memref<1x64xf32, #tpu.memory_space<vmem>> -> memref<64xf32, #tpu.memory_space<vmem>>
      %dma_start3A_375 = arith.constant 0 : i32
      %dma_start3A_376 = tpu.memref_slice %arg2[%squeeze3A_365, %dma_start3A_375] : memref<100000x64xf32, #tpu.memory_space<hbm>> -> memref<1x64xf32, #tpu.memory_space<hbm>>
      %dma_start3A_377 = tpu.memref_squeeze %dma_start3A_376 : memref<1x64xf32, #tpu.memory_space<hbm>> -> memref<64xf32, #tpu.memory_space<hbm>>
      tpu.enqueue_dma source(%dma_start3A_377 : memref<64xf32, #tpu.memory_space<hbm>>) target(%dma_start3A_374 : memref<64xf32, #tpu.memory_space<vmem>>) target_semaphore(%arg14 : memref<!tpu.dma_semaphore, #tpu.memory_space<semaphore_mem>>)
      %slice3A_378 = vector.extract_strided_slice %get3A_44 {offsets = [10], sizes = [1], strides = [1]} : vector<16xi32> to vector<1xi32>
      %squeeze3A_379 = vector.extract %slice3A_378[0] : i32 from vector<1xi32>
      %slice3A_380 = vector.extract_strided_slice %get3A_41 {offsets = [10], sizes = [1], strides = [1]} : vector<16xi32> to vector<1xi32>
      %squeeze3A_381 = vector.extract %slice3A_380[0] : i32 from vector<1xi32>
      %dma_start3A_382 = arith.constant 64 : i32
      %dma_start3A_383 = tpu.memref_slice %arg13[%add3A_363, %dma_start3A_382] : memref<256x128xf32, #tpu.memory_space<vmem>> -> memref<1x64xf32, #tpu.memory_space<vmem>>
      %dma_start3A_384 = tpu.memref_squeeze %dma_start3A_383 : memref<1x64xf32, #tpu.memory_space<vmem>> -> memref<64xf32, #tpu.memory_space<vmem>>
      %dma_start3A_385 = arith.constant 0 : i32
      %dma_start3A_386 = tpu.memref_slice %arg3[%squeeze3A_379, %squeeze3A_381, %dma_start3A_385] : memref<10x100000x64xf32, #tpu.memory_space<hbm>> -> memref<1x1x64xf32, #tpu.memory_space<hbm>>
      %dma_start3A_387 = tpu.memref_squeeze %dma_start3A_386 : memref<1x1x64xf32, #tpu.memory_space<hbm>> -> memref<64xf32, #tpu.memory_space<hbm>>
      %dma_start3A_388 = arith.constant 64 : i32
      %dma_start3A_389 = tpu.memref_slice %arg13[%add3A_363, %dma_start3A_388] : memref<256x128xf32, #tpu.memory_space<vmem>> -> memref<1x64xf32, #tpu.memory_space<vmem>>
      %dma_start3A_390 = tpu.memref_squeeze %dma_start3A_389 : memref<1x64xf32, #tpu.memory_space<vmem>> -> memref<64xf32, #tpu.memory_space<vmem>>
      %dma_start3A_391 = arith.constant 0 : i32
      %dma_start3A_392 = tpu.memref_slice %arg3[%squeeze3A_379, %squeeze3A_381, %dma_start3A_391] : memref<10x100000x64xf32, #tpu.memory_space<hbm>> -> memref<1x1x64xf32, #tpu.memory_space<hbm>>
      %dma_start3A_393 = tpu.memref_squeeze %dma_start3A_392 : memref<1x1x64xf32, #tpu.memory_space<hbm>> -> memref<64xf32, #tpu.memory_space<hbm>>
      tpu.enqueue_dma source(%dma_start3A_393 : memref<64xf32, #tpu.memory_space<hbm>>) target(%dma_start3A_390 : memref<64xf32, #tpu.memory_space<vmem>>) target_semaphore(%arg14 : memref<!tpu.dma_semaphore, #tpu.memory_space<semaphore_mem>>)
      %add3A_394 = arith.constant 11 : i32
      %add3A_395 = arith.addi %mul3A_34, %add3A_394 : i32
      %slice3A_396 = vector.extract_strided_slice %get3A_38 {offsets = [11], sizes = [1], strides = [1]} : vector<16xi32> to vector<1xi32>
      %squeeze3A_397 = vector.extract %slice3A_396[0] : i32 from vector<1xi32>
      %dma_start3A_398 = arith.constant 64 : i32
      %dma_start3A_399 = tpu.memref_slice %arg12[%add3A_395, %dma_start3A_398] : memref<256x128xf32, #tpu.memory_space<vmem>> -> memref<1x64xf32, #tpu.memory_space<vmem>>
      %dma_start3A_400 = tpu.memref_squeeze %dma_start3A_399 : memref<1x64xf32, #tpu.memory_space<vmem>> -> memref<64xf32, #tpu.memory_space<vmem>>
      %dma_start3A_401 = arith.constant 0 : i32
      %dma_start3A_402 = tpu.memref_slice %arg2[%squeeze3A_397, %dma_start3A_401] : memref<100000x64xf32, #tpu.memory_space<hbm>> -> memref<1x64xf32, #tpu.memory_space<hbm>>
      %dma_start3A_403 = tpu.memref_squeeze %dma_start3A_402 : memref<1x64xf32, #tpu.memory_space<hbm>> -> memref<64xf32, #tpu.memory_space<hbm>>
      %dma_start3A_404 = arith.constant 64 : i32
      %dma_start3A_405 = tpu.memref_slice %arg12[%add3A_395, %dma_start3A_404] : memref<256x128xf32, #tpu.memory_space<vmem>> -> memref<1x64xf32, #tpu.memory_space<vmem>>
      %dma_start3A_406 = tpu.memref_squeeze %dma_start3A_405 : memref<1x64xf32, #tpu.memory_space<vmem>> -> memref<64xf32, #tpu.memory_space<vmem>>
      %dma_start3A_407 = arith.constant 0 : i32
      %dma_start3A_408 = tpu.memref_slice %arg2[%squeeze3A_397, %dma_start3A_407] : memref<100000x64xf32, #tpu.memory_space<hbm>> -> memref<1x64xf32, #tpu.memory_space<hbm>>
      %dma_start3A_409 = tpu.memref_squeeze %dma_start3A_408 : memref<1x64xf32, #tpu.memory_space<hbm>> -> memref<64xf32, #tpu.memory_space<hbm>>
      tpu.enqueue_dma source(%dma_start3A_409 : memref<64xf32, #tpu.memory_space<hbm>>) target(%dma_start3A_406 : memref<64xf32, #tpu.memory_space<vmem>>) target_semaphore(%arg14 : memref<!tpu.dma_semaphore, #tpu.memory_space<semaphore_mem>>)
      %slice3A_410 = vector.extract_strided_slice %get3A_44 {offsets = [11], sizes = [1], strides = [1]} : vector<16xi32> to vector<1xi32>
      %squeeze3A_411 = vector.extract %slice3A_410[0] : i32 from vector<1xi32>
      %slice3A_412 = vector.extract_strided_slice %get3A_41 {offsets = [11], sizes = [1], strides = [1]} : vector<16xi32> to vector<1xi32>
      %squeeze3A_413 = vector.extract %slice3A_412[0] : i32 from vector<1xi32>
      %dma_start3A_414 = arith.constant 64 : i32
      %dma_start3A_415 = tpu.memref_slice %arg13[%add3A_395, %dma_start3A_414] : memref<256x128xf32, #tpu.memory_space<vmem>> -> memref<1x64xf32, #tpu.memory_space<vmem>>
      %dma_start3A_416 = tpu.memref_squeeze %dma_start3A_415 : memref<1x64xf32, #tpu.memory_space<vmem>> -> memref<64xf32, #tpu.memory_space<vmem>>
      %dma_start3A_417 = arith.constant 0 : i32
      %dma_start3A_418 = tpu.memref_slice %arg3[%squeeze3A_411, %squeeze3A_413, %dma_start3A_417] : memref<10x100000x64xf32, #tpu.memory_space<hbm>> -> memref<1x1x64xf32, #tpu.memory_space<hbm>>
      %dma_start3A_419 = tpu.memref_squeeze %dma_start3A_418 : memref<1x1x64xf32, #tpu.memory_space<hbm>> -> memref<64xf32, #tpu.memory_space<hbm>>
      %dma_start3A_420 = arith.constant 64 : i32
      %dma_start3A_421 = tpu.memref_slice %arg13[%add3A_395, %dma_start3A_420] : memref<256x128xf32, #tpu.memory_space<vmem>> -> memref<1x64xf32, #tpu.memory_space<vmem>>
      %dma_start3A_422 = tpu.memref_squeeze %dma_start3A_421 : memref<1x64xf32, #tpu.memory_space<vmem>> -> memref<64xf32, #tpu.memory_space<vmem>>
      %dma_start3A_423 = arith.constant 0 : i32
      %dma_start3A_424 = tpu.memref_slice %arg3[%squeeze3A_411, %squeeze3A_413, %dma_start3A_423] : memref<10x100000x64xf32, #tpu.memory_space<hbm>> -> memref<1x1x64xf32, #tpu.memory_space<hbm>>
      %dma_start3A_425 = tpu.memref_squeeze %dma_start3A_424 : memref<1x1x64xf32, #tpu.memory_space<hbm>> -> memref<64xf32, #tpu.memory_space<hbm>>
      tpu.enqueue_dma source(%dma_start3A_425 : memref<64xf32, #tpu.memory_space<hbm>>) target(%dma_start3A_422 : memref<64xf32, #tpu.memory_space<vmem>>) target_semaphore(%arg14 : memref<!tpu.dma_semaphore, #tpu.memory_space<semaphore_mem>>)
      %add3A_426 = arith.constant 12 : i32
      %add3A_427 = arith.addi %mul3A_34, %add3A_426 : i32
      %slice3A_428 = vector.extract_strided_slice %get3A_38 {offsets = [12], sizes = [1], strides = [1]} : vector<16xi32> to vector<1xi32>
      %squeeze3A_429 = vector.extract %slice3A_428[0] : i32 from vector<1xi32>
      %dma_start3A_430 = arith.constant 64 : i32
      %dma_start3A_431 = tpu.memref_slice %arg12[%add3A_427, %dma_start3A_430] : memref<256x128xf32, #tpu.memory_space<vmem>> -> memref<1x64xf32, #tpu.memory_space<vmem>>
      %dma_start3A_432 = tpu.memref_squeeze %dma_start3A_431 : memref<1x64xf32, #tpu.memory_space<vmem>> -> memref<64xf32, #tpu.memory_space<vmem>>
      %dma_start3A_433 = arith.constant 0 : i32
      %dma_start3A_434 = tpu.memref_slice %arg2[%squeeze3A_429, %dma_start3A_433] : memref<100000x64xf32, #tpu.memory_space<hbm>> -> memref<1x64xf32, #tpu.memory_space<hbm>>
      %dma_start3A_435 = tpu.memref_squeeze %dma_start3A_434 : memref<1x64xf32, #tpu.memory_space<hbm>> -> memref<64xf32, #tpu.memory_space<hbm>>
      %dma_start3A_436 = arith.constant 64 : i32
      %dma_start3A_437 = tpu.memref_slice %arg12[%add3A_427, %dma_start3A_436] : memref<256x128xf32, #tpu.memory_space<vmem>> -> memref<1x64xf32, #tpu.memory_space<vmem>>
      %dma_start3A_438 = tpu.memref_squeeze %dma_start3A_437 : memref<1x64xf32, #tpu.memory_space<vmem>> -> memref<64xf32, #tpu.memory_space<vmem>>
      %dma_start3A_439 = arith.constant 0 : i32
      %dma_start3A_440 = tpu.memref_slice %arg2[%squeeze3A_429, %dma_start3A_439] : memref<100000x64xf32, #tpu.memory_space<hbm>> -> memref<1x64xf32, #tpu.memory_space<hbm>>
      %dma_start3A_441 = tpu.memref_squeeze %dma_start3A_440 : memref<1x64xf32, #tpu.memory_space<hbm>> -> memref<64xf32, #tpu.memory_space<hbm>>
      tpu.enqueue_dma source(%dma_start3A_441 : memref<64xf32, #tpu.memory_space<hbm>>) target(%dma_start3A_438 : memref<64xf32, #tpu.memory_space<vmem>>) target_semaphore(%arg14 : memref<!tpu.dma_semaphore, #tpu.memory_space<semaphore_mem>>)
      %slice3A_442 = vector.extract_strided_slice %get3A_44 {offsets = [12], sizes = [1], strides = [1]} : vector<16xi32> to vector<1xi32>
      %squeeze3A_443 = vector.extract %slice3A_442[0] : i32 from vector<1xi32>
      %slice3A_444 = vector.extract_strided_slice %get3A_41 {offsets = [12], sizes = [1], strides = [1]} : vector<16xi32> to vector<1xi32>
      %squeeze3A_445 = vector.extract %slice3A_444[0] : i32 from vector<1xi32>
      %dma_start3A_446 = arith.constant 64 : i32
      %dma_start3A_447 = tpu.memref_slice %arg13[%add3A_427, %dma_start3A_446] : memref<256x128xf32, #tpu.memory_space<vmem>> -> memref<1x64xf32, #tpu.memory_space<vmem>>
      %dma_start3A_448 = tpu.memref_squeeze %dma_start3A_447 : memref<1x64xf32, #tpu.memory_space<vmem>> -> memref<64xf32, #tpu.memory_space<vmem>>
      %dma_start3A_449 = arith.constant 0 : i32
      %dma_start3A_450 = tpu.memref_slice %arg3[%squeeze3A_443, %squeeze3A_445, %dma_start3A_449] : memref<10x100000x64xf32, #tpu.memory_space<hbm>> -> memref<1x1x64xf32, #tpu.memory_space<hbm>>
      %dma_start3A_451 = tpu.memref_squeeze %dma_start3A_450 : memref<1x1x64xf32, #tpu.memory_space<hbm>> -> memref<64xf32, #tpu.memory_space<hbm>>
      %dma_start3A_452 = arith.constant 64 : i32
      %dma_start3A_453 = tpu.memref_slice %arg13[%add3A_427, %dma_start3A_452] : memref<256x128xf32, #tpu.memory_space<vmem>> -> memref<1x64xf32, #tpu.memory_space<vmem>>
      %dma_start3A_454 = tpu.memref_squeeze %dma_start3A_453 : memref<1x64xf32, #tpu.memory_space<vmem>> -> memref<64xf32, #tpu.memory_space<vmem>>
      %dma_start3A_455 = arith.constant 0 : i32
      %dma_start3A_456 = tpu.memref_slice %arg3[%squeeze3A_443, %squeeze3A_445, %dma_start3A_455] : memref<10x100000x64xf32, #tpu.memory_space<hbm>> -> memref<1x1x64xf32, #tpu.memory_space<hbm>>
      %dma_start3A_457 = tpu.memref_squeeze %dma_start3A_456 : memref<1x1x64xf32, #tpu.memory_space<hbm>> -> memref<64xf32, #tpu.memory_space<hbm>>
      tpu.enqueue_dma source(%dma_start3A_457 : memref<64xf32, #tpu.memory_space<hbm>>) target(%dma_start3A_454 : memref<64xf32, #tpu.memory_space<vmem>>) target_semaphore(%arg14 : memref<!tpu.dma_semaphore, #tpu.memory_space<semaphore_mem>>)
      %add3A_458 = arith.constant 13 : i32
      %add3A_459 = arith.addi %mul3A_34, %add3A_458 : i32
      %slice3A_460 = vector.extract_strided_slice %get3A_38 {offsets = [13], sizes = [1], strides = [1]} : vector<16xi32> to vector<1xi32>
      %squeeze3A_461 = vector.extract %slice3A_460[0] : i32 from vector<1xi32>
      %dma_start3A_462 = arith.constant 64 : i32
      %dma_start3A_463 = tpu.memref_slice %arg12[%add3A_459, %dma_start3A_462] : memref<256x128xf32, #tpu.memory_space<vmem>> -> memref<1x64xf32, #tpu.memory_space<vmem>>
      %dma_start3A_464 = tpu.memref_squeeze %dma_start3A_463 : memref<1x64xf32, #tpu.memory_space<vmem>> -> memref<64xf32, #tpu.memory_space<vmem>>
      %dma_start3A_465 = arith.constant 0 : i32
      %dma_start3A_466 = tpu.memref_slice %arg2[%squeeze3A_461, %dma_start3A_465] : memref<100000x64xf32, #tpu.memory_space<hbm>> -> memref<1x64xf32, #tpu.memory_space<hbm>>
      %dma_start3A_467 = tpu.memref_squeeze %dma_start3A_466 : memref<1x64xf32, #tpu.memory_space<hbm>> -> memref<64xf32, #tpu.memory_space<hbm>>
      %dma_start3A_468 = arith.constant 64 : i32
      %dma_start3A_469 = tpu.memref_slice %arg12[%add3A_459, %dma_start3A_468] : memref<256x128xf32, #tpu.memory_space<vmem>> -> memref<1x64xf32, #tpu.memory_space<vmem>>
      %dma_start3A_470 = tpu.memref_squeeze %dma_start3A_469 : memref<1x64xf32, #tpu.memory_space<vmem>> -> memref<64xf32, #tpu.memory_space<vmem>>
      %dma_start3A_471 = arith.constant 0 : i32
      %dma_start3A_472 = tpu.memref_slice %arg2[%squeeze3A_461, %dma_start3A_471] : memref<100000x64xf32, #tpu.memory_space<hbm>> -> memref<1x64xf32, #tpu.memory_space<hbm>>
      %dma_start3A_473 = tpu.memref_squeeze %dma_start3A_472 : memref<1x64xf32, #tpu.memory_space<hbm>> -> memref<64xf32, #tpu.memory_space<hbm>>
      tpu.enqueue_dma source(%dma_start3A_473 : memref<64xf32, #tpu.memory_space<hbm>>) target(%dma_start3A_470 : memref<64xf32, #tpu.memory_space<vmem>>) target_semaphore(%arg14 : memref<!tpu.dma_semaphore, #tpu.memory_space<semaphore_mem>>)
      %slice3A_474 = vector.extract_strided_slice %get3A_44 {offsets = [13], sizes = [1], strides = [1]} : vector<16xi32> to vector<1xi32>
      %squeeze3A_475 = vector.extract %slice3A_474[0] : i32 from vector<1xi32>
      %slice3A_476 = vector.extract_strided_slice %get3A_41 {offsets = [13], sizes = [1], strides = [1]} : vector<16xi32> to vector<1xi32>
      %squeeze3A_477 = vector.extract %slice3A_476[0] : i32 from vector<1xi32>
      %dma_start3A_478 = arith.constant 64 : i32
      %dma_start3A_479 = tpu.memref_slice %arg13[%add3A_459, %dma_start3A_478] : memref<256x128xf32, #tpu.memory_space<vmem>> -> memref<1x64xf32, #tpu.memory_space<vmem>>
      %dma_start3A_480 = tpu.memref_squeeze %dma_start3A_479 : memref<1x64xf32, #tpu.memory_space<vmem>> -> memref<64xf32, #tpu.memory_space<vmem>>
      %dma_start3A_481 = arith.constant 0 : i32
      %dma_start3A_482 = tpu.memref_slice %arg3[%squeeze3A_475, %squeeze3A_477, %dma_start3A_481] : memref<10x100000x64xf32, #tpu.memory_space<hbm>> -> memref<1x1x64xf32, #tpu.memory_space<hbm>>
      %dma_start3A_483 = tpu.memref_squeeze %dma_start3A_482 : memref<1x1x64xf32, #tpu.memory_space<hbm>> -> memref<64xf32, #tpu.memory_space<hbm>>
      %dma_start3A_484 = arith.constant 64 : i32
      %dma_start3A_485 = tpu.memref_slice %arg13[%add3A_459, %dma_start3A_484] : memref<256x128xf32, #tpu.memory_space<vmem>> -> memref<1x64xf32, #tpu.memory_space<vmem>>
      %dma_start3A_486 = tpu.memref_squeeze %dma_start3A_485 : memref<1x64xf32, #tpu.memory_space<vmem>> -> memref<64xf32, #tpu.memory_space<vmem>>
      %dma_start3A_487 = arith.constant 0 : i32
      %dma_start3A_488 = tpu.memref_slice %arg3[%squeeze3A_475, %squeeze3A_477, %dma_start3A_487] : memref<10x100000x64xf32, #tpu.memory_space<hbm>> -> memref<1x1x64xf32, #tpu.memory_space<hbm>>
      %dma_start3A_489 = tpu.memref_squeeze %dma_start3A_488 : memref<1x1x64xf32, #tpu.memory_space<hbm>> -> memref<64xf32, #tpu.memory_space<hbm>>
      tpu.enqueue_dma source(%dma_start3A_489 : memref<64xf32, #tpu.memory_space<hbm>>) target(%dma_start3A_486 : memref<64xf32, #tpu.memory_space<vmem>>) target_semaphore(%arg14 : memref<!tpu.dma_semaphore, #tpu.memory_space<semaphore_mem>>)
      %add3A_490 = arith.constant 14 : i32
      %add3A_491 = arith.addi %mul3A_34, %add3A_490 : i32
      %slice3A_492 = vector.extract_strided_slice %get3A_38 {offsets = [14], sizes = [1], strides = [1]} : vector<16xi32> to vector<1xi32>
      %squeeze3A_493 = vector.extract %slice3A_492[0] : i32 from vector<1xi32>
      %dma_start3A_494 = arith.constant 64 : i32
      %dma_start3A_495 = tpu.memref_slice %arg12[%add3A_491, %dma_start3A_494] : memref<256x128xf32, #tpu.memory_space<vmem>> -> memref<1x64xf32, #tpu.memory_space<vmem>>
      %dma_start3A_496 = tpu.memref_squeeze %dma_start3A_495 : memref<1x64xf32, #tpu.memory_space<vmem>> -> memref<64xf32, #tpu.memory_space<vmem>>
      %dma_start3A_497 = arith.constant 0 : i32
      %dma_start3A_498 = tpu.memref_slice %arg2[%squeeze3A_493, %dma_start3A_497] : memref<100000x64xf32, #tpu.memory_space<hbm>> -> memref<1x64xf32, #tpu.memory_space<hbm>>
      %dma_start3A_499 = tpu.memref_squeeze %dma_start3A_498 : memref<1x64xf32, #tpu.memory_space<hbm>> -> memref<64xf32, #tpu.memory_space<hbm>>
      %dma_start3A_500 = arith.constant 64 : i32
      %dma_start3A_501 = tpu.memref_slice %arg12[%add3A_491, %dma_start3A_500] : memref<256x128xf32, #tpu.memory_space<vmem>> -> memref<1x64xf32, #tpu.memory_space<vmem>>
      %dma_start3A_502 = tpu.memref_squeeze %dma_start3A_501 : memref<1x64xf32, #tpu.memory_space<vmem>> -> memref<64xf32, #tpu.memory_space<vmem>>
      %dma_start3A_503 = arith.constant 0 : i32
      %dma_start3A_504 = tpu.memref_slice %arg2[%squeeze3A_493, %dma_start3A_503] : memref<100000x64xf32, #tpu.memory_space<hbm>> -> memref<1x64xf32, #tpu.memory_space<hbm>>
      %dma_start3A_505 = tpu.memref_squeeze %dma_start3A_504 : memref<1x64xf32, #tpu.memory_space<hbm>> -> memref<64xf32, #tpu.memory_space<hbm>>
      tpu.enqueue_dma source(%dma_start3A_505 : memref<64xf32, #tpu.memory_space<hbm>>) target(%dma_start3A_502 : memref<64xf32, #tpu.memory_space<vmem>>) target_semaphore(%arg14 : memref<!tpu.dma_semaphore, #tpu.memory_space<semaphore_mem>>)
      %slice3A_506 = vector.extract_strided_slice %get3A_44 {offsets = [14], sizes = [1], strides = [1]} : vector<16xi32> to vector<1xi32>
      %squeeze3A_507 = vector.extract %slice3A_506[0] : i32 from vector<1xi32>
      %slice3A_508 = vector.extract_strided_slice %get3A_41 {offsets = [14], sizes = [1], strides = [1]} : vector<16xi32> to vector<1xi32>
      %squeeze3A_509 = vector.extract %slice3A_508[0] : i32 from vector<1xi32>
      %dma_start3A_510 = arith.constant 64 : i32
      %dma_start3A_511 = tpu.memref_slice %arg13[%add3A_491, %dma_start3A_510] : memref<256x128xf32, #tpu.memory_space<vmem>> -> memref<1x64xf32, #tpu.memory_space<vmem>>
      %dma_start3A_512 = tpu.memref_squeeze %dma_start3A_511 : memref<1x64xf32, #tpu.memory_space<vmem>> -> memref<64xf32, #tpu.memory_space<vmem>>
      %dma_start3A_513 = arith.constant 0 : i32
      %dma_start3A_514 = tpu.memref_slice %arg3[%squeeze3A_507, %squeeze3A_509, %dma_start3A_513] : memref<10x100000x64xf32, #tpu.memory_space<hbm>> -> memref<1x1x64xf32, #tpu.memory_space<hbm>>
      %dma_start3A_515 = tpu.memref_squeeze %dma_start3A_514 : memref<1x1x64xf32, #tpu.memory_space<hbm>> -> memref<64xf32, #tpu.memory_space<hbm>>
      %dma_start3A_516 = arith.constant 64 : i32
      %dma_start3A_517 = tpu.memref_slice %arg13[%add3A_491, %dma_start3A_516] : memref<256x128xf32, #tpu.memory_space<vmem>> -> memref<1x64xf32, #tpu.memory_space<vmem>>
      %dma_start3A_518 = tpu.memref_squeeze %dma_start3A_517 : memref<1x64xf32, #tpu.memory_space<vmem>> -> memref<64xf32, #tpu.memory_space<vmem>>
      %dma_start3A_519 = arith.constant 0 : i32
      %dma_start3A_520 = tpu.memref_slice %arg3[%squeeze3A_507, %squeeze3A_509, %dma_start3A_519] : memref<10x100000x64xf32, #tpu.memory_space<hbm>> -> memref<1x1x64xf32, #tpu.memory_space<hbm>>
      %dma_start3A_521 = tpu.memref_squeeze %dma_start3A_520 : memref<1x1x64xf32, #tpu.memory_space<hbm>> -> memref<64xf32, #tpu.memory_space<hbm>>
      tpu.enqueue_dma source(%dma_start3A_521 : memref<64xf32, #tpu.memory_space<hbm>>) target(%dma_start3A_518 : memref<64xf32, #tpu.memory_space<vmem>>) target_semaphore(%arg14 : memref<!tpu.dma_semaphore, #tpu.memory_space<semaphore_mem>>)
      %add3A_522 = arith.constant 15 : i32
      %add3A_523 = arith.addi %mul3A_34, %add3A_522 : i32
      %slice3A_524 = vector.extract_strided_slice %get3A_38 {offsets = [15], sizes = [1], strides = [1]} : vector<16xi32> to vector<1xi32>
      %squeeze3A_525 = vector.extract %slice3A_524[0] : i32 from vector<1xi32>
      %dma_start3A_526 = arith.constant 64 : i32
      %dma_start3A_527 = tpu.memref_slice %arg12[%add3A_523, %dma_start3A_526] : memref<256x128xf32, #tpu.memory_space<vmem>> -> memref<1x64xf32, #tpu.memory_space<vmem>>
      %dma_start3A_528 = tpu.memref_squeeze %dma_start3A_527 : memref<1x64xf32, #tpu.memory_space<vmem>> -> memref<64xf32, #tpu.memory_space<vmem>>
      %dma_start3A_529 = arith.constant 0 : i32
      %dma_start3A_530 = tpu.memref_slice %arg2[%squeeze3A_525, %dma_start3A_529] : memref<100000x64xf32, #tpu.memory_space<hbm>> -> memref<1x64xf32, #tpu.memory_space<hbm>>
      %dma_start3A_531 = tpu.memref_squeeze %dma_start3A_530 : memref<1x64xf32, #tpu.memory_space<hbm>> -> memref<64xf32, #tpu.memory_space<hbm>>
      %dma_start3A_532 = arith.constant 64 : i32
      %dma_start3A_533 = tpu.memref_slice %arg12[%add3A_523, %dma_start3A_532] : memref<256x128xf32, #tpu.memory_space<vmem>> -> memref<1x64xf32, #tpu.memory_space<vmem>>
      %dma_start3A_534 = tpu.memref_squeeze %dma_start3A_533 : memref<1x64xf32, #tpu.memory_space<vmem>> -> memref<64xf32, #tpu.memory_space<vmem>>
      %dma_start3A_535 = arith.constant 0 : i32
      %dma_start3A_536 = tpu.memref_slice %arg2[%squeeze3A_525, %dma_start3A_535] : memref<100000x64xf32, #tpu.memory_space<hbm>> -> memref<1x64xf32, #tpu.memory_space<hbm>>
      %dma_start3A_537 = tpu.memref_squeeze %dma_start3A_536 : memref<1x64xf32, #tpu.memory_space<hbm>> -> memref<64xf32, #tpu.memory_space<hbm>>
      tpu.enqueue_dma source(%dma_start3A_537 : memref<64xf32, #tpu.memory_space<hbm>>) target(%dma_start3A_534 : memref<64xf32, #tpu.memory_space<vmem>>) target_semaphore(%arg14 : memref<!tpu.dma_semaphore, #tpu.memory_space<semaphore_mem>>)
      %slice3A_538 = vector.extract_strided_slice %get3A_44 {offsets = [15], sizes = [1], strides = [1]} : vector<16xi32> to vector<1xi32>
      %squeeze3A_539 = vector.extract %slice3A_538[0] : i32 from vector<1xi32>
      %slice3A_540 = vector.extract_strided_slice %get3A_41 {offsets = [15], sizes = [1], strides = [1]} : vector<16xi32> to vector<1xi32>
      %squeeze3A_541 = vector.extract %slice3A_540[0] : i32 from vector<1xi32>
      %dma_start3A_542 = arith.constant 64 : i32
      %dma_start3A_543 = tpu.memref_slice %arg13[%add3A_523, %dma_start3A_542] : memref<256x128xf32, #tpu.memory_space<vmem>> -> memref<1x64xf32, #tpu.memory_space<vmem>>
      %dma_start3A_544 = tpu.memref_squeeze %dma_start3A_543 : memref<1x64xf32, #tpu.memory_space<vmem>> -> memref<64xf32, #tpu.memory_space<vmem>>
      %dma_start3A_545 = arith.constant 0 : i32
      %dma_start3A_546 = tpu.memref_slice %arg3[%squeeze3A_539, %squeeze3A_541, %dma_start3A_545] : memref<10x100000x64xf32, #tpu.memory_space<hbm>> -> memref<1x1x64xf32, #tpu.memory_space<hbm>>
      %dma_start3A_547 = tpu.memref_squeeze %dma_start3A_546 : memref<1x1x64xf32, #tpu.memory_space<hbm>> -> memref<64xf32, #tpu.memory_space<hbm>>
      %dma_start3A_548 = arith.constant 64 : i32
      %dma_start3A_549 = tpu.memref_slice %arg13[%add3A_523, %dma_start3A_548] : memref<256x128xf32, #tpu.memory_space<vmem>> -> memref<1x64xf32, #tpu.memory_space<vmem>>
      %dma_start3A_550 = tpu.memref_squeeze %dma_start3A_549 : memref<1x64xf32, #tpu.memory_space<vmem>> -> memref<64xf32, #tpu.memory_space<vmem>>
      %dma_start3A_551 = arith.constant 0 : i32
      %dma_start3A_552 = tpu.memref_slice %arg3[%squeeze3A_539, %squeeze3A_541, %dma_start3A_551] : memref<10x100000x64xf32, #tpu.memory_space<hbm>> -> memref<1x1x64xf32, #tpu.memory_space<hbm>>
      %dma_start3A_553 = tpu.memref_squeeze %dma_start3A_552 : memref<1x1x64xf32, #tpu.memory_space<hbm>> -> memref<64xf32, #tpu.memory_space<hbm>>
      tpu.enqueue_dma source(%dma_start3A_553 : memref<64xf32, #tpu.memory_space<hbm>>) target(%dma_start3A_550 : memref<64xf32, #tpu.memory_space<vmem>>) target_semaphore(%arg14 : memref<!tpu.dma_semaphore, #tpu.memory_space<semaphore_mem>>)
      %scan3A_554 = arith.constant 0 : i32
      scf.yield %scan3A_554 : i32
    }
    %scan3A_15 = arith.constant 16 : i32
    %dma_wait3A = arith.constant 0 : i32
    %dma_wait3A_16 = arith.constant 0 : i32
    %dma_wait3A_17 = tpu.memref_slice %arg7[%dma_wait3A, %dma_wait3A_16] : memref<8192x128xf32, #tpu.memory_space<hbm>> -> memref<256x128xf32, #tpu.memory_space<hbm>>
    %dma_wait3A_18 = arith.constant 0 : i32
    %dma_wait3A_19 = arith.constant 0 : i32
    %dma_wait3A_20 = tpu.memref_slice %arg7[%dma_wait3A_18, %dma_wait3A_19] : memref<8192x128xf32, #tpu.memory_space<hbm>> -> memref<256x128xf32, #tpu.memory_space<hbm>>
    tpu.wait_dma2 semaphore(%arg14 : memref<!tpu.dma_semaphore, #tpu.memory_space<semaphore_mem>>) src(%dma_wait3A_20 : memref<256x128xf32, #tpu.memory_space<hbm>>) dst(%arg12 : memref<256x128xf32, #tpu.memory_space<vmem>>)
    %dma_wait3A_21 = arith.constant 0 : i32
    %dma_wait3A_22 = arith.constant 0 : i32
    %dma_wait3A_23 = tpu.memref_slice %arg7[%dma_wait3A_21, %dma_wait3A_22] : memref<8192x128xf32, #tpu.memory_space<hbm>> -> memref<256x128xf32, #tpu.memory_space<hbm>>
    %dma_wait3A_24 = arith.constant 0 : i32
    %dma_wait3A_25 = arith.constant 0 : i32
    %dma_wait3A_26 = tpu.memref_slice %arg7[%dma_wait3A_24, %dma_wait3A_25] : memref<8192x128xf32, #tpu.memory_space<hbm>> -> memref<256x128xf32, #tpu.memory_space<hbm>>
    tpu.wait_dma2 semaphore(%arg14 : memref<!tpu.dma_semaphore, #tpu.memory_space<semaphore_mem>>) src(%dma_wait3A_26 : memref<256x128xf32, #tpu.memory_space<hbm>>) dst(%arg13 : memref<256x128xf32, #tpu.memory_space<vmem>>)
    %mul3A_27 = arith.constant 256 : i32
    %mul3A_28 = arith.muli %add3A, %mul3A_27 : i32
    "tpu.region"() ({
      %run_scoped3A = tpu.sem_alloc : memref<!tpu.dma_semaphore, #tpu.memory_space<semaphore_mem>>
      %dma_start3A = arith.constant 0 : i32
      %dma_start3A_31 = tpu.memref_slice %arg7[%mul3A_28, %dma_start3A] : memref<8192x128xf32, #tpu.memory_space<hbm>> -> memref<256x128xf32, #tpu.memory_space<hbm>>
      %dma_start3A_32 = arith.constant 0 : i32
      %dma_start3A_33 = tpu.memref_slice %arg7[%mul3A_28, %dma_start3A_32] : memref<8192x128xf32, #tpu.memory_space<hbm>> -> memref<256x128xf32, #tpu.memory_space<hbm>>
      tpu.enqueue_dma source(%arg12 : memref<256x128xf32, #tpu.memory_space<vmem>>) target(%dma_start3A_33 : memref<256x128xf32, #tpu.memory_space<hbm>>) target_semaphore(%run_scoped3A : memref<!tpu.dma_semaphore, #tpu.memory_space<semaphore_mem>>)
      %dma_wait3A_34 = arith.constant 0 : i32
      %dma_wait3A_35 = tpu.memref_slice %arg7[%mul3A_28, %dma_wait3A_34] : memref<8192x128xf32, #tpu.memory_space<hbm>> -> memref<256x128xf32, #tpu.memory_space<hbm>>
      %dma_wait3A_36 = arith.constant 0 : i32
      %dma_wait3A_37 = tpu.memref_slice %arg7[%mul3A_28, %dma_wait3A_36] : memref<8192x128xf32, #tpu.memory_space<hbm>> -> memref<256x128xf32, #tpu.memory_space<hbm>>
      tpu.wait_dma2 semaphore(%run_scoped3A : memref<!tpu.dma_semaphore, #tpu.memory_space<semaphore_mem>>) src(%arg12 : memref<256x128xf32, #tpu.memory_space<vmem>>) dst(%dma_wait3A_37 : memref<256x128xf32, #tpu.memory_space<hbm>>)
      tpu.yield
    }) : () -> ()
    %mul3A_29 = arith.constant 256 : i32
    %mul3A_30 = arith.muli %add3A, %mul3A_29 : i32
    "tpu.region"() ({
      %run_scoped3A = tpu.sem_alloc : memref<!tpu.dma_semaphore, #tpu.memory_space<semaphore_mem>>
      %dma_start3A = arith.constant 0 : i32
      %dma_start3A_31 = tpu.memref_slice %arg8[%mul3A_30, %dma_start3A] : memref<8192x128xf32, #tpu.memory_space<hbm>> -> memref<256x128xf32, #tpu.memory_space<hbm>>
      %dma_start3A_32 = arith.constant 0 : i32
      %dma_start3A_33 = tpu.memref_slice %arg8[%mul3A_30, %dma_start3A_32] : memref<8192x128xf32, #tpu.memory_space<hbm>> -> memref<256x128xf32, #tpu.memory_space<hbm>>
      tpu.enqueue_dma source(%arg13 : memref<256x128xf32, #tpu.memory_space<vmem>>) target(%dma_start3A_33 : memref<256x128xf32, #tpu.memory_space<hbm>>) target_semaphore(%run_scoped3A : memref<!tpu.dma_semaphore, #tpu.memory_space<semaphore_mem>>)
      %dma_wait3A_34 = arith.constant 0 : i32
      %dma_wait3A_35 = tpu.memref_slice %arg8[%mul3A_30, %dma_wait3A_34] : memref<8192x128xf32, #tpu.memory_space<hbm>> -> memref<256x128xf32, #tpu.memory_space<hbm>>
      %dma_wait3A_36 = arith.constant 0 : i32
      %dma_wait3A_37 = tpu.memref_slice %arg8[%mul3A_30, %dma_wait3A_36] : memref<8192x128xf32, #tpu.memory_space<hbm>> -> memref<256x128xf32, #tpu.memory_space<hbm>>
      tpu.wait_dma2 semaphore(%run_scoped3A : memref<!tpu.dma_semaphore, #tpu.memory_space<semaphore_mem>>) src(%arg13 : memref<256x128xf32, #tpu.memory_space<vmem>>) dst(%dma_wait3A_37 : memref<256x128xf32, #tpu.memory_space<hbm>>)
      tpu.yield
    }) : () -> ()
    return
  }
}

module attributes {stable_mosaic.version = 14 : i64} {
  func.func @_tc_body(%arg0: i32, %arg1: memref<256x128xf32, #tpu.memory_space<vmem>>, %arg2: memref<256x128xf32, #tpu.memory_space<vmem>>, %arg3: memref<512x1xi32, #tpu.memory_space<vmem>>, %arg4: memref<64x64xf32, #tpu.memory_space<vmem>>, %arg5: memref<1x64xf32, #tpu.memory_space<vmem>>, %arg6: memref<1x64xf32, #tpu.memory_space<vmem>>, %arg7: memref<1x64xf32, #tpu.memory_space<vmem>>, %arg8: memref<64x10xf32, #tpu.memory_space<vmem>>, %arg9: memref<512x12xf32, #tpu.memory_space<vmem>>) attributes {dimension_semantics = [#tpu.dimension_semantics<arbitrary>], iteration_bounds = array<i64: 32>, scalar_prefetch = 0 : i64, scratch_operands = 0 : i64, tpu.core_type = #tpu.core_type<tc>, window_params = [{transform_indices = @transform_0, window_bounds = array<i64: 256, 128>}, {transform_indices = @transform_1, window_bounds = array<i64: 256, 128>}, {transform_indices = @transform_2, window_bounds = array<i64: 512, 1>}, {pipeline_mode = #tpu.pipeline_mode<synchronous>, transform_indices = @transform_3, window_bounds = array<i64: 64, 64>}, {pipeline_mode = #tpu.pipeline_mode<synchronous>, transform_indices = @transform_4, window_bounds = array<i64: 1, 64>}, {pipeline_mode = #tpu.pipeline_mode<synchronous>, transform_indices = @transform_5, window_bounds = array<i64: 1, 64>}, {pipeline_mode = #tpu.pipeline_mode<synchronous>, transform_indices = @transform_6, window_bounds = array<i64: 1, 64>}, {pipeline_mode = #tpu.pipeline_mode<synchronous>, transform_indices = @transform_7, window_bounds = array<i64: 64, 10>}, {transform_indices = @transform_8, window_bounds = array<i64: 512, 12>}]} {
    %get3A = arith.constant 0 : index
    %get3A_0 = arith.constant 0 : index
    %get3A_1 = vector.load %arg1[%get3A, %get3A_0] : memref<256x128xf32, #tpu.memory_space<vmem>>, vector<256x128xf32>
    %get3A_2 = arith.constant 0 : index
    %get3A_3 = arith.constant 0 : index
    %get3A_4 = vector.load %arg2[%get3A_2, %get3A_3] : memref<256x128xf32, #tpu.memory_space<vmem>>, vector<256x128xf32>
    %slice3A = vector.extract_strided_slice %get3A_1 {offsets = [0, 0], sizes = [256, 64], strides = [1, 1]} : vector<256x128xf32> to vector<256x64xf32>
    %slice3A_5 = vector.extract_strided_slice %get3A_1 {offsets = [0, 64], sizes = [256, 64], strides = [1, 1]} : vector<256x128xf32> to vector<256x64xf32>
    %concatenate3A = tpu.concatenate %slice3A, %slice3A_5 in 0 : vector<256x64xf32>, vector<256x64xf32> -> vector<512x64xf32>
    %slice3A_6 = vector.extract_strided_slice %get3A_4 {offsets = [0, 0], sizes = [256, 64], strides = [1, 1]} : vector<256x128xf32> to vector<256x64xf32>
    %slice3A_7 = vector.extract_strided_slice %get3A_4 {offsets = [0, 64], sizes = [256, 64], strides = [1, 1]} : vector<256x128xf32> to vector<256x64xf32>
    %concatenate3A_8 = tpu.concatenate %slice3A_6, %slice3A_7 in 0 : vector<256x64xf32>, vector<256x64xf32> -> vector<512x64xf32>
    %get3A_9 = arith.constant 0 : index
    %get3A_10 = arith.constant 0 : index
    %get3A_11 = vector.load %arg6[%get3A_9, %get3A_10] : memref<1x64xf32, #tpu.memory_space<vmem>>, vector<1x64xf32>
    %get3A_12 = arith.constant 0 : index
    %get3A_13 = arith.constant 0 : index
    %get3A_14 = vector.load %arg7[%get3A_12, %get3A_13] : memref<1x64xf32, #tpu.memory_space<vmem>>, vector<1x64xf32>
    %mul3A = arith.mulf %get3A_11, %get3A_11 : vector<1x64xf32>
    %sub3A = arith.subf %get3A_14, %mul3A : vector<1x64xf32>
    %max3A = arith.constant 9.99999993E-9 : f32
    %max3A_15 = vector.broadcast %max3A : f32 to vector<1x64xf32>
    %max3A_16 = arith.maximumf %max3A_15, %sub3A : vector<1x64xf32>
    %sqrt3A = math.sqrt %max3A_16 : vector<1x64xf32>
    %sub3A_17 = vector.broadcast %get3A_11 : vector<1x64xf32> to vector<512x64xf32>
    %sub3A_18 = arith.subf %concatenate3A, %sub3A_17 : vector<512x64xf32>
    %div3A = vector.broadcast %sqrt3A : vector<1x64xf32> to vector<512x64xf32>
    %div3A_19 = arith.divf %sub3A_18, %div3A : vector<512x64xf32>
    %get3A_20 = arith.constant 0 : index
    %get3A_21 = arith.constant 0 : index
    %get3A_22 = vector.load %arg4[%get3A_20, %get3A_21] : memref<64x64xf32, #tpu.memory_space<vmem>>, vector<64x64xf32>
    %dot_general3A = arith.constant dense<0.000000e+00> : vector<512x64xf32>
    %dot_general3A_23 = tpu.matmul %div3A_19, %get3A_22, %dot_general3A {dimension_numbers = #tpu.dot_dimension_numbers<[1], [1], [0], [0], [0, 0, 1, 0], [], []>, transpose_lhs_hint = false} : vector<512x64xf32>, vector<64x64xf32>, vector<512x64xf32> -> vector<512x64xf32>
    %mul3A_24 = arith.constant 1.250000e-01 : f32
    %mul3A_25 = vector.broadcast %mul3A_24 : f32 to vector<512x64xf32>
    %mul3A_26 = arith.mulf %dot_general3A_23, %mul3A_25 : vector<512x64xf32>
    %get3A_27 = arith.constant 0 : index
    %get3A_28 = arith.constant 0 : index
    %get3A_29 = vector.load %arg5[%get3A_27, %get3A_28] : memref<1x64xf32, #tpu.memory_space<vmem>>, vector<1x64xf32>
    %add3A = vector.broadcast %get3A_29 : vector<1x64xf32> to vector<512x64xf32>
    %add3A_30 = arith.addf %mul3A_26, %add3A : vector<512x64xf32>
    %mul3A_31 = arith.constant 0.159154937 : f32
    %mul3A_32 = vector.broadcast %mul3A_31 : f32 to vector<512x64xf32>
    %mul3A_33 = arith.mulf %add3A_30, %mul3A_32 : vector<512x64xf32>
    %round3A = math.roundeven %mul3A_33 : vector<512x64xf32>
    %sub3A_34 = arith.subf %mul3A_33, %round3A : vector<512x64xf32>
    %mul3A_35 = arith.mulf %sub3A_34, %sub3A_34 : vector<512x64xf32>
    %broadcast_in_dim3A = arith.constant -0.0320454873 : f32
    %broadcast_in_dim3A_36 = vector.broadcast %broadcast_in_dim3A : f32 to vector<512x64xf32>
    %mul3A_37 = arith.mulf %broadcast_in_dim3A_36, %mul3A_35 : vector<512x64xf32>
    %add3A_38 = arith.constant 0.279808819 : f32
    %add3A_39 = vector.broadcast %add3A_38 : f32 to vector<512x64xf32>
    %add3A_40 = arith.addf %mul3A_37, %add3A_39 : vector<512x64xf32>
    %mul3A_41 = arith.mulf %add3A_40, %mul3A_35 : vector<512x64xf32>
    %add3A_42 = arith.constant -1.7137692 : f32
    %add3A_43 = vector.broadcast %add3A_42 : f32 to vector<512x64xf32>
    %add3A_44 = arith.addf %mul3A_41, %add3A_43 : vector<512x64xf32>
    %mul3A_45 = arith.mulf %add3A_44, %mul3A_35 : vector<512x64xf32>
    %add3A_46 = arith.constant 7.90342998 : f32
    %add3A_47 = vector.broadcast %add3A_46 : f32 to vector<512x64xf32>
    %add3A_48 = arith.addf %mul3A_45, %add3A_47 : vector<512x64xf32>
    %mul3A_49 = arith.mulf %add3A_48, %mul3A_35 : vector<512x64xf32>
    %add3A_50 = arith.constant -26.4262447 : f32
    %add3A_51 = vector.broadcast %add3A_50 : f32 to vector<512x64xf32>
    %add3A_52 = arith.addf %mul3A_49, %add3A_51 : vector<512x64xf32>
    %mul3A_53 = arith.mulf %add3A_52, %mul3A_35 : vector<512x64xf32>
    %add3A_54 = arith.constant 60.2446404 : f32
    %add3A_55 = vector.broadcast %add3A_54 : f32 to vector<512x64xf32>
    %add3A_56 = arith.addf %mul3A_53, %add3A_55 : vector<512x64xf32>
    %mul3A_57 = arith.mulf %add3A_56, %mul3A_35 : vector<512x64xf32>
    %add3A_58 = arith.constant -85.4568176 : f32
    %add3A_59 = vector.broadcast %add3A_58 : f32 to vector<512x64xf32>
    %add3A_60 = arith.addf %mul3A_57, %add3A_59 : vector<512x64xf32>
    %mul3A_61 = arith.mulf %add3A_60, %mul3A_35 : vector<512x64xf32>
    %add3A_62 = arith.constant 64.9393921 : f32
    %add3A_63 = vector.broadcast %add3A_62 : f32 to vector<512x64xf32>
    %add3A_64 = arith.addf %mul3A_61, %add3A_63 : vector<512x64xf32>
    %mul3A_65 = arith.mulf %add3A_64, %mul3A_35 : vector<512x64xf32>
    %add3A_66 = arith.constant -19.7392082 : f32
    %add3A_67 = vector.broadcast %add3A_66 : f32 to vector<512x64xf32>
    %add3A_68 = arith.addf %mul3A_65, %add3A_67 : vector<512x64xf32>
    %mul3A_69 = arith.mulf %add3A_68, %mul3A_35 : vector<512x64xf32>
    %add3A_70 = arith.constant 1.000000e+00 : f32
    %add3A_71 = vector.broadcast %add3A_70 : f32 to vector<512x64xf32>
    %add3A_72 = arith.addf %mul3A_69, %add3A_71 : vector<512x64xf32>
    %get3A_73 = arith.constant 0 : index
    %get3A_74 = arith.constant 0 : index
    %get3A_75 = vector.load %arg8[%get3A_73, %get3A_74] : memref<64x10xf32, #tpu.memory_space<vmem>>, vector<64x10xf32>
    %dot_general3A_76 = arith.constant dense<0.000000e+00> : vector<512x10xf32>
    %dot_general3A_77 = tpu.matmul %add3A_72, %get3A_75, %dot_general3A_76 {dimension_numbers = #tpu.dot_dimension_numbers<[1], [0], [0], [1], [0, 0, 1, 1], [], []>, transpose_lhs_hint = false} : vector<512x64xf32>, vector<64x10xf32>, vector<512x10xf32> -> vector<512x10xf32>
    %reduce_max3A = arith.constant dense<0xFF800000> : vector<512xf32>
    %reduce_max3A_78 = vector.multi_reduction <maximumf>, %dot_general3A_77, %reduce_max3A [1] : vector<512x10xf32> to vector<512xf32>
    %broadcast_in_dim3A_79 = vector.shape_cast %reduce_max3A_78 : vector<512xf32> to vector<512x1xf32>
    %sub3A_80 = vector.broadcast %broadcast_in_dim3A_79 : vector<512x1xf32> to vector<512x10xf32>
    %sub3A_81 = arith.subf %dot_general3A_77, %sub3A_80 : vector<512x10xf32>
    %exp3A = math.exp %sub3A_81 : vector<512x10xf32>
    %reduce_sum3A = arith.constant dense<0.000000e+00> : vector<512xf32>
    %reduce_sum3A_82 = vector.multi_reduction <add>, %exp3A, %reduce_sum3A [1] : vector<512x10xf32> to vector<512xf32>
    %broadcast_in_dim3A_83 = vector.shape_cast %reduce_sum3A_82 : vector<512xf32> to vector<512x1xf32>
    %div3A_84 = vector.broadcast %broadcast_in_dim3A_83 : vector<512x1xf32> to vector<512x10xf32>
    %div3A_85 = arith.divf %exp3A, %div3A_84 : vector<512x10xf32>
    %dot_general3A_86 = arith.constant dense<0.000000e+00> : vector<512x64xf32>
    %dot_general3A_87 = tpu.matmul %concatenate3A_8, %get3A_22, %dot_general3A_86 {dimension_numbers = #tpu.dot_dimension_numbers<[1], [1], [0], [0], [0, 0, 1, 0], [], []>, transpose_lhs_hint = false} : vector<512x64xf32>, vector<64x64xf32>, vector<512x64xf32> -> vector<512x64xf32>
    %get3A_88 = arith.constant 0 : index
    %get3A_89 = arith.constant 0 : index
    %get3A_90 = vector.load %arg5[%get3A_88, %get3A_89] : memref<1x64xf32, #tpu.memory_space<vmem>>, vector<1x64xf32>
    %add3A_91 = vector.broadcast %get3A_90 : vector<1x64xf32> to vector<512x64xf32>
    %add3A_92 = arith.addf %dot_general3A_87, %add3A_91 : vector<512x64xf32>
    %mul3A_93 = arith.constant 0.159154937 : f32
    %mul3A_94 = vector.broadcast %mul3A_93 : f32 to vector<512x64xf32>
    %mul3A_95 = arith.mulf %add3A_92, %mul3A_94 : vector<512x64xf32>
    %round3A_96 = math.roundeven %mul3A_95 : vector<512x64xf32>
    %sub3A_97 = arith.subf %mul3A_95, %round3A_96 : vector<512x64xf32>
    %mul3A_98 = arith.mulf %sub3A_97, %sub3A_97 : vector<512x64xf32>
    %broadcast_in_dim3A_99 = arith.constant -0.0320454873 : f32
    %broadcast_in_dim3A_100 = vector.broadcast %broadcast_in_dim3A_99 : f32 to vector<512x64xf32>
    %mul3A_101 = arith.mulf %broadcast_in_dim3A_100, %mul3A_98 : vector<512x64xf32>
    %add3A_102 = arith.constant 0.279808819 : f32
    %add3A_103 = vector.broadcast %add3A_102 : f32 to vector<512x64xf32>
    %add3A_104 = arith.addf %mul3A_101, %add3A_103 : vector<512x64xf32>
    %mul3A_105 = arith.mulf %add3A_104, %mul3A_98 : vector<512x64xf32>
    %add3A_106 = arith.constant -1.7137692 : f32
    %add3A_107 = vector.broadcast %add3A_106 : f32 to vector<512x64xf32>
    %add3A_108 = arith.addf %mul3A_105, %add3A_107 : vector<512x64xf32>
    %mul3A_109 = arith.mulf %add3A_108, %mul3A_98 : vector<512x64xf32>
    %add3A_110 = arith.constant 7.90342998 : f32
    %add3A_111 = vector.broadcast %add3A_110 : f32 to vector<512x64xf32>
    %add3A_112 = arith.addf %mul3A_109, %add3A_111 : vector<512x64xf32>
    %mul3A_113 = arith.mulf %add3A_112, %mul3A_98 : vector<512x64xf32>
    %add3A_114 = arith.constant -26.4262447 : f32
    %add3A_115 = vector.broadcast %add3A_114 : f32 to vector<512x64xf32>
    %add3A_116 = arith.addf %mul3A_113, %add3A_115 : vector<512x64xf32>
    %mul3A_117 = arith.mulf %add3A_116, %mul3A_98 : vector<512x64xf32>
    %add3A_118 = arith.constant 60.2446404 : f32
    %add3A_119 = vector.broadcast %add3A_118 : f32 to vector<512x64xf32>
    %add3A_120 = arith.addf %mul3A_117, %add3A_119 : vector<512x64xf32>
    %mul3A_121 = arith.mulf %add3A_120, %mul3A_98 : vector<512x64xf32>
    %add3A_122 = arith.constant -85.4568176 : f32
    %add3A_123 = vector.broadcast %add3A_122 : f32 to vector<512x64xf32>
    %add3A_124 = arith.addf %mul3A_121, %add3A_123 : vector<512x64xf32>
    %mul3A_125 = arith.mulf %add3A_124, %mul3A_98 : vector<512x64xf32>
    %add3A_126 = arith.constant 64.9393921 : f32
    %add3A_127 = vector.broadcast %add3A_126 : f32 to vector<512x64xf32>
    %add3A_128 = arith.addf %mul3A_125, %add3A_127 : vector<512x64xf32>
    %mul3A_129 = arith.mulf %add3A_128, %mul3A_98 : vector<512x64xf32>
    %add3A_130 = arith.constant -19.7392082 : f32
    %add3A_131 = vector.broadcast %add3A_130 : f32 to vector<512x64xf32>
    %add3A_132 = arith.addf %mul3A_129, %add3A_131 : vector<512x64xf32>
    %mul3A_133 = arith.mulf %add3A_132, %mul3A_98 : vector<512x64xf32>
    %add3A_134 = arith.constant 1.000000e+00 : f32
    %add3A_135 = vector.broadcast %add3A_134 : f32 to vector<512x64xf32>
    %add3A_136 = arith.addf %mul3A_133, %add3A_135 : vector<512x64xf32>
    %mul3A_137 = arith.mulf %add3A_72, %add3A_136 : vector<512x64xf32>
    %reduce_sum3A_138 = arith.constant dense<0.000000e+00> : vector<512xf32>
    %reduce_sum3A_139 = vector.multi_reduction <add>, %mul3A_137, %reduce_sum3A_138 [1] : vector<512x64xf32> to vector<512xf32>
    %broadcast_in_dim3A_140 = vector.shape_cast %reduce_sum3A_139 : vector<512xf32> to vector<512x1xf32>
    %mul3A_141 = arith.constant 0.176776692 : f32
    %mul3A_142 = vector.broadcast %mul3A_141 : f32 to vector<512x1xf32>
    %mul3A_143 = arith.mulf %broadcast_in_dim3A_140, %mul3A_142 : vector<512x1xf32>
    %iota3A = tpu.iota {dimensions = array<i32: 1>} : vector<512x10xi32>
    %get3A_144 = arith.constant 0 : index
    %get3A_145 = arith.constant 0 : index
    %get3A_146 = vector.load %arg3[%get3A_144, %get3A_145] : memref<512x1xi32, #tpu.memory_space<vmem>>, vector<512x1xi32>
    %eq3A = vector.broadcast %get3A_146 : vector<512x1xi32> to vector<512x10xi32>
    %eq3A_147 = arith.cmpi eq, %iota3A, %eq3A : vector<512x10xi32>
    %jit3A = arith.constant 0.000000e+00 : f32
    %broadcast_in_dim3A_148 = vector.broadcast %jit3A : f32 to vector<512x10xf32>
    %select_n3A = arith.select %eq3A_147, %div3A_85, %broadcast_in_dim3A_148 : vector<512x10xi1>, vector<512x10xf32>
    %reduce_sum3A_149 = arith.constant dense<0.000000e+00> : vector<512xf32>
    %reduce_sum3A_150 = vector.multi_reduction <add>, %select_n3A, %reduce_sum3A_149 [1] : vector<512x10xf32> to vector<512xf32>
    %broadcast_in_dim3A_151 = vector.shape_cast %reduce_sum3A_150 : vector<512xf32> to vector<512x1xf32>
    %concatenate3A_152 = tpu.concatenate %div3A_85, %broadcast_in_dim3A_151, %mul3A_143 in 1 : vector<512x10xf32>, vector<512x1xf32>, vector<512x1xf32> -> vector<512x12xf32>
    %swap3A = arith.constant 0 : index
    %swap3A_153 = arith.constant 0 : index
    %swap3A_154 = vector.load %arg9[%swap3A, %swap3A_153] : memref<512x12xf32, #tpu.memory_space<vmem>>, vector<512x12xf32>
    tpu.vector_store %arg9[%swap3A, %swap3A_153], %concatenate3A_152 {strides = array<i32>} : memref<512x12xf32, #tpu.memory_space<vmem>>, vector<512x12xf32>,
    return
  }
  func.func @transform_0(%arg0: i32) -> (i32, i32) {
    %c0_i32 = arith.constant 0 : i32
    %c0_i32_0 = arith.constant 0 : i32
    return %arg0, %c0_i32 : i32, i32
  }
  func.func @transform_1(%arg0: i32) -> (i32, i32) {
    %c0_i32 = arith.constant 0 : i32
    %c0_i32_0 = arith.constant 0 : i32
    return %arg0, %c0_i32 : i32, i32
  }
  func.func @transform_2(%arg0: i32) -> (i32, i32) {
    %c0_i32 = arith.constant 0 : i32
    %c0_i32_0 = arith.constant 0 : i32
    return %arg0, %c0_i32 : i32, i32
  }
  func.func @transform_3(%arg0: i32) -> (i32, i32) {
    %c0_i32 = arith.constant 0 : i32
    %c0_i32_0 = arith.constant 0 : i32
    %c0_i32_1 = arith.constant 0 : i32
    return %c0_i32, %c0_i32_0 : i32, i32
  }
  func.func @transform_4(%arg0: i32) -> (i32, i32) {
    %c0_i32 = arith.constant 0 : i32
    %c0_i32_0 = arith.constant 0 : i32
    %c0_i32_1 = arith.constant 0 : i32
    return %c0_i32, %c0_i32_0 : i32, i32
  }
  func.func @transform_5(%arg0: i32) -> (i32, i32) {
    %c0_i32 = arith.constant 0 : i32
    %c0_i32_0 = arith.constant 0 : i32
    %c0_i32_1 = arith.constant 0 : i32
    return %c0_i32, %c0_i32_0 : i32, i32
  }
  func.func @transform_6(%arg0: i32) -> (i32, i32) {
    %c0_i32 = arith.constant 0 : i32
    %c0_i32_0 = arith.constant 0 : i32
    %c0_i32_1 = arith.constant 0 : i32
    return %c0_i32, %c0_i32_0 : i32, i32
  }
  func.func @transform_7(%arg0: i32) -> (i32, i32) {
    %c0_i32 = arith.constant 0 : i32
    %c0_i32_0 = arith.constant 0 : i32
    %c0_i32_1 = arith.constant 0 : i32
    return %c0_i32, %c0_i32_0 : i32, i32
  }
  func.func @transform_8(%arg0: i32) -> (i32, i32) {
    %c0_i32 = arith.constant 0 : i32
    %c0_i32_0 = arith.constant 0 : i32
    return %arg0, %c0_i32 : i32, i32
  }
}

</mosaic_0001>

<sc_bundles>
// kernel: kernel.4.cloned.1.call-start
scs
__scs_entry_jumppad:
0x0: {  	(pc) =	sbr.rel $0x88, $3  }
0x1: {  	(tag) =	ssettag $0x0;
	lr =	simm.s32 $0x1  }
0x2: {  	[smem:$0x3F97] =	sst lr;
	_ =	strace $0xD0000000  }
0x3: {  	_ = 	snop  }
0x4: {  	_ = 	snop  }
0x5: {  	_ = 	snop  }
0x6: {  	_ = 	snop  }
0x7: {  	_ = 	snop  }
__scs_overlays_trampoline_lowered:
0x8: {  	[smem:$0x3FA6] =	sst s0  }
0x9: {  	[smem:$0x3FA7] =	sst s1  }
0xa: {  	[smem:$0x3FA8] =	sst s2  }
0xb: {  	[smem:$0x3FA9] =	sst s3  }
0xc: {  	[smem:$0x3FAA] =	sst s4  }
0xd: {  	[smem:$0x3FAB] =	sst s5  }
0xe: {  	[smem:$0x3FAC] =	sst s6  }
0xf: {  	[smem:$0x3FAD] =	sst s7  }
0x10: {  	[smem:$0x3FAE] =	sst s8  }
0x11: {  	[smem:$0x3FAF] =	sst s9;
	s0 =	simm.s32 @!p0 $0x0  }
0x12: {  	s1 =	sld [smem:$0x3F95];
	s0 =	simm.s32 @p0 $0x1  }
0x13: {  	[smem:$0x3FB0] =	sst s0;
	s0 =	simm.s32 @!p1 $0x0  }
0x14: {  	s2 =	sld [smem:$0x3F94];
	s0 =	simm.s32 @p1 $0x1  }
0x15: {  	[smem:$0x3FB1] =	sst s0;
	s0 =	simm.s32 @!p2 $0x0  }
0x16: {  	s3 =	sld [smem:$0x3FDB];
	s0 =	simm.s32 @p2 $0x1  }
0x17: {  	s4 =	simm.s32 $0x1BF5;
	[smem:$0x3FB3] =	sst s0  }
0x18: {  	s0 =	sld [smem:$0x3F96];
	_ =	swait.ge [sflag:s4], $0x0  }
0x19: {  	s7 =	sld [smem:$0x3F97]  }
0x1a: {  	s8 =	sadd.s32 $0xFFFFE003, lr  }
0x1b: {  	s9 =	sadd.s32 $0xFFFFFEF7, lr;
	s5 =	simm.s32 $0xFFFFFFFF;
	p2 =	slt.u32 s8, $0xFFFFF086  }
0x1c: {  	p1 =	slt.u32 s9, $0xF7A;
	s5 =	simm.s32 @!p2 $0x0  }
0x1d: {  	s5 =	simm.s32 @p1 $0x1;
	p0 =	seq.s32 s7, s2  }
0x1e: {  	s7 =	smul.u32 @!p0 $0xF7A, s2;
	p2 =	seq.s32 @!p0 s5, $0x0  }
0x1f: {  	s9 =	smul.u32 $0xF7A, s1;
	s8 =	simm.s32 @!p0 $0x1BF5;
	p2 =	por !p2, p0  }
0x20: {  	[sflag:s8] =	ssyncset.s32 @!p0 $0xFFFFF086;
	s6 =	sadd.s32 @!p0 s3, s7;
	s7 =	simm.s32 @!p0 $0x108  }
0x21: {  	s3 =	sadd.s32 s3, s9;
	s6 =	sadd.s32 @!p0 $0x88, s6;
	s7 =	simm.s32 @p2 $0x1082  }
0x22: {  	[simem:s7], [sflag:s8] =	dma.local @!p0 [hbm:s6], $0xF7A  }
0x23: {  	s9 =	sor.u32 $0xD0000000, s2;
	s6 =	simm.s32 $0x108;
	_ =	swait.ge @!p0 [sflag:s8], $0x0  }
0x24: {  	s3 =	sadd.s32 $0x88, s3;
	s6 =	simm.s32 @!p1 $0x1082;
	[sflag:s4] =	ssyncset.s32 $0xFFFFF086  }
0x25: {  	[simem:s6], [sflag:s4] =	dma.local [hbm:s3], $0xF7A  }
0x26: {  	[smem:$0x3F97] =	sst s1;
	(tag) =	ssettag s2;
	_ =	strace s9  }
0x27: {  	s1 =	sld [smem:$0x3FA7]  }
0x28: {  	s2 =	sld [smem:$0x3FA8]  }
0x29: {  	s4 =	sld [smem:$0x3FAA]  }
0x2a: {  	p0 =	seq.s32 s5, $0x0;
	s5 =	sld [smem:$0x3FAB]  }
0x2b: {  	s6 =	sld [smem:$0x3FAC]  }
0x2c: {  	s7 =	sld [smem:$0x3FAD]  }
0x2d: {  	s3 =	simm.s32 $0x108;
	s8 =	sld [smem:$0x3FAE]  }
0x2e: {  	s3 =	simm.s32 @!p0 $0x1082;
	s9 =	sld [smem:$0x3FAF]  }
0x2f: {  	lr =	sadd.s32 s0, s3;
	s0 =	sld [smem:$0x3FA6]  }
0x30: {  	s3 =	sld [smem:$0x3FA9]  }
0x31: {  	[smem:$0x3FB2] =	sst s10  }
0x32: {  	s10 =	sld [smem:$0x3FB0];
	_ =	sdelay $0x3  }
0x33: {  	p0 =	seq.s32 s10, $0x1;
	s10 =	sld [smem:$0x3FB2];
	_ =	sdelay $0x3  }
0x34: {  	[smem:$0x3FB2] =	sst s10  }
0x35: {  	s10 =	sld [smem:$0x3FB1];
	_ =	sdelay $0x3  }
0x36: {  	p1 =	seq.s32 s10, $0x1;
	s10 =	sld [smem:$0x3FB2];
	_ =	sdelay $0x3  }
0x37: {  	[smem:$0x3FB2] =	sst s10  }
0x38: {  	s10 =	sld [smem:$0x3FB3]  }
0x39: {  	_ = 	snop;
	(pc) =	sbr.ind lr, $3  }
0x3a: {  	_ = 	snop  }
0x3b: {  	_ = 	snop  }
0x3c: {  	p2 =	seq.s32 s10, $0x1;
	s10 =	sld [smem:$0x3FB2]  }
0x3d: {  	_ =	shalt  }
0x3e: {  	_ =	shalt  }
0x3f: {  	_ =	shalt  }
0x40: {  	_ =	shalt  }
0x41: {  	_ =	shalt  }
0x42: {  	_ =	shalt  }
0x43: {  	_ =	shalt  }
0x44: {  	_ =	shalt  }
0x45: {  	_ =	shalt  }
0x46: {  	_ =	shalt  }
0x47: {  	_ =	shalt  }
0x48: {  	_ =	shalt  }
0x49: {  	_ =	shalt  }
0x4a: {  	_ =	shalt  }
0x4b: {  	_ =	shalt  }
0x4c: {  	_ =	shalt  }
0x4d: {  	_ =	shalt  }
0x4e: {  	_ =	shalt  }
0x4f: {  	_ =	shalt  }
0x50: {  	_ =	shalt  }
0x51: {  	_ =	shalt  }
0x52: {  	_ =	shalt  }
0x53: {  	_ =	shalt  }
0x54: {  	_ =	shalt  }
0x55: {  	_ =	shalt  }
0x56: {  	_ =	shalt  }
0x57: {  	_ =	shalt  }
0x58: {  	_ =	shalt  }
0x59: {  	_ =	shalt  }
0x5a: {  	_ =	shalt  }
0x5b: {  	_ =	shalt  }
0x5c: {  	_ =	shalt  }
0x5d: {  	_ =	shalt  }
0x5e: {  	_ =	shalt  }
0x5f: {  	_ =	shalt  }
0x60: {  	_ =	shalt  }
0x61: {  	_ =	shalt  }
0x62: {  	_ =	shalt  }
0x63: {  	_ =	shalt  }
0x64: {  	_ =	shalt  }
0x65: {  	_ =	shalt  }
0x66: {  	_ =	shalt  }
0x67: {  	_ =	shalt  }
0x68: {  	_ =	shalt  }
0x69: {  	_ =	shalt  }
0x6a: {  	_ =	shalt  }
0x6b: {  	_ =	shalt  }
0x6c: {  	_ =	shalt  }
0x6d: {  	_ =	shalt  }
0x6e: {  	_ =	shalt  }
0x6f: {  	_ =	shalt  }
0x70: {  	_ =	shalt  }
0x71: {  	_ =	shalt  }
0x72: {  	_ =	shalt  }
0x73: {  	_ =	shalt  }
0x74: {  	_ =	shalt  }
0x75: {  	_ =	shalt  }
0x76: {  	_ =	shalt  }
0x77: {  	_ =	shalt  }
0x78: {  	_ =	shalt  }
0x79: {  	_ =	shalt  }
0x7a: {  	_ =	shalt  }
0x7b: {  	_ =	shalt  }
0x7c: {  	_ =	shalt  }
0x7d: {  	_ =	shalt  }
0x7e: {  	_ =	shalt  }
0x7f: {  	_ =	shalt  }
0x80: {  	_ =	shalt  }
0x81: {  	_ =	shalt  }
0x82: {  	_ =	shalt  }
0x83: {  	_ =	shalt  }
0x84: {  	_ =	shalt  }
0x85: {  	_ =	shalt  }
0x86: {  	_ =	shalt  }
0x87: {  	_ =	shalt  }
.Lfunc_end0:
.L_simem_size_0:
called_computation_lowered:
.L_overlay_start_0:
0x88: {  	s2 =	sld [smem:$0x3FD9]  }
0x89: {  	s3 =	sld [smem:$0x3FFE];
	_ =	sdelay $0x1  }
0x8a: {  	s1 =	srdreg.scid  }
0x8b: {  	s0 =	sand.u32 $0x1, s1  }
0x8c: {  	s17 =	sshll.u32 s0, $0xA;
	s2 =	sadd.s32 s3, s2  }
0x8d: {  	s2 =	sadd.s32 s2, s17  }
0x8e: {  	[smem:$0x3FBE] =	sst s2  }
0x8f: {  	_ = 	snop  }
0x90: {  	s2 =	sld [smem:$0x3FC9]  }
0x91: {  	s18 =	sld [smem:$0x3FC8]  }
0x92: {  	s4 =	sld [smem:$0x3FC7];
	(tm) =	ssettm $0x1  }
0x93: {  	s5 =	sld [smem:$0x3FFB];
	_ =	sdelay $0x3  }
0x94: {  	_ =	strace s5  }
0x95: {  	s5 =	sld [smem:$0x3FFC];
	_ =	sdelay $0x3  }
0x96: {  	_ =	strace s5  }
0x97: {  	s5 =	sld [smem:$0x3FFD];
	_ =	sdelay $0x3  }
0x98: {  	_ =	strace s5  }
0x99: {  	_ =	strace $0x8FFFFFFF  }
0x9a: {  	s19 =	sld [smem:$0x3FDB];
	_ =	sdelay $0x1  }
0x9b: {  	s6 =	simm.s32 $_scs_section_size  }
0x9c: {  	s7 =	simm.s32 $_size__tile_overlayer_lowered;
	s8 =	simm.s32 $_tile_overlayer_lowered  }
0x9d: {  	s22 =	simm.s32 $0x1BFF;
	s21 =	sshll.u32 s8, $0x1;
	s5 =	sadd.s32 s6, s19  }
0x9e: {  	s9 =	simm.s32 $0x0;
	s20 =	sshll.u32 s7, $0x1;
	s7 =	sadd.s32 s21, s5  }
0x9f: {  	[timem:s9], [sflag:s22] =	dma.local [hbm:s7], s20  }
0xa0: {  	_ =	swait.ge [sflag:s22], s20  }
0xa1: {  	s6 =	ssub.s32 $0x0, s20;
	[sflag:s22] =	ssyncset.done $0x0  }
0xa2: {  	[sflag:s22] =	ssyncadd.s32 s6;
	_ =	sdelay $0x1  }
0xa3: {  	s23 =	simm.s32 $0x1B8B  }
0xa4: {  	_ =	swait.ge [sflag:s23], $0x1  }
0xa5: {  	[sflag:s23] =	ssyncset.done $0x0  }
0xa6: {  	s25 =	simm.s32 $0x1B8E;
	s24 =	sld [smem:$0x3FFE];
	[sflag:s23] =	ssyncadd.s32 $0xFFFFFFFF  }
0xa7: {  	s26 =	simm.s32 $execute0_lowered;
	[smem:$0x3FD2] =	sst s25  }
0xa8: {  	s7 =	sshll.u32 s26, $0x1;
	_ =	strace $0x80000046;
	[dreg:$0x1] =	wrdreg $0xFFFFFFFF  }
0xa9: {  	s28 =	simm.s32 $_size_execute0_lowered;
	s5 =	sadd.s32 s5, s7;
	[dreg:$0x0] =	wrdreg $0x0  }
0xaa: {  	s7 =	sshll.u32 s28, $0x1;
	[dreg:$0x2] =	wrdreg s5  }
0xab: {  	[dreg:$0x3] =	wrdreg s7  }
0xac: {  	[dreg:$0x4] =	wrdreg $0xC0  }
0xad: {  	_ =	task [dreg:s9], $0x5FFFF  }
0xae: {  	[dreg:$0x1] =	wrdreg $0xFFFFFFFF  }
0xaf: {  	[dreg:$0x0] =	wrdreg $0x60  }
0xb0: {  	[dreg:$0x2] =	wrdreg s24  }
0xb1: {  	[dreg:$0x3] =	wrdreg s2  }
0xb2: {  	[dreg:$0x4] =	wrdreg s4  }
0xb3: {  	[dreg:$0x5] =	wrdreg s18  }
0xb4: {  	[dreg:$0x6] =	wrdreg $0x9  }
0xb5: {  	_ =	task.clear_ibuf [dreg:s9], $0x7FFFF;
	_ =	strace $0x90000046  }
0xb6: {  	s29 =	simm.s32 $0x9;
	_ =	strace $0x80000048  }
0xb7: {  	_ =	swait.ge [sflag:s29], $0x1  }
0xb8: {  	[sflag:s29] =	ssyncadd.s32 $0xFFFFFFFF  }
0xb9: {  	_ =	strace $0x90000048  }
0xba: {  	_ =	sfence  }
0xbb: {  	s30 =	sld [smem:$0x0];
	_ =	sdelay $0x2  }
0xbc: {  	s31 =	sshll.u32 s1, $0xD;
	s1 =	sshrl.u32 s1, $0x2  }
0xbd: {  	s3 =	sand.u32 $0x4000, s31;
	s1 =	sadd.s32 s1, s30  }
0xbe: {  	s0 =	sor.u32 s3, s0;
	s1 =	sshll.u32 s1, $0x11  }
0xbf: {  	s0 =	sor.u32 s1, s0  }
0xc0: {  	s0 =	sadd.s32 $0x8F2B, s0  }
0xc1: {  	[sflag:s0] =	ssyncadd.remote.s32 $0x1  }
0xc2: {  	_ =	sfence.sel $0xFFFF  }
0xc3: {  	[dreg:$0x0] =	wrdreg $0xFFFFFFFF;
	(pc) =	sbr.abs _section_cstart, $3  }
0xc4: {  	[dreg:$0x1] =	wrdreg $0xFFFFFFFF  }
0xc5: {  	_ =	task.clear_ibuf [dreg:s9], $0x2FFFF;
	_ =	strace $0x9FFFFFFF  }
0xc6: {  	(tm) =	ssettm $0x7FFFFFFF  }
0xc7: {  	_ =	shalt  }
tec
execute0_lowered:
.L_overlay_start_1:
0x0: {  	(tag) =	ssettag $0x1  }
0x1: {  	s0 =	rddreg [dreg:$0x0]  }
0x2: {  	s1 =	rddreg [dreg:$0x1]  }
0x3: {  	s5 =	rddreg [dreg:$0x2]  }
0x4: {  	s6 =	rddreg [dreg:$0x3]  }
0x5: {  	s4 =	srdreg.scid;
	s8 =	stileid.u32  }
0x6: {  	s2 =	simm.s32 $0x0;
	s7 =	sand.u32 $0x1, s4;
	s8 =	sshll.u32 s8, $0x1  }
0x7: {  	s12 =	simm.s32 $0x80;
	[smem:$0x7FF] =	sst s2;
	s8 =	sor.u32 s7, s8  }
0x8: {  	s3 =	sadd.s32 $0xF43E00, s0;
	s9 =	sshll.u32 s8, $0xC;
	s8 =	sshll.u32 s8, $0x6  }
0x9: {  	s4 =	sadd.s32 $0x1A00, s0;
	_ =	strace $0x80000047;
	s1 =	sadd.s32 s1, s8  }
0xa: {  	s7 =	ssub.s32 $0x2, s7;
	s28 =	sadd.s32 s5, s8;
	[dreg:$0x5] =	wrdreg s1  }
0xb: {  	s0 =	sadd.s32 s9, s0;
	s29 =	sadd.s32 s6, s8;
	[dreg:$0x6] =	wrdreg s28  }
0xc: {  	s10 =	sshrl.u32 s7, $0x1;
	[dreg:$0x7] =	wrdreg s29;
	s30 =	sadd.s32 $0x10CA800, s0  }
0xd: {  	s7 =	ssub.s32 s7, s10;
	s0 =	sadd.s32 $0x10EA800, s0;
	[dreg:$0x8] =	wrdreg s30  }
0xe: {  	s13 =	simm.s32 $0x400;
	s31 =	smax.u32 s7, $0x1;
	[dreg:$0x9] =	wrdreg s0  }
0xf: {  	s5 =	simm.s32 $0x2;
	s1 =	simm.s32 $0x0;
	[dreg:$0xa] =	wrdreg s31  }
.LBB2_1:
0x10: {  	[dreg:$0xb] =	wrdreg s1  }
0x11: {  	s0 =	rddreg [dreg:$0x5]  }
0x12: {  	[tilespmem:s2], [sflag:$0x2] =	stream.linear.gather [hbm4b:s0+s2], $0x200, $0x38;
	[tilespmem:$0x10600] =	vst v63  }
0x13: {  	_ =	swait.ge [sflag:s5], $0x200  }
0x14: {  	[sflag:s5] =	ssyncset.done $0x0  }
0x15: {  	s8 =	simm.s32 $0x200;
	s9 =	rddreg [dreg:$0x6];
	[sflag:s5] =	ssyncadd.s32 $0xFFFFFE00  }
0x16: {  	[tilespmem:s8], [sflag:$0x2] =	stream.linear.gather [hbm4b:s9+s2], $0x200, $0x38;
	[tilespmem:$0x10600] =	vst v63  }
0x17: {  	_ =	swait.ge [sflag:s5], $0x200  }
0x18: {  	[sflag:s5] =	ssyncset.done $0x0  }
0x19: {  	s10 =	rddreg [dreg:$0x7];
	[sflag:s5] =	ssyncadd.s32 $0xFFFFFE00  }
0x1a: {  	[tilespmem:s13], [sflag:$0x2] =	stream.linear.gather [hbm4b:s10+s2], $0x200, $0x38;
	[tilespmem:$0x10600] =	vst v63  }
0x1b: {  	_ =	swait.ge [sflag:s5], $0x200  }
0x1c: {  	[sflag:s5] =	ssyncset.done $0x0  }
0x1d: {  	[sflag:s5] =	ssyncadd.s32 $0xFFFFFE00  }
0x1e: {  	v0 =	vld [tilespmem:s13+$0x0]  }
0x1f: {  	v1 =	vld [tilespmem:s8+$0x0];
	_ =	sdelay $0x1  }
0x20: {  	v2 =	vld [tilespmem:s2+$0x0];
	_ =	sdelay $0x2  }
0x21: {  	v0 =	vmul.u32 $0xC35000, v0;
	v1 =	vshll.u32 v1, $0x7  }
0x22: {  	(v2sf) =	vpush v1, $0x0  }
0x23: {  	v2 =	vshll.u32 v2, $0x4;
	(v2sf) =	vpush v0, $0x0  }
0x24: {  	(v2sf) =	vpush v2, $0x0;
	_ =	sdelay $0x1  }
0x25: {  	(v2sf) =	vpush v2, $0x1;
	_ =	sdelay $0x1  }
0x26: {  	(v2sf) =	vpush v1, $0x1;
	_ =	sdelay $0x1  }
0x27: {  	(v2sf) =	vpush v0, $0x1;
	_ =	sdelay $0x2  }
0x28: {  	s22 =	simm.s32 $0x2000;
	s18 =	simm.s32 $0x0  }
0x29: {  	s11 =	simm.s32 $0x8600;
	s14 =	simm.s32 $0x600;
	s23 =	simm.s32 $0x410;
	(v2sf) =	vpush v2, $0x2  }
0x2a: {  	s24 =	simm.s32 $0x10;
	s25 =	simm.s32 $0x210;
	s21 =	simm.s32 $0x8C00  }
0x2b: {  	s20 =	simm.s32 $0x8C80;
	s19 =	simm.s32 $0x8D00;
	s29 =	simm.s32 $0x8B00;
	(v2sf) =	vpush v1, $0x2  }
0x2c: {  	s28 =	simm.s32 $0x8B80;
	s30 =	simm.s32 $0x8980;
	s6 =	spop (v2sf)  }
0x2d: {  	s31 =	simm.s32 $0x8A80;
	(v2sf) =	vpush v0, $0x2;
	s7 =	spop (v2sf);
	s8 =	sand.u32 $0xFFFFFC00, s6  }
0x2e: {  	s6 =	sand.u32 $0x380, s6;
	(v2sf) =	vpush v2, $0x3;
	s15 =	spop (v2sf);
	s7 =	sadd.s32 s8, s7  }
0x2f: {  	s5 =	simm.s32 $0x680;
	s15 =	sand.u32 $0x1FFFFFF0, s15;
	s6 =	sor.u32 s6, s7  }
0x30: {  	(v2sf) =	vpush v1, $0x3;
	s16 =	spop (v2sf);
	s8 =	sadd.s32 s3, s15;
	s6 =	sshrl.u32 s6, $0x3  }
0x31: {  	[tilespmem:s14], [sflag:$0x1] =	stream.strided.gather [hbm4b:s8+s12], $0x0, s13, s12, $0x38;
	[tilespmem:$0x10600] =	vst v63  }
0x32: {  	s17 =	spop (v2sf);
	s7 =	sand.u32 $0x1FFFFFF0, s16;
	s16 =	simm.s32 $0x8780  }
0x33: {  	[tilespmem:s14], [sflag:$0x1] =	stream.linear.gather [hbm4b:s8+s2], $0x40, $0x38;
	[tilespmem:$0x10600] =	vst v63  }
0x34: {  	(v2sf) =	vpush v0, $0x3;
	s26 =	sadd.s32 s4, s6;
	s9 =	sand.u32 $0xFFFFFC00, s17;
	s10 =	spop (v2sf)  }
0x35: {  	[tilespmem:s11], [sflag:$0x1] =	stream.strided.gather [hbm4b:s26+s12], $0x0, s13, s12, $0x38;
	[tilespmem:$0x10600] =	vst v63  }
0x36: {  	(v2sf) =	vpush v2, $0x4;
	s7 =	sadd.s32 s3, s7;
	s15 =	sand.u32 $0x380, s17;
	s6 =	sadd.s32 s9, s10  }
0x37: {  	[tilespmem:s11], [sflag:$0x1] =	stream.linear.gather [hbm4b:s26+s2], $0x40, $0x38;
	[tilespmem:$0x10600] =	vst v63  }
0x38: {  	s17 =	spop (v2sf);
	s8 =	simm.s32 $0x8700;
	s14 =	simm.s32 $0x8680  }
0x39: {  	[tilespmem:s5], [sflag:$0x1] =	stream.strided.gather [hbm4b:s7+s12], $0x0, s13, s12, $0x38;
	[tilespmem:$0x10600] =	vst v63  }
0x3a: {  	(v2sf) =	vpush v1, $0x4;
	s11 =	sor.u32 s15, s6;
	s6 =	sand.u32 $0x1FFFFFF0, s17;
	s26 =	spop (v2sf)  }
0x3b: {  	[tilespmem:s5], [sflag:$0x1] =	stream.linear.gather [hbm4b:s7+s2], $0x40, $0x38;
	[tilespmem:$0x10600] =	vst v63  }
0x3c: {  	s0 =	sshrl.u32 s11, $0x3;
	s6 =	sadd.s32 s3, s6;
	s9 =	spop (v2sf);
	(v2sf) =	vpush v0, $0x4  }
0x3d: {  	s0 =	sadd.s32 s4, s0;
	s7 =	sand.u32 $0xFFFFFC00, s26;
	s15 =	spop (v2sf)  }
0x3e: {  	(v2sf) =	vpush v2, $0x5;
	[tilespmem:s14], [sflag:$0x1] =	stream.strided.gather [hbm4b:s0+s12], $0x0, s13, s12, $0x38;
	[tilespmem:$0x10600] =	vst v63  }
0x3f: {  	s10 =	sand.u32 $0x380, s26;
	s5 =	sadd.s32 s7, s9;
	s17 =	spop (v2sf)  }
0x40: {  	[tilespmem:s14], [sflag:$0x1] =	stream.linear.gather [hbm4b:s0+s2], $0x40, $0x38;
	[tilespmem:$0x10600] =	vst v63  }
0x41: {  	s11 =	simm.s32 $0x700;
	s9 =	sand.u32 $0xFFFFFC00, s17;
	s14 =	sor.u32 s10, s5  }
0x42: {  	(v2sf) =	vpush v1, $0x5;
	[tilespmem:s11], [sflag:$0x1] =	stream.strided.gather [hbm4b:s6+s12], $0x0, s13, s12, $0x38;
	[tilespmem:$0x10600] =	vst v63  }
0x43: {  	s5 =	sand.u32 $0x1FFFFFF0, s15;
	s10 =	spop (v2sf);
	s1 =	sshrl.u32 s14, $0x3  }
0x44: {  	(v2sf) =	vpush v0, $0x5;
	[tilespmem:s11], [sflag:$0x1] =	stream.linear.gather [hbm4b:s6+s2], $0x40, $0x38;
	[tilespmem:$0x10600] =	vst v63  }
0x45: {  	s5 =	sadd.s32 s3, s5;
	s15 =	spop (v2sf);
	s26 =	sadd.s32 s4, s1  }
0x46: {  	(v2sf) =	vpush v2, $0x6;
	[tilespmem:s8], [sflag:$0x1] =	stream.strided.gather [hbm4b:s26+s12], $0x0, s13, s12, $0x38;
	[tilespmem:$0x10600] =	vst v63  }
0x47: {  	s14 =	simm.s32 $0x780;
	s1 =	sadd.s32 s9, s10;
	s11 =	sand.u32 $0x380, s17  }
0x48: {  	[tilespmem:s8], [sflag:$0x1] =	stream.linear.gather [hbm4b:s26+s2], $0x40, $0x38;
	[tilespmem:$0x10600] =	vst v63  }
0x49: {  	s10 =	simm.s32 $0x800;
	s17 =	spop (v2sf);
	s1 =	sor.u32 s11, s1  }
0x4a: {  	[tilespmem:s14], [sflag:$0x1] =	stream.strided.gather [hbm4b:s5+s12], $0x0, s13, s12, $0x38;
	[tilespmem:$0x10600] =	vst v63  }
0x4b: {  	s6 =	sand.u32 $0x1FFFFFF0, s15;
	s1 =	sshrl.u32 s1, $0x3;
	s8 =	spop (v2sf)  }
0x4c: {  	(v2sf) =	vpush v1, $0x6;
	[tilespmem:s14], [sflag:$0x1] =	stream.linear.gather [hbm4b:s5+s2], $0x40, $0x38;
	[tilespmem:$0x10600] =	vst v63  }
0x4d: {  	s26 =	sadd.s32 s4, s1;
	s5 =	sand.u32 $0xFFFFFC00, s17;
	s11 =	spop (v2sf)  }
0x4e: {  	(v2sf) =	vpush v0, $0x6;
	[tilespmem:s16], [sflag:$0x1] =	stream.strided.gather [hbm4b:s26+s12], $0x0, s13, s12, $0x38;
	[tilespmem:$0x10600] =	vst v63  }
0x4f: {  	s6 =	sadd.s32 s3, s6;
	s9 =	sand.u32 $0x380, s17;
	s1 =	sadd.s32 s5, s8  }
0x50: {  	[tilespmem:s16], [sflag:$0x1] =	stream.linear.gather [hbm4b:s26+s2], $0x40, $0x38;
	[tilespmem:$0x10600] =	vst v63  }
0x51: {  	s14 =	simm.s32 $0x8800;
	s15 =	spop (v2sf);
	s1 =	sor.u32 s9, s1  }
0x52: {  	[tilespmem:s10], [sflag:$0x1] =	stream.strided.gather [hbm4b:s6+s12], $0x0, s13, s12, $0x38;
	[tilespmem:$0x10600] =	vst v63  }
0x53: {  	(v2sf) =	vpush v2, $0x7;
	s5 =	sand.u32 $0x1FFFFFF0, s11;
	s1 =	sshrl.u32 s1, $0x3;
	s26 =	spop (v2sf)  }
0x54: {  	[tilespmem:s10], [sflag:$0x1] =	stream.linear.gather [hbm4b:s6+s2], $0x40, $0x38;
	[tilespmem:$0x10600] =	vst v63  }
0x55: {  	s17 =	sand.u32 $0xFFFFFC00, s15;
	s16 =	sadd.s32 s4, s1;
	s11 =	spop (v2sf)  }
0x56: {  	(v2sf) =	vpush v1, $0x7;
	[tilespmem:s14], [sflag:$0x1] =	stream.strided.gather [hbm4b:s16+s12], $0x0, s13, s12, $0x38;
	[tilespmem:$0x10600] =	vst v63  }
0x57: {  	s7 =	simm.s32 $0x900;
	s8 =	sand.u32 $0x380, s15;
	s1 =	sadd.s32 s17, s26  }
0x58: {  	(v2sf) =	vpush v0, $0x7;
	[tilespmem:s14], [sflag:$0x1] =	stream.linear.gather [hbm4b:s16+s2], $0x40, $0x38;
	[tilespmem:$0x10600] =	vst v63  }
0x59: {  	s5 =	sadd.s32 s3, s5;
	s9 =	simm.s32 $0x880;
	s1 =	sor.u32 s8, s1  }
0x5a: {  	[tilespmem:s9], [sflag:$0x1] =	stream.strided.gather [hbm4b:s5+s12], $0x0, s13, s12, $0x38;
	[tilespmem:$0x10600] =	vst v63  }
0x5b: {  	s0 =	simm.s32 $0x8A00;
	s1 =	sshrl.u32 s1, $0x3;
	s14 =	spop (v2sf)  }
0x5c: {  	(v2sf) =	vpush v2, $0x8;
	[tilespmem:s9], [sflag:$0x1] =	stream.linear.gather [hbm4b:s5+s2], $0x40, $0x38;
	[tilespmem:$0x10600] =	vst v63  }
0x5d: {  	s10 =	simm.s32 $0x8880;
	s1 =	sadd.s32 s4, s1;
	s17 =	spop (v2sf)  }
0x5e: {  	(v2sf) =	vpush v1, $0x8;
	[tilespmem:s10], [sflag:$0x1] =	stream.strided.gather [hbm4b:s1+s12], $0x0, s13, s12, $0x38;
	[tilespmem:$0x10600] =	vst v63  }
0x5f: {  	s15 =	simm.s32 $0x980;
	s6 =	sand.u32 $0x1FFFFFF0, s11;
	s16 =	sand.u32 $0xFFFFFC00, s14  }
0x60: {  	(v2sf) =	vpush v0, $0x8;
	[tilespmem:s10], [sflag:$0x1] =	stream.linear.gather [hbm4b:s1+s2], $0x40, $0x38;
	[tilespmem:$0x10600] =	vst v63  }
0x61: {  	s6 =	sadd.s32 s3, s6;
	s26 =	sand.u32 $0x380, s14;
	s1 =	sadd.s32 s16, s17  }
0x62: {  	s5 =	spop (v2sf);
	s8 =	sor.u32 s26, s1;
	s26 =	simm.s32 $0x0  }
.LBB2_2:
0x63: {  	[tilespmem:s7], [sflag:$0x1] =	stream.strided.gather [hbm4b:s6+s12], $0x0, s13, s12, $0x38;
	[tilespmem:$0x10600] =	vst v63  }
0x64: {  	(v2sf) =	vpush v2, $0x9;
	s1 =	smov.u32 s22  }
0x65: {  	s16 =	sadd.s32 $0x8900, s18;
	s8 =	sshrl.u32 s8, $0x3;
	s9 =	spop (v2sf)  }
0x66: {  	[tilespmem:s7], [sflag:$0x1] =	stream.linear.gather [hbm4b:s6+s26], $0x40, $0x38;
	(v2sf) =	vpush v1, $0x9;
	[tilespmem:$0x10600] =	vst v63  }
0x67: {  	s6 =	sadd.s32 s4, s8;
	s7 =	sand.u32 $0xFFFFFC00, s9;
	s8 =	spop (v2sf)  }
0x68: {  	[tilespmem:s16], [sflag:$0x1] =	stream.strided.gather [hbm4b:s6+s12], $0x0, s13, s12, $0x38;
	(v2sf) =	vpush v0, $0x9;
	[tilespmem:$0x10600] =	vst v63  }
0x69: {  	s5 =	sand.u32 $0x1FFFFFF0, s5;
	s7 =	sadd.s32 s7, s8;
	s8 =	sand.u32 $0x380, s9  }
0x6a: {  	[tilespmem:s16], [sflag:$0x1] =	stream.linear.gather [hbm4b:s6+s26], $0x40, $0x38;
	[tilespmem:$0x10600] =	vst v63  }
0x6b: {  	s5 =	sadd.s32 s3, s5;
	s6 =	sor.u32 s8, s7;
	s7 =	spop (v2sf)  }
0x6c: {  	[tilespmem:s15], [sflag:$0x1] =	stream.strided.gather [hbm4b:s5+s12], $0x0, s13, s12, $0x38;
	(v2sf) =	vpush v2, $0xA;
	[tilespmem:$0x10600] =	vst v63  }
0x6d: {  	s6 =	sshrl.u32 s6, $0x3;
	s7 =	sand.u32 $0x1FFFFFF0, s7;
	s8 =	spop (v2sf)  }
0x6e: {  	[tilespmem:s15], [sflag:$0x1] =	stream.linear.gather [hbm4b:s5+s26], $0x40, $0x38;
	(v2sf) =	vpush v1, $0xA;
	[tilespmem:$0x10600] =	vst v63  }
0x6f: {  	s5 =	sadd.s32 s4, s6;
	s6 =	sand.u32 $0xFFFFFC00, s8;
	s9 =	spop (v2sf)  }
0x70: {  	[tilespmem:s30], [sflag:$0x1] =	stream.strided.gather [hbm4b:s5+s12], $0x0, s13, s12, $0x38;
	(v2sf) =	vpush v0, $0xA;
	[tilespmem:$0x10600] =	vst v63  }
0x71: {  	s7 =	sadd.s32 s3, s7;
	s8 =	sand.u32 $0x380, s8;
	s6 =	sadd.s32 s6, s9  }
0x72: {  	[tilespmem:s30], [sflag:$0x1] =	stream.linear.gather [hbm4b:s5+s26], $0x40, $0x38;
	[tilespmem:$0x10600] =	vst v63  }
0x73: {  	s6 =	sor.u32 s8, s6;
	s5 =	sadd.s32 $0xA00, s18;
	s8 =	spop (v2sf)  }
0x74: {  	[tilespmem:s5], [sflag:$0x1] =	stream.strided.gather [hbm4b:s7+s12], $0x0, s13, s12, $0x38;
	(v2sf) =	vpush v2, $0xB;
	[tilespmem:$0x10600] =	vst v63  }
0x75: {  	s6 =	sshrl.u32 s6, $0x3;
	s8 =	sand.u32 $0x1FFFFFF0, s8;
	s9 =	spop (v2sf)  }
0x76: {  	[tilespmem:s5], [sflag:$0x1] =	stream.linear.gather [hbm4b:s7+s26], $0x40, $0x38;
	(v2sf) =	vpush v1, $0xB;
	[tilespmem:$0x10600] =	vst v63  }
0x77: {  	s5 =	sadd.s32 s4, s6;
	s6 =	sand.u32 $0xFFFFFC00, s9;
	s7 =	spop (v2sf)  }
0x78: {  	[tilespmem:s0], [sflag:$0x1] =	stream.strided.gather [hbm4b:s5+s12], $0x0, s13, s12, $0x38;
	(v2sf) =	vpush v0, $0xB;
	[tilespmem:$0x10600] =	vst v63  }
0x79: {  	s8 =	sadd.s32 s3, s8;
	s6 =	sadd.s32 s6, s7;
	s7 =	sand.u32 $0x380, s9  }
0x7a: {  	[tilespmem:s0], [sflag:$0x1] =	stream.linear.gather [hbm4b:s5+s26], $0x40, $0x38;
	[tilespmem:$0x10600] =	vst v63  }
0x7b: {  	s0 =	sadd.s32 $0xA80, s18;
	s5 =	sor.u32 s7, s6;
	s6 =	spop (v2sf)  }
0x7c: {  	[tilespmem:s0], [sflag:$0x1] =	stream.strided.gather [hbm4b:s8+s12], $0x0, s13, s12, $0x38;
	(v2sf) =	vpush v2, $0xC;
	[tilespmem:$0x10600] =	vst v63  }
0x7d: {  	s5 =	sshrl.u32 s5, $0x3;
	s6 =	sand.u32 $0x1FFFFFF0, s6;
	s7 =	spop (v2sf)  }
0x7e: {  	[tilespmem:s0], [sflag:$0x1] =	stream.linear.gather [hbm4b:s8+s26], $0x40, $0x38;
	(v2sf) =	vpush v1, $0xC;
	[tilespmem:$0x10600] =	vst v63  }
0x7f: {  	s0 =	sadd.s32 s4, s5;
	s5 =	sand.u32 $0xFFFFFC00, s7;
	s8 =	spop (v2sf)  }
0x80: {  	[tilespmem:s31], [sflag:$0x1] =	stream.strided.gather [hbm4b:s0+s12], $0x0, s13, s12, $0x38;
	(v2sf) =	vpush v0, $0xC;
	[tilespmem:$0x10600] =	vst v63  }
0x81: {  	s6 =	sadd.s32 s3, s6;
	s7 =	sand.u32 $0x380, s7;
	s5 =	sadd.s32 s5, s8  }
0x82: {  	[tilespmem:s31], [sflag:$0x1] =	stream.linear.gather [hbm4b:s0+s26], $0x40, $0x38;
	[tilespmem:$0x10600] =	vst v63  }
0x83: {  	s5 =	sor.u32 s7, s5;
	s0 =	sadd.s32 $0xB00, s18;
	s7 =	spop (v2sf)  }
0x84: {  	[tilespmem:s0], [sflag:$0x1] =	stream.strided.gather [hbm4b:s6+s12], $0x0, s13, s12, $0x38;
	(v2sf) =	vpush v2, $0xD;
	[tilespmem:$0x10600] =	vst v63  }
0x85: {  	s5 =	sshrl.u32 s5, $0x3;
	s7 =	sand.u32 $0x1FFFFFF0, s7;
	s8 =	spop (v2sf)  }
0x86: {  	[tilespmem:s0], [sflag:$0x1] =	stream.linear.gather [hbm4b:s6+s26], $0x40, $0x38;
	(v2sf) =	vpush v1, $0xD;
	[tilespmem:$0x10600] =	vst v63  }
0x87: {  	s0 =	sadd.s32 s4, s5;
	s5 =	sand.u32 $0xFFFFFC00, s8;
	s6 =	spop (v2sf)  }
0x88: {  	[tilespmem:s29], [sflag:$0x1] =	stream.strided.gather [hbm4b:s0+s12], $0x0, s13, s12, $0x38;
	(v2sf) =	vpush v0, $0xD;
	[tilespmem:$0x10600] =	vst v63  }
0x89: {  	s7 =	sadd.s32 s3, s7;
	s5 =	sadd.s32 s5, s6;
	s6 =	sand.u32 $0x380, s8  }
0x8a: {  	[tilespmem:s29], [sflag:$0x1] =	stream.linear.gather [hbm4b:s0+s26], $0x40, $0x38;
	[tilespmem:$0x10600] =	vst v63  }
0x8b: {  	s5 =	sor.u32 s6, s5;
	s0 =	sadd.s32 $0xB80, s18;
	s6 =	spop (v2sf)  }
0x8c: {  	[tilespmem:s0], [sflag:$0x1] =	stream.strided.gather [hbm4b:s7+s12], $0x0, s13, s12, $0x38;
	(v2sf) =	vpush v2, $0xE;
	[tilespmem:$0x10600] =	vst v63  }
0x8d: {  	s5 =	sshrl.u32 s5, $0x3;
	s6 =	sand.u32 $0x1FFFFFF0, s6;
	s8 =	spop (v2sf)  }
0x8e: {  	[tilespmem:s0], [sflag:$0x1] =	stream.linear.gather [hbm4b:s7+s26], $0x40, $0x38;
	(v2sf) =	vpush v1, $0xE;
	[tilespmem:$0x10600] =	vst v63  }
0x8f: {  	s0 =	sadd.s32 s4, s5;
	s5 =	sand.u32 $0xFFFFFC00, s8;
	s7 =	spop (v2sf)  }
0x90: {  	[tilespmem:s28], [sflag:$0x1] =	stream.strided.gather [hbm4b:s0+s12], $0x0, s13, s12, $0x38;
	(v2sf) =	vpush v0, $0xE;
	[tilespmem:$0x10600] =	vst v63  }
0x91: {  	s6 =	sadd.s32 s3, s6;
	s5 =	sadd.s32 s5, s7;
	s7 =	sand.u32 $0x380, s8  }
0x92: {  	[tilespmem:s28], [sflag:$0x1] =	stream.linear.gather [hbm4b:s0+s26], $0x40, $0x38;
	[tilespmem:$0x10600] =	vst v63  }
0x93: {  	s5 =	sor.u32 s7, s5;
	s0 =	sadd.s32 $0xC00, s18;
	s7 =	spop (v2sf)  }
0x94: {  	[tilespmem:s0], [sflag:$0x1] =	stream.strided.gather [hbm4b:s6+s12], $0x0, s13, s12, $0x38;
	(v2sf) =	vpush v2, $0xF;
	[tilespmem:$0x10600] =	vst v63  }
0x95: {  	s5 =	sshrl.u32 s5, $0x3;
	s7 =	sand.u32 $0x1FFFFFF0, s7;
	s8 =	spop (v2sf)  }
0x96: {  	[tilespmem:s0], [sflag:$0x1] =	stream.linear.gather [hbm4b:s6+s26], $0x40, $0x38;
	(v2sf) =	vpush v1, $0xF;
	[tilespmem:$0x10600] =	vst v63  }
0x97: {  	s0 =	sadd.s32 s4, s5;
	s5 =	sand.u32 $0xFFFFFC00, s8;
	s6 =	spop (v2sf)  }
0x98: {  	[tilespmem:s21], [sflag:$0x1] =	stream.strided.gather [hbm4b:s0+s12], $0x0, s13, s12, $0x38;
	(v2sf) =	vpush v0, $0xF;
	[tilespmem:$0x10600] =	vst v63  }
0x99: {  	s7 =	sadd.s32 s3, s7;
	s5 =	sadd.s32 s5, s6;
	s6 =	sand.u32 $0x380, s8  }
0x9a: {  	[tilespmem:s21], [sflag:$0x1] =	stream.linear.gather [hbm4b:s0+s26], $0x40, $0x38;
	[tilespmem:$0x10600] =	vst v63  }
0x9b: {  	s5 =	sor.u32 s6, s5;
	s0 =	sadd.s32 $0xC80, s18;
	s6 =	spop (v2sf)  }
0x9c: {  	[tilespmem:s0], [sflag:$0x1] =	stream.strided.gather [hbm4b:s7+s12], $0x0, s13, s12, $0x38;
	[tilespmem:$0x10600] =	vst v63  }
0x9d: {  	s5 =	sshrl.u32 s5, $0x3;
	s6 =	sand.u32 $0x1FFFFFF0, s6;
	s8 =	spop (v2sf)  }
0x9e: {  	[tilespmem:s0], [sflag:$0x1] =	stream.linear.gather [hbm4b:s7+s26], $0x40, $0x38;
	[tilespmem:$0x10600] =	vst v63  }
0x9f: {  	s0 =	sadd.s32 s4, s5;
	s5 =	sand.u32 $0xFFFFFC00, s8;
	s7 =	spop (v2sf)  }
0xa0: {  	[tilespmem:s20], [sflag:$0x1] =	stream.strided.gather [hbm4b:s0+s12], $0x0, s13, s12, $0x38;
	[tilespmem:$0x10600] =	vst v63  }
0xa1: {  	s6 =	sadd.s32 s3, s6;
	s5 =	sadd.s32 s5, s7;
	s7 =	sand.u32 $0x380, s8  }
0xa2: {  	[tilespmem:s20], [sflag:$0x1] =	stream.linear.gather [hbm4b:s0+s26], $0x40, $0x38;
	[tilespmem:$0x10600] =	vst v63  }
0xa3: {  	s5 =	sor.u32 s7, s5;
	s0 =	sadd.s32 $0xD00, s18;
	s7 =	spop (v2sf)  }
0xa4: {  	[tilespmem:s0], [sflag:$0x1] =	stream.strided.gather [hbm4b:s6+s12], $0x0, s13, s12, $0x38;
	[tilespmem:$0x10600] =	vst v63  }
0xa5: {  	s5 =	sshrl.u32 s5, $0x3;
	s7 =	sand.u32 $0x1FFFFFF0, s7;
	s8 =	spop (v2sf)  }
0xa6: {  	[tilespmem:s0], [sflag:$0x1] =	stream.linear.gather [hbm4b:s6+s26], $0x40, $0x38;
	[tilespmem:$0x10600] =	vst v63  }
0xa7: {  	s0 =	sadd.s32 s4, s5;
	s5 =	sand.u32 $0xFFFFFC00, s8;
	s6 =	spop (v2sf)  }
0xa8: {  	[tilespmem:s19], [sflag:$0x1] =	stream.strided.gather [hbm4b:s0+s12], $0x0, s13, s12, $0x38;
	[tilespmem:$0x10600] =	vst v63  }
0xa9: {  	s7 =	sadd.s32 s3, s7;
	s5 =	sadd.s32 s5, s6;
	s6 =	sand.u32 $0x380, s8  }
0xaa: {  	[tilespmem:s19], [sflag:$0x1] =	stream.linear.gather [hbm4b:s0+s26], $0x40, $0x38;
	[tilespmem:$0x10600] =	vst v63  }
0xab: {  	p0 =	sne.s32 s22, $0x1E000;
	s5 =	sor.u32 s6, s5;
	s0 =	sadd.s32 $0xD80, s18  }
0xac: {  	[tilespmem:s0], [sflag:$0x1] =	stream.strided.gather [hbm4b:s7+s12], $0x0, s13, s12, $0x38;
	[tilespmem:$0x10600] =	vst v63  }
0xad: {  	s22 =	sadd.s32 $0x2000, s22;
	s6 =	sadd.s32 $0x8D80, s18;
	s5 =	sshrl.u32 s5, $0x3  }
0xae: {  	[tilespmem:s0], [sflag:$0x1] =	stream.linear.gather [hbm4b:s7+s26], $0x40, $0x38;
	[tilespmem:$0x10600] =	vst v63  }
0xaf: {  	s0 =	sadd.s32 s4, s5  }
0xb0: {  	[tilespmem:s6], [sflag:$0x1] =	stream.strided.gather [hbm4b:s0+s12], $0x0, s13, s12, $0x38;
	[tilespmem:$0x10600] =	vst v63  }
0xb1: {  	_ = 	snop  }
0xb2: {  	[tilespmem:s6], [sflag:$0x1] =	stream.linear.gather [hbm4b:s0+s26], $0x40, $0x38;
	[tilespmem:$0x10600] =	vst v63  }
0xb3: {  	v0 =	vld [tilespmem:s23+$0x0]  }
0xb4: {  	v1 =	vld [tilespmem:s25+$0x0];
	_ =	sdelay $0x1  }
0xb5: {  	v2 =	vld [tilespmem:s24+$0x0];
	_ =	sdelay $0x1  }
0xb6: {  	v0 =	vmul.u32 $0xC35000, v0  }
0xb7: {  	v1 =	vshll.u32 v1, $0x7  }
0xb8: {  	(v2sf) =	vpush v1, $0x0  }
0xb9: {  	v2 =	vshll.u32 v2, $0x4;
	(v2sf) =	vpush v0, $0x0  }
0xba: {  	(v2sf) =	vpush v2, $0x0  }
0xbb: {  	(v2sf) =	vpush v2, $0x1;
	_ =	sdelay $0x2  }
0xbc: {  	(v2sf) =	vpush v1, $0x1  }
0xbd: {  	s18 =	sshra.s32 s1, $0x2  }
0xbe: {  	s7 =	sadd.s32 $0x8600, s18;
	(v2sf) =	vpush v0, $0x1;
	_ =	sdelay $0x1  }
0xbf: {  	s8 =	sadd.s32 $0x600, s18;
	s23 =	sadd.s32 $0x10, s23  }
0xc0: {  	s6 =	sadd.s32 $0x680, s18;
	s25 =	sadd.s32 $0x10, s25;
	s24 =	sadd.s32 $0x10, s24  }
0xc1: {  	s21 =	sadd.s32 $0x8C00, s18;
	s20 =	sadd.s32 $0x8C80, s18;
	s19 =	sadd.s32 $0x8D00, s18;
	(v2sf) =	vpush v2, $0x2  }
0xc2: {  	s29 =	sadd.s32 $0x8B00, s18;
	s28 =	sadd.s32 $0x8B80, s18;
	s26 =	simm.s32 $0x0  }
0xc3: {  	s30 =	sadd.s32 $0x8980, s18;
	s31 =	sadd.s32 $0x8A80, s18;
	s0 =	sadd.s32 $0x8A00, s18;
	(v2sf) =	vpush v1, $0x2  }
0xc4: {  	s1 =	sadd.s32 $0x8880, s18;
	s15 =	sadd.s32 $0x980, s18;
	s5 =	spop (v2sf)  }
0xc5: {  	s16 =	sadd.s32 $0x8800, s18;
	s9 =	sand.u32 $0xFFFFFC00, s5;
	s10 =	spop (v2sf);
	(v2sf) =	vpush v0, $0x2  }
0xc6: {  	s5 =	sand.u32 $0x380, s5;
	s9 =	sadd.s32 s9, s10;
	s10 =	spop (v2sf)  }
0xc7: {  	s10 =	sand.u32 $0x1FFFFFF0, s10;
	s5 =	sor.u32 s5, s9;
	s9 =	spop (v2sf)  }
0xc8: {  	s10 =	sadd.s32 s3, s10;
	s5 =	sshrl.u32 s5, $0x3;
	s9 =	sand.u32 $0x1FFFFFF0, s9  }
0xc9: {  	[tilespmem:s8], [sflag:$0x1] =	stream.strided.gather [hbm4b:s10+s12], $0x0, s13, s12, $0x38;
	(v2sf) =	vpush v2, $0x3;
	[tilespmem:$0x10600] =	vst v63  }
0xca: {  	s14 =	sadd.s32 s4, s5;
	s5 =	sadd.s32 $0x8780, s18;
	s17 =	spop (v2sf)  }
0xcb: {  	[tilespmem:s8], [sflag:$0x1] =	stream.linear.gather [hbm4b:s10+s26], $0x40, $0x38;
	(v2sf) =	vpush v1, $0x3;
	[tilespmem:$0x10600] =	vst v63  }
0xcc: {  	s10 =	sand.u32 $0xFFFFFC00, s17;
	s8 =	sadd.s32 $0x8700, s18;
	s11 =	spop (v2sf)  }
0xcd: {  	[tilespmem:s7], [sflag:$0x1] =	stream.strided.gather [hbm4b:s14+s12], $0x0, s13, s12, $0x38;
	(v2sf) =	vpush v0, $0x3;
	[tilespmem:$0x10600] =	vst v63  }
0xce: {  	s9 =	sadd.s32 s3, s9;
	s10 =	sadd.s32 s10, s11;
	s11 =	sand.u32 $0x380, s17  }
0xcf: {  	[tilespmem:s7], [sflag:$0x1] =	stream.linear.gather [hbm4b:s14+s26], $0x40, $0x38;
	[tilespmem:$0x10600] =	vst v63  }
0xd0: {  	s7 =	sor.u32 s11, s10;
	s10 =	sadd.s32 $0x8680, s18;
	s11 =	spop (v2sf)  }
0xd1: {  	[tilespmem:s6], [sflag:$0x1] =	stream.strided.gather [hbm4b:s9+s12], $0x0, s13, s12, $0x38;
	(v2sf) =	vpush v2, $0x4;
	[tilespmem:$0x10600] =	vst v63  }
0xd2: {  	s7 =	sshrl.u32 s7, $0x3;
	s11 =	sand.u32 $0x1FFFFFF0, s11;
	s14 =	spop (v2sf)  }
0xd3: {  	[tilespmem:s6], [sflag:$0x1] =	stream.linear.gather [hbm4b:s9+s26], $0x40, $0x38;
	(v2sf) =	vpush v1, $0x4;
	[tilespmem:$0x10600] =	vst v63  }
0xd4: {  	s6 =	sadd.s32 s4, s7;
	s7 =	sand.u32 $0xFFFFFC00, s14;
	s9 =	spop (v2sf)  }
0xd5: {  	[tilespmem:s10], [sflag:$0x1] =	stream.strided.gather [hbm4b:s6+s12], $0x0, s13, s12, $0x38;
	(v2sf) =	vpush v0, $0x4;
	[tilespmem:$0x10600] =	vst v63  }
0xd6: {  	s11 =	sadd.s32 s3, s11;
	s7 =	sadd.s32 s7, s9;
	s9 =	sand.u32 $0x380, s14  }
0xd7: {  	[tilespmem:s10], [sflag:$0x1] =	stream.linear.gather [hbm4b:s6+s26], $0x40, $0x38;
	[tilespmem:$0x10600] =	vst v63  }
0xd8: {  	s7 =	sor.u32 s9, s7;
	s6 =	sadd.s32 $0x700, s18;
	s9 =	spop (v2sf)  }
0xd9: {  	[tilespmem:s6], [sflag:$0x1] =	stream.strided.gather [hbm4b:s11+s12], $0x0, s13, s12, $0x38;
	(v2sf) =	vpush v2, $0x5;
	[tilespmem:$0x10600] =	vst v63  }
0xda: {  	s7 =	sshrl.u32 s7, $0x3;
	s9 =	sand.u32 $0x1FFFFFF0, s9;
	s10 =	spop (v2sf)  }
0xdb: {  	[tilespmem:s6], [sflag:$0x1] =	stream.linear.gather [hbm4b:s11+s26], $0x40, $0x38;
	(v2sf) =	vpush v1, $0x5;
	[tilespmem:$0x10600] =	vst v63  }
0xdc: {  	s6 =	sadd.s32 s4, s7;
	s7 =	sand.u32 $0xFFFFFC00, s10;
	s11 =	spop (v2sf)  }
0xdd: {  	[tilespmem:s8], [sflag:$0x1] =	stream.strided.gather [hbm4b:s6+s12], $0x0, s13, s12, $0x38;
	(v2sf) =	vpush v0, $0x5;
	[tilespmem:$0x10600] =	vst v63  }
0xde: {  	s9 =	sadd.s32 s3, s9;
	s10 =	sand.u32 $0x380, s10;
	s7 =	sadd.s32 s7, s11  }
0xdf: {  	[tilespmem:s8], [sflag:$0x1] =	stream.linear.gather [hbm4b:s6+s26], $0x40, $0x38;
	[tilespmem:$0x10600] =	vst v63  }
0xe0: {  	s7 =	sor.u32 s10, s7;
	s6 =	sadd.s32 $0x780, s18;
	s8 =	spop (v2sf)  }
0xe1: {  	[tilespmem:s6], [sflag:$0x1] =	stream.strided.gather [hbm4b:s9+s12], $0x0, s13, s12, $0x38;
	(v2sf) =	vpush v2, $0x6;
	[tilespmem:$0x10600] =	vst v63  }
0xe2: {  	s7 =	sshrl.u32 s7, $0x3;
	s8 =	sand.u32 $0x1FFFFFF0, s8;
	s10 =	spop (v2sf)  }
0xe3: {  	[tilespmem:s6], [sflag:$0x1] =	stream.linear.gather [hbm4b:s9+s26], $0x40, $0x38;
	(v2sf) =	vpush v1, $0x6;
	[tilespmem:$0x10600] =	vst v63  }
0xe4: {  	s6 =	sadd.s32 s4, s7;
	s7 =	sand.u32 $0xFFFFFC00, s10;
	s9 =	spop (v2sf)  }
0xe5: {  	[tilespmem:s5], [sflag:$0x1] =	stream.strided.gather [hbm4b:s6+s12], $0x0, s13, s12, $0x38;
	(v2sf) =	vpush v0, $0x6;
	[tilespmem:$0x10600] =	vst v63  }
0xe6: {  	s8 =	sadd.s32 s3, s8;
	s7 =	sadd.s32 s7, s9;
	s9 =	sand.u32 $0x380, s10  }
0xe7: {  	[tilespmem:s5], [sflag:$0x1] =	stream.linear.gather [hbm4b:s6+s26], $0x40, $0x38;
	[tilespmem:$0x10600] =	vst v63  }
0xe8: {  	s5 =	sadd.s32 $0x800, s18;
	s6 =	sor.u32 s9, s7;
	s7 =	spop (v2sf)  }
0xe9: {  	[tilespmem:s5], [sflag:$0x1] =	stream.strided.gather [hbm4b:s8+s12], $0x0, s13, s12, $0x38;
	(v2sf) =	vpush v2, $0x7;
	[tilespmem:$0x10600] =	vst v63  }
0xea: {  	s6 =	sshrl.u32 s6, $0x3;
	s7 =	sand.u32 $0x1FFFFFF0, s7;
	s9 =	spop (v2sf)  }
0xeb: {  	[tilespmem:s5], [sflag:$0x1] =	stream.linear.gather [hbm4b:s8+s26], $0x40, $0x38;
	(v2sf) =	vpush v1, $0x7;
	[tilespmem:$0x10600] =	vst v63  }
0xec: {  	s5 =	sadd.s32 s4, s6;
	s6 =	sand.u32 $0xFFFFFC00, s9;
	s8 =	spop (v2sf)  }
0xed: {  	[tilespmem:s16], [sflag:$0x1] =	stream.strided.gather [hbm4b:s5+s12], $0x0, s13, s12, $0x38;
	(v2sf) =	vpush v0, $0x7;
	[tilespmem:$0x10600] =	vst v63  }
0xee: {  	s7 =	sadd.s32 s3, s7;
	s6 =	sadd.s32 s6, s8;
	s8 =	sand.u32 $0x380, s9  }
0xef: {  	[tilespmem:s16], [sflag:$0x1] =	stream.linear.gather [hbm4b:s5+s26], $0x40, $0x38;
	[tilespmem:$0x10600] =	vst v63  }
0xf0: {  	s6 =	sor.u32 s8, s6;
	s5 =	sadd.s32 $0x880, s18;
	s8 =	spop (v2sf)  }
0xf1: {  	[tilespmem:s5], [sflag:$0x1] =	stream.strided.gather [hbm4b:s7+s12], $0x0, s13, s12, $0x38;
	(v2sf) =	vpush v2, $0x8;
	[tilespmem:$0x10600] =	vst v63  }
0xf2: {  	s6 =	sshrl.u32 s6, $0x3;
	s8 =	sand.u32 $0x1FFFFFF0, s8;
	s9 =	spop (v2sf)  }
0xf3: {  	[tilespmem:s5], [sflag:$0x1] =	stream.linear.gather [hbm4b:s7+s26], $0x40, $0x38;
	[tilespmem:$0x10600] =	vst v63  }
0xf4: {  	(v2sf) =	vpush v1, $0x8;
	s5 =	sadd.s32 s4, s6  }
.Ltmp0:
0xf5: {  	s7 =	sand.u32 $0xFFFFFC00, s9;
	s10 =	spop (v2sf);
	(pc) =	sbr.rel @p0 .LBB2_2-.Ltmp0, $4  }
0xf6: {  	[tilespmem:s1], [sflag:$0x1] =	stream.strided.gather [hbm4b:s5+s12], $0x0, s13, s12, $0x38;
	(v2sf) =	vpush v0, $0x8;
	[tilespmem:$0x10600] =	vst v63  }
0xf7: {  	s6 =	sadd.s32 s3, s8;
	s9 =	sand.u32 $0x380, s9;
	s8 =	sadd.s32 s7, s10  }
0xf8: {  	[tilespmem:s1], [sflag:$0x1] =	stream.linear.gather [hbm4b:s5+s26], $0x40, $0x38;
	[tilespmem:$0x10600] =	vst v63  }
0xf9: {  	s7 =	sadd.s32 $0x900, s18;
	s8 =	sor.u32 s9, s8;
	s5 =	spop (v2sf)  }
0xfa: {  	[tilespmem:s7], [sflag:$0x1] =	stream.strided.gather [hbm4b:s6+s12], $0x0, s13, s12, $0x38;
	[tilespmem:$0x10600] =	vst v63  }
0xfb: {  	s1 =	sshrl.u32 s8, $0x3;
	(v2sf) =	vpush v2, $0x9  }
0xfc: {  	[tilespmem:s7], [sflag:$0x1] =	stream.linear.gather [hbm4b:s6+s26], $0x40, $0x38;
	[tilespmem:$0x10600] =	vst v63  }
0xfd: {  	s8 =	sadd.s32 $0x8900, s18;
	s9 =	spop (v2sf);
	s1 =	sadd.s32 s4, s1;
	(v2sf) =	vpush v1, $0x9  }
0xfe: {  	[tilespmem:s8], [sflag:$0x1] =	stream.strided.gather [hbm4b:s1+s12], $0x0, s13, s12, $0x38;
	[tilespmem:$0x10600] =	vst v63  }
0xff: {  	s10 =	sand.u32 $0xFFFFFC00, s9;
	(v2sf) =	vpush v0, $0x9;
	s11 =	spop (v2sf)  }
0x100: {  	[tilespmem:s8], [sflag:$0x1] =	stream.linear.gather [hbm4b:s1+s26], $0x40, $0x38;
	[tilespmem:$0x10600] =	vst v63  }
0x101: {  	s5 =	sand.u32 $0x1FFFFFF0, s5;
	s14 =	sand.u32 $0x380, s9;
	s1 =	sadd.s32 s10, s11  }
0x102: {  	s5 =	sadd.s32 s3, s5;
	s16 =	spop (v2sf);
	s1 =	sor.u32 s14, s1  }
0x103: {  	(v2sf) =	vpush v2, $0xA;
	[tilespmem:s15], [sflag:$0x1] =	stream.strided.gather [hbm4b:s5+s12], $0x0, s13, s12, $0x38;
	[tilespmem:$0x10600] =	vst v63  }
0x104: {  	s24 =	sadd.s32 $0xA00, s18;
	s1 =	sshrl.u32 s1, $0x3;
	s17 =	spop (v2sf)  }
0x105: {  	(v2sf) =	vpush v1, $0xA;
	[tilespmem:s15], [sflag:$0x1] =	stream.linear.gather [hbm4b:s5+s26], $0x40, $0x38;
	[tilespmem:$0x10600] =	vst v63  }
0x106: {  	s1 =	sadd.s32 s4, s1;
	s22 =	sand.u32 $0xFFFFFC00, s17;
	s23 =	spop (v2sf)  }
0x107: {  	(v2sf) =	vpush v0, $0xA;
	[tilespmem:s30], [sflag:$0x1] =	stream.strided.gather [hbm4b:s1+s12], $0x0, s13, s12, $0x38;
	[tilespmem:$0x10600] =	vst v63  }
0x108: {  	s6 =	sand.u32 $0x1FFFFFF0, s16;
	s7 =	sand.u32 $0x380, s17;
	s5 =	sadd.s32 s22, s23  }
0x109: {  	[tilespmem:s30], [sflag:$0x1] =	stream.linear.gather [hbm4b:s1+s26], $0x40, $0x38;
	[tilespmem:$0x10600] =	vst v63  }
0x10a: {  	s6 =	sadd.s32 s3, s6;
	s5 =	sor.u32 s7, s5;
	s25 =	spop (v2sf)  }
0x10b: {  	(v2sf) =	vpush v2, $0xB;
	[tilespmem:s24], [sflag:$0x1] =	stream.strided.gather [hbm4b:s6+s12], $0x0, s13, s12, $0x38;
	[tilespmem:$0x10600] =	vst v63  }
0x10c: {  	s16 =	sadd.s32 $0xA80, s18;
	s5 =	sshrl.u32 s5, $0x3;
	s30 =	spop (v2sf)  }
0x10d: {  	(v2sf) =	vpush v1, $0xB;
	[tilespmem:s24], [sflag:$0x1] =	stream.linear.gather [hbm4b:s6+s26], $0x40, $0x38;
	[tilespmem:$0x10600] =	vst v63  }
0x10e: {  	s9 =	sadd.s32 s4, s5;
	s10 =	sand.u32 $0xFFFFFC00, s30;
	s11 =	spop (v2sf)  }
0x10f: {  	(v2sf) =	vpush v0, $0xB;
	[tilespmem:s0], [sflag:$0x1] =	stream.strided.gather [hbm4b:s9+s12], $0x0, s13, s12, $0x38;
	[tilespmem:$0x10600] =	vst v63  }
0x110: {  	s7 =	sand.u32 $0x1FFFFFF0, s25;
	s15 =	sand.u32 $0x380, s30;
	s5 =	sadd.s32 s10, s11  }
0x111: {  	[tilespmem:s0], [sflag:$0x1] =	stream.linear.gather [hbm4b:s9+s26], $0x40, $0x38;
	[tilespmem:$0x10600] =	vst v63  }
0x112: {  	s14 =	sadd.s32 s3, s7;
	s17 =	sor.u32 s15, s5;
	s22 =	spop (v2sf)  }
0x113: {  	(v2sf) =	vpush v2, $0xC;
	[tilespmem:s16], [sflag:$0x1] =	stream.strided.gather [hbm4b:s14+s12], $0x0, s13, s12, $0x38;
	[tilespmem:$0x10600] =	vst v63  }
0x114: {  	s8 =	sadd.s32 $0xB00, s18;
	s1 =	sshrl.u32 s17, $0x3;
	s23 =	spop (v2sf)  }
0x115: {  	(v2sf) =	vpush v1, $0xC;
	[tilespmem:s16], [sflag:$0x1] =	stream.linear.gather [hbm4b:s14+s26], $0x40, $0x38;
	[tilespmem:$0x10600] =	vst v63  }
0x116: {  	s24 =	sadd.s32 s4, s1;
	s25 =	sand.u32 $0xFFFFFC00, s23;
	s30 =	spop (v2sf)  }
0x117: {  	(v2sf) =	vpush v0, $0xC;
	[tilespmem:s31], [sflag:$0x1] =	stream.strided.gather [hbm4b:s24+s12], $0x0, s13, s12, $0x38;
	[tilespmem:$0x10600] =	vst v63  }
0x118: {  	s5 =	sand.u32 $0x1FFFFFF0, s22;
	s7 =	sand.u32 $0x380, s23;
	s1 =	sadd.s32 s25, s30  }
0x119: {  	[tilespmem:s31], [sflag:$0x1] =	stream.linear.gather [hbm4b:s24+s26], $0x40, $0x38;
	[tilespmem:$0x10600] =	vst v63  }
0x11a: {  	s5 =	sadd.s32 s3, s5;
	s1 =	sor.u32 s7, s1;
	s9 =	spop (v2sf)  }
0x11b: {  	(v2sf) =	vpush v2, $0xD;
	[tilespmem:s8], [sflag:$0x1] =	stream.strided.gather [hbm4b:s5+s12], $0x0, s13, s12, $0x38;
	[tilespmem:$0x10600] =	vst v63  }
0x11c: {  	s22 =	sadd.s32 $0xB80, s18;
	s1 =	sshrl.u32 s1, $0x3;
	s10 =	spop (v2sf)  }
0x11d: {  	(v2sf) =	vpush v1, $0xD;
	[tilespmem:s8], [sflag:$0x1] =	stream.linear.gather [hbm4b:s5+s26], $0x40, $0x38;
	[tilespmem:$0x10600] =	vst v63  }
0x11e: {  	s11 =	sadd.s32 s4, s1;
	s14 =	sand.u32 $0xFFFFFC00, s10;
	s15 =	spop (v2sf)  }
0x11f: {  	(v2sf) =	vpush v0, $0xD;
	[tilespmem:s29], [sflag:$0x1] =	stream.strided.gather [hbm4b:s11+s12], $0x0, s13, s12, $0x38;
	[tilespmem:$0x10600] =	vst v63  }
0x120: {  	s6 =	sand.u32 $0x1FFFFFF0, s9;
	s17 =	sand.u32 $0x380, s10;
	s1 =	sadd.s32 s14, s15  }
0x121: {  	[tilespmem:s29], [sflag:$0x1] =	stream.linear.gather [hbm4b:s11+s26], $0x40, $0x38;
	[tilespmem:$0x10600] =	vst v63  }
0x122: {  	s16 =	sadd.s32 s3, s6;
	s1 =	sor.u32 s17, s1;
	s23 =	spop (v2sf)  }
0x123: {  	(v2sf) =	vpush v2, $0xE;
	[tilespmem:s22], [sflag:$0x1] =	stream.strided.gather [hbm4b:s16+s12], $0x0, s13, s12, $0x38;
	[tilespmem:$0x10600] =	vst v63  }
0x124: {  	s9 =	sadd.s32 $0xC00, s18;
	s1 =	sshrl.u32 s1, $0x3;
	s24 =	spop (v2sf)  }
0x125: {  	(v2sf) =	vpush v1, $0xE;
	[tilespmem:s22], [sflag:$0x1] =	stream.linear.gather [hbm4b:s16+s26], $0x40, $0x38;
	[tilespmem:$0x10600] =	vst v63  }
0x126: {  	s25 =	sadd.s32 s4, s1;
	s29 =	sand.u32 $0xFFFFFC00, s24;
	s30 =	spop (v2sf)  }
0x127: {  	(v2sf) =	vpush v0, $0xE;
	[tilespmem:s28], [sflag:$0x1] =	stream.strided.gather [hbm4b:s25+s12], $0x0, s13, s12, $0x38;
	[tilespmem:$0x10600] =	vst v63  }
0x128: {  	s6 =	sand.u32 $0x1FFFFFF0, s23;
	s8 =	sand.u32 $0x380, s24;
	s1 =	sadd.s32 s29, s30  }
0x129: {  	[tilespmem:s28], [sflag:$0x1] =	stream.linear.gather [hbm4b:s25+s26], $0x40, $0x38;
	[tilespmem:$0x10600] =	vst v63  }
0x12a: {  	s31 =	sadd.s32 s3, s6;
	s10 =	spop (v2sf);
	s1 =	sor.u32 s8, s1  }
0x12b: {  	(v2sf) =	vpush v2, $0xF;
	[tilespmem:s9], [sflag:$0x1] =	stream.strided.gather [hbm4b:s31+s12], $0x0, s13, s12, $0x38;
	[tilespmem:$0x10600] =	vst v63  }
0x12c: {  	s23 =	sadd.s32 $0xC80, s18;
	s1 =	sshrl.u32 s1, $0x3;
	s11 =	spop (v2sf)  }
0x12d: {  	(v2sf) =	vpush v1, $0xF;
	[tilespmem:s9], [sflag:$0x1] =	stream.linear.gather [hbm4b:s31+s26], $0x40, $0x38;
	[tilespmem:$0x10600] =	vst v63  }
0x12e: {  	s14 =	sadd.s32 s4, s1;
	s15 =	sand.u32 $0xFFFFFC00, s11;
	s16 =	spop (v2sf)  }
0x12f: {  	(v2sf) =	vpush v0, $0xF;
	[tilespmem:s21], [sflag:$0x1] =	stream.strided.gather [hbm4b:s14+s12], $0x0, s13, s12, $0x38;
	[tilespmem:$0x10600] =	vst v63  }
0x130: {  	s6 =	sand.u32 $0x1FFFFFF0, s10;
	s22 =	sand.u32 $0x380, s11;
	s1 =	sadd.s32 s15, s16  }
0x131: {  	[tilespmem:s21], [sflag:$0x1] =	stream.linear.gather [hbm4b:s14+s26], $0x40, $0x38;
	[tilespmem:$0x10600] =	vst v63  }
0x132: {  	s17 =	sadd.s32 s3, s6;
	s1 =	sor.u32 s22, s1;
	s24 =	spop (v2sf)  }
0x133: {  	[tilespmem:s23], [sflag:$0x1] =	stream.strided.gather [hbm4b:s17+s12], $0x0, s13, s12, $0x38;
	[tilespmem:$0x10600] =	vst v63  }
0x134: {  	s7 =	sadd.s32 $0xD00, s18;
	s1 =	sshrl.u32 s1, $0x3;
	s25 =	spop (v2sf)  }
0x135: {  	[tilespmem:s23], [sflag:$0x1] =	stream.linear.gather [hbm4b:s17+s26], $0x40, $0x38;
	[tilespmem:$0x10600] =	vst v63  }
0x136: {  	s28 =	sadd.s32 s4, s1;
	s29 =	sand.u32 $0xFFFFFC00, s25;
	s30 =	spop (v2sf)  }
0x137: {  	[tilespmem:s20], [sflag:$0x1] =	stream.strided.gather [hbm4b:s28+s12], $0x0, s13, s12, $0x38;
	[tilespmem:$0x10600] =	vst v63  }
0x138: {  	s6 =	sand.u32 $0x1FFFFFF0, s24;
	s31 =	sand.u32 $0x380, s25;
	s1 =	sadd.s32 s29, s30  }
0x139: {  	[tilespmem:s20], [sflag:$0x1] =	stream.linear.gather [hbm4b:s28+s26], $0x40, $0x38;
	[tilespmem:$0x10600] =	vst v63  }
0x13a: {  	s6 =	sadd.s32 s3, s6;
	s8 =	spop (v2sf);
	s1 =	sor.u32 s31, s1  }
0x13b: {  	[tilespmem:s7], [sflag:$0x1] =	stream.strided.gather [hbm4b:s6+s12], $0x0, s13, s12, $0x38;
	[tilespmem:$0x10600] =	vst v63  }
0x13c: {  	s1 =	sshrl.u32 s1, $0x3;
	s9 =	spop (v2sf)  }
0x13d: {  	[tilespmem:s7], [sflag:$0x1] =	stream.linear.gather [hbm4b:s6+s26], $0x40, $0x38;
	[tilespmem:$0x10600] =	vst v63  }
0x13e: {  	s10 =	sadd.s32 s4, s1;
	s11 =	sand.u32 $0xFFFFFC00, s9;
	s14 =	spop (v2sf)  }
0x13f: {  	[tilespmem:s19], [sflag:$0x1] =	stream.strided.gather [hbm4b:s10+s12], $0x0, s13, s12, $0x38;
	[tilespmem:$0x10600] =	vst v63  }
0x140: {  	s5 =	sand.u32 $0x1FFFFFF0, s8;
	s15 =	sand.u32 $0x380, s9;
	s1 =	sadd.s32 s11, s14  }
0x141: {  	[tilespmem:s19], [sflag:$0x1] =	stream.linear.gather [hbm4b:s10+s26], $0x40, $0x38;
	[tilespmem:$0x10600] =	vst v63  }
0x142: {  	s16 =	sadd.s32 s3, s5;
	s17 =	sadd.s32 $0xD80, s18;
	s1 =	sor.u32 s15, s1  }
0x143: {  	[tilespmem:s17], [sflag:$0x1] =	stream.strided.gather [hbm4b:s16+s12], $0x0, s13, s12, $0x38;
	[tilespmem:$0x10600] =	vst v63  }
0x144: {  	s1 =	sshrl.u32 s1, $0x3  }
0x145: {  	[tilespmem:s17], [sflag:$0x1] =	stream.linear.gather [hbm4b:s16+s26], $0x40, $0x38;
	[tilespmem:$0x10600] =	vst v63  }
0x146: {  	s18 =	sadd.s32 $0x8D80, s18;
	s1 =	sadd.s32 s4, s1  }
0x147: {  	[tilespmem:s18], [sflag:$0x1] =	stream.strided.gather [hbm4b:s1+s12], $0x0, s13, s12, $0x38;
	[tilespmem:$0x10600] =	vst v63  }
0x148: {  	s19 =	simm.s32 $0x500  }
0x149: {  	[tilespmem:s18], [sflag:$0x1] =	stream.linear.gather [hbm4b:s1+s26], $0x40, $0x38;
	[tilespmem:$0x10600] =	vst v63  }
0x14a: {  	s20 =	simm.s32 $0x300;
	v61 =	vld [tilespmem:s19+$0x0]  }
0x14b: {  	s21 =	simm.s32 $0x100;
	v62 =	vld [tilespmem:s20+$0x0]  }
0x14c: {  	v63 =	vld [tilespmem:s21+$0x0];
	_ =	sdelay $0x3  }
0x14d: {  	v1 =	vshll.u32 v62, $0x7  }
0x14e: {  	v0 =	vmul.u32 $0xC35000, v61;
	v2 =	vshll.u32 v63, $0x4;
	(v2sf) =	vpush v1, $0x0  }
0x14f: {  	(v2sf) =	vpush v2, $0x0  }
0x150: {  	(v2sf) =	vpush v0, $0x0;
	_ =	sdelay $0x2  }
0x151: {  	(v2sf) =	vpush v2, $0x1  }
0x152: {  	(v2sf) =	vpush v1, $0x1;
	_ =	sdelay $0x1  }
0x153: {  	(v2sf) =	vpush v0, $0x1;
	_ =	sdelay $0x3  }
0x154: {  	(v2sf) =	vpush v2, $0x2;
	_ =	sdelay $0x1  }
0x155: {  	s24 =	simm.s32 $0x8640;
	(v2sf) =	vpush v1, $0x2  }
0x156: {  	s23 =	simm.s32 $0x640;
	s28 =	simm.s32 $0x740;
	s22 =	spop (v2sf)  }
0x157: {  	s14 =	simm.s32 $0x6C0;
	s17 =	simm.s32 $0x86C0;
	(v2sf) =	vpush v0, $0x2;
	s25 =	spop (v2sf)  }
0x158: {  	s26 =	sand.u32 $0xFFFFFC00, s22;
	s7 =	sand.u32 $0x1FFFFFF0, s25;
	s9 =	spop (v2sf)  }
0x159: {  	s1 =	sand.u32 $0x380, s22;
	(v2sf) =	vpush v2, $0x3;
	s7 =	sadd.s32 s3, s7;
	s8 =	sadd.s32 s26, s9  }
0x15a: {  	[tilespmem:s23], [sflag:$0x1] =	stream.strided.gather [hbm4b:s7+s12], $0x0, s13, s12, $0x38;
	[tilespmem:$0x10600] =	vst v63  }
0x15b: {  	s22 =	simm.s32 $0x8740;
	s29 =	spop (v2sf);
	s1 =	sor.u32 s1, s8  }
0x15c: {  	s26 =	simm.s32 $0x840;
	s31 =	spop (v2sf);
	s1 =	sshrl.u32 s1, $0x3  }
0x15d: {  	(v2sf) =	vpush v1, $0x3;
	[tilespmem:s23], [sflag:$0x1] =	stream.linear.gather [hbm4b:s7+s2], $0x40, $0x38;
	[tilespmem:$0x10600] =	vst v63  }
0x15e: {  	s11 =	sand.u32 $0xFFFFFC00, s31;
	s10 =	spop (v2sf);
	s1 =	sadd.s32 s4, s1  }
0x15f: {  	(v2sf) =	vpush v0, $0x3;
	[tilespmem:s24], [sflag:$0x1] =	stream.strided.gather [hbm4b:s1+s12], $0x0, s13, s12, $0x38;
	[tilespmem:$0x10600] =	vst v63  }
0x160: {  	s30 =	sand.u32 $0x1FFFFFF0, s29;
	s8 =	sadd.s32 s11, s10;
	s7 =	sand.u32 $0x380, s31  }
0x161: {  	(v2sf) =	vpush v2, $0x4;
	[tilespmem:s24], [sflag:$0x1] =	stream.linear.gather [hbm4b:s1+s2], $0x40, $0x38;
	[tilespmem:$0x10600] =	vst v63  }
0x162: {  	s5 =	sadd.s32 s3, s30;
	s16 =	spop (v2sf);
	s15 =	sor.u32 s7, s8  }
0x163: {  	[tilespmem:s14], [sflag:$0x1] =	stream.strided.gather [hbm4b:s5+s12], $0x0, s13, s12, $0x38;
	[tilespmem:$0x10600] =	vst v63  }
0x164: {  	s18 =	spop (v2sf);
	s6 =	sand.u32 $0x1FFFFFF0, s16;
	s1 =	sshrl.u32 s15, $0x3  }
0x165: {  	(v2sf) =	vpush v1, $0x4;
	[tilespmem:s14], [sflag:$0x1] =	stream.linear.gather [hbm4b:s5+s2], $0x40, $0x38;
	[tilespmem:$0x10600] =	vst v63  }
0x166: {  	s19 =	sand.u32 $0xFFFFFC00, s18;
	s1 =	sadd.s32 s4, s1;
	s20 =	spop (v2sf)  }
0x167: {  	(v2sf) =	vpush v0, $0x4;
	[tilespmem:s17], [sflag:$0x1] =	stream.strided.gather [hbm4b:s1+s12], $0x0, s13, s12, $0x38;
	[tilespmem:$0x10600] =	vst v63  }
0x168: {  	s8 =	sand.u32 $0x380, s18;
	s5 =	sadd.s32 s19, s20;
	s21 =	spop (v2sf);
	(v2sf) =	vpush v2, $0x5  }
0x169: {  	[tilespmem:s17], [sflag:$0x1] =	stream.linear.gather [hbm4b:s1+s2], $0x40, $0x38;
	[tilespmem:$0x10600] =	vst v63  }
0x16a: {  	s30 =	simm.s32 $0x87C0;
	s6 =	sadd.s32 s3, s6;
	s5 =	sor.u32 s8, s5  }
0x16b: {  	[tilespmem:s28], [sflag:$0x1] =	stream.strided.gather [hbm4b:s6+s12], $0x0, s13, s12, $0x38;
	[tilespmem:$0x10600] =	vst v63  }
0x16c: {  	s11 =	simm.s32 $0x8C0;
	s23 =	spop (v2sf);
	s5 =	sshrl.u32 s5, $0x3  }
0x16d: {  	[tilespmem:s28], [sflag:$0x1] =	stream.linear.gather [hbm4b:s6+s2], $0x40, $0x38;
	[tilespmem:$0x10600] =	vst v63  }
0x16e: {  	(v2sf) =	vpush v1, $0x5;
	s24 =	sand.u32 $0xFFFFFC00, s23;
	s25 =	spop (v2sf);
	s5 =	sadd.s32 s4, s5  }
0x16f: {  	[tilespmem:s22], [sflag:$0x1] =	stream.strided.gather [hbm4b:s5+s12], $0x0, s13, s12, $0x38;
	[tilespmem:$0x10600] =	vst v63  }
0x170: {  	(v2sf) =	vpush v0, $0x5;
	s1 =	sand.u32 $0x1FFFFFF0, s21;
	s8 =	sand.u32 $0x380, s23;
	s29 =	spop (v2sf)  }
0x171: {  	[tilespmem:s22], [sflag:$0x1] =	stream.linear.gather [hbm4b:s5+s2], $0x40, $0x38;
	[tilespmem:$0x10600] =	vst v63  }
0x172: {  	s1 =	sadd.s32 s3, s1;
	(v2sf) =	vpush v2, $0x6;
	s6 =	sadd.s32 s24, s25;
	s28 =	simm.s32 $0x7C0  }
0x173: {  	[tilespmem:s28], [sflag:$0x1] =	stream.strided.gather [hbm4b:s1+s12], $0x0, s13, s12, $0x38;
	[tilespmem:$0x10600] =	vst v63  }
0x174: {  	s18 =	simm.s32 $0x8840;
	s31 =	spop (v2sf);
	(v2sf) =	vpush v1, $0x6;
	s6 =	sor.u32 s8, s6  }
0x175: {  	[tilespmem:s28], [sflag:$0x1] =	stream.linear.gather [hbm4b:s1+s2], $0x40, $0x38;
	[tilespmem:$0x10600] =	vst v63  }
0x176: {  	s15 =	sand.u32 $0xFFFFFC00, s31;
	s6 =	sshrl.u32 s6, $0x3;
	s16 =	spop (v2sf);
	(v2sf) =	vpush v0, $0x6  }
0x177: {  	s24 =	simm.s32 $0x88C0;
	s14 =	sadd.s32 s4, s6;
	s17 =	spop (v2sf)  }
0x178: {  	(v2sf) =	vpush v2, $0x7;
	[tilespmem:s30], [sflag:$0x1] =	stream.strided.gather [hbm4b:s14+s12], $0x0, s13, s12, $0x38;
	[tilespmem:$0x10600] =	vst v63  }
0x179: {  	s8 =	sand.u32 $0x380, s31;
	s5 =	sand.u32 $0x1FFFFFF0, s29;
	s6 =	sadd.s32 s15, s16  }
0x17a: {  	[tilespmem:s30], [sflag:$0x1] =	stream.linear.gather [hbm4b:s14+s2], $0x40, $0x38;
	[tilespmem:$0x10600] =	vst v63  }
0x17b: {  	s31 =	simm.s32 $0x9C0;
	s5 =	sadd.s32 s3, s5;
	s6 =	sor.u32 s8, s6  }
0x17c: {  	[tilespmem:s26], [sflag:$0x1] =	stream.strided.gather [hbm4b:s5+s12], $0x0, s13, s12, $0x38;
	[tilespmem:$0x10600] =	vst v63  }
0x17d: {  	s19 =	spop (v2sf);
	s1 =	sand.u32 $0x1FFFFFF0, s17;
	s6 =	sshrl.u32 s6, $0x3  }
0x17e: {  	(v2sf) =	vpush v1, $0x7;
	[tilespmem:s26], [sflag:$0x1] =	stream.linear.gather [hbm4b:s5+s2], $0x40, $0x38;
	[tilespmem:$0x10600] =	vst v63  }
0x17f: {  	s21 =	sand.u32 $0xFFFFFC00, s19;
	s22 =	spop (v2sf);
	s20 =	sadd.s32 s4, s6  }
0x180: {  	(v2sf) =	vpush v0, $0x7;
	[tilespmem:s18], [sflag:$0x1] =	stream.strided.gather [hbm4b:s20+s12], $0x0, s13, s12, $0x38;
	[tilespmem:$0x10600] =	vst v63  }
0x181: {  	s8 =	sand.u32 $0x380, s19;
	s6 =	sadd.s32 s21, s22;
	s23 =	spop (v2sf)  }
0x182: {  	(v2sf) =	vpush v2, $0x8;
	[tilespmem:s18], [sflag:$0x1] =	stream.linear.gather [hbm4b:s20+s2], $0x40, $0x38;
	[tilespmem:$0x10600] =	vst v63  }
0x183: {  	s1 =	sadd.s32 s3, s1;
	s6 =	sor.u32 s8, s6;
	s25 =	spop (v2sf)  }
0x184: {  	(v2sf) =	vpush v1, $0x8;
	[tilespmem:s11], [sflag:$0x1] =	stream.strided.gather [hbm4b:s1+s12], $0x0, s13, s12, $0x38;
	[tilespmem:$0x10600] =	vst v63  }
0x185: {  	s16 =	simm.s32 $0x8940;
	s6 =	sshrl.u32 s6, $0x3;
	s29 =	spop (v2sf)  }
0x186: {  	(v2sf) =	vpush v0, $0x8;
	[tilespmem:s11], [sflag:$0x1] =	stream.linear.gather [hbm4b:s1+s2], $0x40, $0x38;
	[tilespmem:$0x10600] =	vst v63  }
0x187: {  	s28 =	sand.u32 $0xFFFFFC00, s25;
	s26 =	sadd.s32 s4, s6;
	s15 =	spop (v2sf);
	(v2sf) =	vpush v2, $0x9  }
0x188: {  	[tilespmem:s24], [sflag:$0x1] =	stream.strided.gather [hbm4b:s26+s12], $0x0, s13, s12, $0x38;
	[tilespmem:$0x10600] =	vst v63  }
0x189: {  	s8 =	sand.u32 $0x380, s25;
	s5 =	sand.u32 $0x1FFFFFF0, s23;
	s6 =	sadd.s32 s28, s29  }
0x18a: {  	[tilespmem:s24], [sflag:$0x1] =	stream.linear.gather [hbm4b:s26+s2], $0x40, $0x38;
	[tilespmem:$0x10600] =	vst v63  }
0x18b: {  	s30 =	simm.s32 $0x940;
	s5 =	sadd.s32 s3, s5;
	s6 =	sor.u32 s8, s6  }
0x18c: {  	[tilespmem:s30], [sflag:$0x1] =	stream.strided.gather [hbm4b:s5+s12], $0x0, s13, s12, $0x38;
	[tilespmem:$0x10600] =	vst v63  }
0x18d: {  	s14 =	simm.s32 $0xA40;
	s17 =	spop (v2sf);
	(v2sf) =	vpush v1, $0x9;
	s6 =	sshrl.u32 s6, $0x3  }
0x18e: {  	[tilespmem:s30], [sflag:$0x1] =	stream.linear.gather [hbm4b:s5+s2], $0x40, $0x38;
	[tilespmem:$0x10600] =	vst v63  }
0x18f: {  	s1 =	sand.u32 $0x1FFFFFF0, s15;
	s20 =	spop (v2sf);
	(v2sf) =	vpush v0, $0x9;
	s18 =	sadd.s32 s4, s6  }
0x190: {  	[tilespmem:s16], [sflag:$0x1] =	stream.strided.gather [hbm4b:s18+s12], $0x0, s13, s12, $0x38;
	[tilespmem:$0x10600] =	vst v63  }
0x191: {  	s19 =	sand.u32 $0xFFFFFC00, s17;
	s8 =	sand.u32 $0x380, s17;
	s21 =	spop (v2sf);
	(v2sf) =	vpush v2, $0xA  }
0x192: {  	[tilespmem:s16], [sflag:$0x1] =	stream.linear.gather [hbm4b:s18+s2], $0x40, $0x38;
	[tilespmem:$0x10600] =	vst v63  }
0x193: {  	s1 =	sadd.s32 s3, s1;
	s6 =	sadd.s32 s19, s20;
	s23 =	spop (v2sf);
	(v2sf) =	vpush v1, $0xA  }
0x194: {  	[tilespmem:s31], [sflag:$0x1] =	stream.strided.gather [hbm4b:s1+s12], $0x0, s13, s12, $0x38;
	[tilespmem:$0x10600] =	vst v63  }
0x195: {  	s22 =	simm.s32 $0x89C0;
	s6 =	sor.u32 s8, s6;
	s26 =	spop (v2sf);
	(v2sf) =	vpush v0, $0xA  }
0x196: {  	s29 =	simm.s32 $0x8A40;
	s6 =	sshrl.u32 s6, $0x3;
	s28 =	spop (v2sf)  }
0x197: {  	(v2sf) =	vpush v2, $0xB;
	[tilespmem:s31], [sflag:$0x1] =	stream.linear.gather [hbm4b:s1+s2], $0x40, $0x38;
	[tilespmem:$0x10600] =	vst v63  }
0x198: {  	s25 =	sand.u32 $0xFFFFFC00, s23;
	s24 =	sadd.s32 s4, s6;
	s5 =	sand.u32 $0x1FFFFFF0, s21  }
0x199: {  	[tilespmem:s22], [sflag:$0x1] =	stream.strided.gather [hbm4b:s24+s12], $0x0, s13, s12, $0x38;
	[tilespmem:$0x10600] =	vst v63  }
0x19a: {  	s8 =	sand.u32 $0x380, s23;
	s5 =	sadd.s32 s3, s5;
	s6 =	sadd.s32 s25, s26  }
0x19b: {  	[tilespmem:s22], [sflag:$0x1] =	stream.linear.gather [hbm4b:s24+s2], $0x40, $0x38;
	[tilespmem:$0x10600] =	vst v63  }
0x19c: {  	s6 =	sor.u32 s8, s6;
	s30 =	spop (v2sf);
	s1 =	sand.u32 $0x1FFFFFF0, s28  }
0x19d: {  	(v2sf) =	vpush v1, $0xB;
	[tilespmem:s14], [sflag:$0x1] =	stream.strided.gather [hbm4b:s5+s12], $0x0, s13, s12, $0x38;
	[tilespmem:$0x10600] =	vst v63  }
0x19e: {  	s6 =	sshrl.u32 s6, $0x3;
	s10 =	sand.u32 $0xFFFFFC00, s30;
	s11 =	spop (v2sf)  }
0x19f: {  	(v2sf) =	vpush v0, $0xB;
	[tilespmem:s14], [sflag:$0x1] =	stream.linear.gather [hbm4b:s5+s2], $0x40, $0x38;
	[tilespmem:$0x10600] =	vst v63  }
0x1a0: {  	s8 =	sand.u32 $0x380, s30;
	s31 =	sadd.s32 s4, s6;
	s17 =	spop (v2sf)  }
0x1a1: {  	(v2sf) =	vpush v2, $0xC;
	[tilespmem:s29], [sflag:$0x1] =	stream.strided.gather [hbm4b:s31+s12], $0x0, s13, s12, $0x38;
	[tilespmem:$0x10600] =	vst v63  }
0x1a2: {  	s1 =	sadd.s32 s3, s1;
	s6 =	sadd.s32 s10, s11;
	s19 =	spop (v2sf)  }
0x1a3: {  	(v2sf) =	vpush v1, $0xC;
	[tilespmem:s29], [sflag:$0x1] =	stream.linear.gather [hbm4b:s31+s2], $0x40, $0x38;
	[tilespmem:$0x10600] =	vst v63  }
0x1a4: {  	s6 =	sor.u32 s8, s6;
	s14 =	simm.s32 $0xAC0;
	s22 =	spop (v2sf)  }
0x1a5: {  	(v2sf) =	vpush v0, $0xC;
	[tilespmem:s14], [sflag:$0x1] =	stream.strided.gather [hbm4b:s1+s12], $0x0, s13, s12, $0x38;
	[tilespmem:$0x10600] =	vst v63  }
0x1a6: {  	s15 =	simm.s32 $0xB40;
	s6 =	sshrl.u32 s6, $0x3;
	s23 =	spop (v2sf);
	(v2sf) =	vpush v2, $0xD  }
0x1a7: {  	[tilespmem:s14], [sflag:$0x1] =	stream.linear.gather [hbm4b:s1+s2], $0x40, $0x38;
	[tilespmem:$0x10600] =	vst v63  }
0x1a8: {  	s18 =	simm.s32 $0x8AC0;
	s21 =	sand.u32 $0xFFFFFC00, s19;
	s20 =	sadd.s32 s4, s6  }
0x1a9: {  	[tilespmem:s18], [sflag:$0x1] =	stream.strided.gather [hbm4b:s20+s12], $0x0, s13, s12, $0x38;
	[tilespmem:$0x10600] =	vst v63  }
0x1aa: {  	s8 =	sand.u32 $0x380, s19;
	s5 =	sand.u32 $0x1FFFFFF0, s17;
	s6 =	sadd.s32 s21, s22  }
0x1ab: {  	[tilespmem:s18], [sflag:$0x1] =	stream.linear.gather [hbm4b:s20+s2], $0x40, $0x38;
	[tilespmem:$0x10600] =	vst v63  }
0x1ac: {  	s5 =	sadd.s32 s3, s5;
	s6 =	sor.u32 s8, s6;
	s25 =	spop (v2sf)  }
0x1ad: {  	[tilespmem:s15], [sflag:$0x1] =	stream.strided.gather [hbm4b:s5+s12], $0x0, s13, s12, $0x38;
	[tilespmem:$0x10600] =	vst v63  }
0x1ae: {  	s16 =	simm.s32 $0xBC0;
	s6 =	sshrl.u32 s6, $0x3;
	s28 =	spop (v2sf)  }
0x1af: {  	[tilespmem:s15], [sflag:$0x1] =	stream.linear.gather [hbm4b:s5+s2], $0x40, $0x38;
	[tilespmem:$0x10600] =	vst v63  }
0x1b0: {  	s24 =	simm.s32 $0x8B40;
	(v2sf) =	vpush v1, $0xD;
	s6 =	sadd.s32 s4, s6;
	s29 =	spop (v2sf)  }
0x1b1: {  	[tilespmem:s24], [sflag:$0x1] =	stream.strided.gather [hbm4b:s6+s12], $0x0, s13, s12, $0x38;
	[tilespmem:$0x10600] =	vst v63  }
0x1b2: {  	s26 =	sand.u32 $0xFFFFFC00, s25;
	(v2sf) =	vpush v0, $0xD;
	s8 =	sand.u32 $0x380, s25;
	s31 =	spop (v2sf)  }
0x1b3: {  	[tilespmem:s24], [sflag:$0x1] =	stream.linear.gather [hbm4b:s6+s2], $0x40, $0x38;
	[tilespmem:$0x10600] =	vst v63  }
0x1b4: {  	s1 =	sand.u32 $0x1FFFFFF0, s23;
	s5 =	sadd.s32 s26, s28;
	s14 =	spop (v2sf);
	(v2sf) =	vpush v2, $0xE  }
0x1b5: {  	s1 =	sadd.s32 s3, s1;
	s5 =	sor.u32 s8, s5;
	(v2sf) =	vpush v1, $0xE;
	s15 =	spop (v2sf)  }
0x1b6: {  	[tilespmem:s16], [sflag:$0x1] =	stream.strided.gather [hbm4b:s1+s12], $0x0, s13, s12, $0x38;
	(v2sf) =	vpush v0, $0xE;
	[tilespmem:$0x10600] =	vst v63  }
0x1b7: {  	s5 =	sshrl.u32 s5, $0x3  }
0x1b8: {  	[tilespmem:s16], [sflag:$0x1] =	stream.linear.gather [hbm4b:s1+s2], $0x40, $0x38;
	[tilespmem:$0x10600] =	vst v63  }
0x1b9: {  	s30 =	simm.s32 $0x8BC0;
	s11 =	sand.u32 $0xFFFFFC00, s31;
	s10 =	sadd.s32 s4, s5  }
0x1ba: {  	[tilespmem:s30], [sflag:$0x1] =	stream.strided.gather [hbm4b:s10+s12], $0x0, s13, s12, $0x38;
	[tilespmem:$0x10600] =	vst v63  }
0x1bb: {  	s8 =	sand.u32 $0x380, s31;
	s6 =	sand.u32 $0x1FFFFFF0, s29;
	s5 =	sadd.s32 s11, s14  }
0x1bc: {  	[tilespmem:s30], [sflag:$0x1] =	stream.linear.gather [hbm4b:s10+s2], $0x40, $0x38;
	[tilespmem:$0x10600] =	vst v63  }
0x1bd: {  	s0 =	simm.s32 $0xC40;
	s6 =	sadd.s32 s3, s6;
	s5 =	sor.u32 s8, s5  }
0x1be: {  	[tilespmem:s0], [sflag:$0x1] =	stream.strided.gather [hbm4b:s6+s12], $0x0, s13, s12, $0x38;
	[tilespmem:$0x10600] =	vst v63  }
0x1bf: {  	s17 =	spop (v2sf);
	s5 =	sshrl.u32 s5, $0x3;
	(v2sf) =	vpush v2, $0xF  }
0x1c0: {  	[tilespmem:s0], [sflag:$0x1] =	stream.linear.gather [hbm4b:s6+s2], $0x40, $0x38;
	[tilespmem:$0x10600] =	vst v63  }
0x1c1: {  	s20 =	spop (v2sf);
	s16 =	simm.s32 $0x8C40;
	s18 =	sadd.s32 s4, s5  }
0x1c2: {  	[tilespmem:s16], [sflag:$0x1] =	stream.strided.gather [hbm4b:s18+s12], $0x0, s13, s12, $0x38;
	[tilespmem:$0x10600] =	vst v63  }
0x1c3: {  	s22 =	simm.s32 $0xCC0;
	s24 =	simm.s32 $0x8CC0;
	s23 =	spop (v2sf);
	(v2sf) =	vpush v1, $0xF  }
0x1c4: {  	s19 =	sand.u32 $0xFFFFFC00, s17;
	s21 =	sand.u32 $0x380, s17;
	s25 =	spop (v2sf)  }
0x1c5: {  	s1 =	sand.u32 $0x1FFFFFF0, s15;
	s5 =	sadd.s32 s19, s20;
	s28 =	spop (v2sf);
	(v2sf) =	vpush v0, $0xF  }
0x1c6: {  	s19 =	simm.s32 $0x510;
	s20 =	simm.s32 $0x310;
	s5 =	sor.u32 s21, s5  }
0x1c7: {  	[tilespmem:s16], [sflag:$0x1] =	stream.linear.gather [hbm4b:s18+s2], $0x40, $0x38;
	[tilespmem:$0x10600] =	vst v63  }
0x1c8: {  	s1 =	sadd.s32 s3, s1;
	s21 =	simm.s32 $0x110;
	s5 =	sshrl.u32 s5, $0x3  }
0x1c9: {  	[tilespmem:s22], [sflag:$0x1] =	stream.strided.gather [hbm4b:s1+s12], $0x0, s13, s12, $0x38;
	[tilespmem:$0x10600] =	vst v63  }
0x1ca: {  	s5 =	sadd.s32 s4, s5;
	s0 =	simm.s32 $0xD40;
	s18 =	simm.s32 $0x2000  }
0x1cb: {  	[tilespmem:s22], [sflag:$0x1] =	stream.linear.gather [hbm4b:s1+s2], $0x40, $0x38;
	[tilespmem:$0x10600] =	vst v63  }
0x1cc: {  	s30 =	sand.u32 $0x1FFFFFF0, s23;
	s26 =	sand.u32 $0xFFFFFC00, s25;
	s29 =	sand.u32 $0x380, s25  }
0x1cd: {  	[tilespmem:s24], [sflag:$0x1] =	stream.strided.gather [hbm4b:s5+s12], $0x0, s13, s12, $0x38;
	[tilespmem:$0x10600] =	vst v63  }
0x1ce: {  	s31 =	spop (v2sf);
	s22 =	simm.s32 $0x0;
	s1 =	sadd.s32 s26, s28  }
0x1cf: {  	[tilespmem:s24], [sflag:$0x1] =	stream.linear.gather [hbm4b:s5+s2], $0x40, $0x38;
	[tilespmem:$0x10600] =	vst v63  }
0x1d0: {  	s6 =	sor.u32 s29, s1;
	s1 =	sand.u32 $0x1FFFFFF0, s31;
	s5 =	sadd.s32 s3, s30  }
.LBB2_4:
0x1d1: {  	[tilespmem:s0], [sflag:$0x1] =	stream.strided.gather [hbm4b:s5+s12], $0x0, s13, s12, $0x38;
	[tilespmem:$0x10600] =	vst v63  }
0x1d2: {  	s7 =	sadd.s32 $0x8D40, s22;
	s6 =	sshrl.u32 s6, $0x3;
	s8 =	spop (v2sf)  }
0x1d3: {  	[tilespmem:s0], [sflag:$0x1] =	stream.linear.gather [hbm4b:s5+s2], $0x40, $0x38;
	[tilespmem:$0x10600] =	vst v63  }
0x1d4: {  	s0 =	sadd.s32 s4, s6;
	s5 =	sand.u32 $0xFFFFFC00, s8;
	s6 =	spop (v2sf)  }
0x1d5: {  	[tilespmem:s7], [sflag:$0x1] =	stream.strided.gather [hbm4b:s0+s12], $0x0, s13, s12, $0x38;
	[tilespmem:$0x10600] =	vst v63  }
0x1d6: {  	p0 =	sne.s32 s18, $0x1E000;
	s5 =	sadd.s32 s5, s6;
	s6 =	sand.u32 $0x380, s8  }
0x1d7: {  	[tilespmem:s7], [sflag:$0x1] =	stream.linear.gather [hbm4b:s0+s2], $0x40, $0x38;
	[tilespmem:$0x10600] =	vst v63  }
0x1d8: {  	s1 =	sadd.s32 s3, s1;
	s5 =	sor.u32 s6, s5;
	s0 =	sadd.s32 $0xDC0, s22  }
0x1d9: {  	[tilespmem:s0], [sflag:$0x1] =	stream.strided.gather [hbm4b:s1+s12], $0x0, s13, s12, $0x38;
	[tilespmem:$0x10600] =	vst v63  }
0x1da: {  	s6 =	smov.u32 s18;
	s18 =	sadd.s32 $0x2000, s18;
	s5 =	sshrl.u32 s5, $0x3  }
0x1db: {  	[tilespmem:s0], [sflag:$0x1] =	stream.linear.gather [hbm4b:s1+s2], $0x40, $0x38;
	[tilespmem:$0x10600] =	vst v63  }
0x1dc: {  	s0 =	sadd.s32 $0x8DC0, s22;
	s1 =	sadd.s32 s4, s5  }
0x1dd: {  	[tilespmem:s0], [sflag:$0x1] =	stream.strided.gather [hbm4b:s1+s12], $0x0, s13, s12, $0x38;
	[tilespmem:$0x10600] =	vst v63  }
0x1de: {  	_ = 	snop  }
0x1df: {  	[tilespmem:s0], [sflag:$0x1] =	stream.linear.gather [hbm4b:s1+s2], $0x40, $0x38;
	[tilespmem:$0x10600] =	vst v63  }
0x1e0: {  	v0 =	vld [tilespmem:s19+$0x0]  }
0x1e1: {  	v1 =	vld [tilespmem:s20+$0x0]  }
0x1e2: {  	v2 =	vld [tilespmem:s21+$0x0];
	_ =	sdelay $0x2  }
0x1e3: {  	v0 =	vmul.u32 $0xC35000, v0  }
0x1e4: {  	v1 =	vshll.u32 v1, $0x7  }
0x1e5: {  	v2 =	vshll.u32 v2, $0x4;
	(v2sf) =	vpush v1, $0x0  }
0x1e6: {  	(v2sf) =	vpush v2, $0x0  }
0x1e7: {  	(v2sf) =	vpush v0, $0x0;
	_ =	sdelay $0x2  }
0x1e8: {  	s22 =	sshra.s32 s6, $0x2;
	(v2sf) =	vpush v2, $0x1  }
0x1e9: {  	s7 =	sadd.s32 $0x640, s22  }
0x1ea: {  	s6 =	sadd.s32 $0x8640, s22;
	(v2sf) =	vpush v1, $0x1  }
0x1eb: {  	(v2sf) =	vpush v0, $0x1;
	_ =	sdelay $0x2  }
0x1ec: {  	s24 =	sadd.s32 $0xC40, s22;
	s23 =	sadd.s32 $0xCC0, s22;
	(v2sf) =	vpush v2, $0x2  }
0x1ed: {  	s28 =	sadd.s32 $0xAC0, s22;
	s0 =	sadd.s32 $0xB40, s22  }
0x1ee: {  	s15 =	sadd.s32 $0x940, s22;
	s1 =	sadd.s32 $0x9C0, s22  }
0x1ef: {  	s16 =	sadd.s32 $0x840, s22;
	s30 =	sadd.s32 $0x8C0, s22;
	s19 =	sadd.s32 $0x10, s19  }
0x1f0: {  	s5 =	sadd.s32 $0x740, s22;
	s31 =	sadd.s32 $0x7C0, s22;
	s8 =	spop (v2sf);
	(v2sf) =	vpush v1, $0x2  }
0x1f1: {  	s20 =	sadd.s32 $0x10, s20;
	s9 =	sand.u32 $0xFFFFFC00, s8;
	s10 =	spop (v2sf)  }
0x1f2: {  	s21 =	sadd.s32 $0x10, s21;
	s10 =	sand.u32 $0x1FFFFFF0, s10;
	s11 =	spop (v2sf);
	(v2sf) =	vpush v0, $0x2  }
0x1f3: {  	s8 =	sand.u32 $0x380, s8;
	s10 =	sadd.s32 s3, s10;
	s9 =	sadd.s32 s9, s11  }
0x1f4: {  	[tilespmem:s7], [sflag:$0x1] =	stream.strided.gather [hbm4b:s10+s12], $0x0, s13, s12, $0x38;
	(v2sf) =	vpush v2, $0x3;
	[tilespmem:$0x10600] =	vst v63  }
0x1f5: {  	s25 =	sadd.s32 $0xBC0, s22;
	s8 =	sor.u32 s8, s9;
	s9 =	spop (v2sf)  }
0x1f6: {  	[tilespmem:s7], [sflag:$0x1] =	stream.linear.gather [hbm4b:s10+s2], $0x40, $0x38;
	[tilespmem:$0x10600] =	vst v63  }
0x1f7: {  	s26 =	sadd.s32 $0x8B40, s22;
	s7 =	sand.u32 $0x1FFFFFF0, s9;
	s9 =	spop (v2sf)  }
0x1f8: {  	s8 =	sshrl.u32 s8, $0x3;
	s10 =	sand.u32 $0xFFFFFC00, s9;
	s11 =	spop (v2sf);
	(v2sf) =	vpush v1, $0x3  }
0x1f9: {  	s8 =	sadd.s32 s4, s8;
	s9 =	sand.u32 $0x380, s9;
	s10 =	sadd.s32 s10, s11  }
0x1fa: {  	[tilespmem:s6], [sflag:$0x1] =	stream.strided.gather [hbm4b:s8+s12], $0x0, s13, s12, $0x38;
	(v2sf) =	vpush v0, $0x3;
	[tilespmem:$0x10600] =	vst v63  }
0x1fb: {  	s11 =	sadd.s32 $0x6C0, s22;
	s9 =	sor.u32 s9, s10;
	s10 =	spop (v2sf)  }
0x1fc: {  	[tilespmem:s6], [sflag:$0x1] =	stream.linear.gather [hbm4b:s8+s2], $0x40, $0x38;
	(v2sf) =	vpush v2, $0x4;
	[tilespmem:$0x10600] =	vst v63  }
0x1fd: {  	s6 =	sadd.s32 s3, s7;
	s7 =	sshrl.u32 s9, $0x3;
	s8 =	sand.u32 $0x1FFFFFF0, s10  }
0x1fe: {  	[tilespmem:s11], [sflag:$0x1] =	stream.strided.gather [hbm4b:s6+s12], $0x0, s13, s12, $0x38;
	[tilespmem:$0x10600] =	vst v63  }
0x1ff: {  	s29 =	sadd.s32 $0xA40, s22;
	s9 =	sadd.s32 $0x86C0, s22;
	s10 =	spop (v2sf)  }
0x200: {  	[tilespmem:s11], [sflag:$0x1] =	stream.linear.gather [hbm4b:s6+s2], $0x40, $0x38;
	(v2sf) =	vpush v1, $0x4;
	[tilespmem:$0x10600] =	vst v63  }
0x201: {  	s6 =	sadd.s32 s4, s7;
	s7 =	sand.u32 $0xFFFFFC00, s10;
	s11 =	spop (v2sf)  }
0x202: {  	[tilespmem:s9], [sflag:$0x1] =	stream.strided.gather [hbm4b:s6+s12], $0x0, s13, s12, $0x38;
	(v2sf) =	vpush v0, $0x4;
	[tilespmem:$0x10600] =	vst v63  }
0x203: {  	s10 =	sand.u32 $0x380, s10;
	s7 =	sadd.s32 s7, s11;
	s11 =	spop (v2sf)  }
0x204: {  	[tilespmem:s9], [sflag:$0x1] =	stream.linear.gather [hbm4b:s6+s2], $0x40, $0x38;
	(v2sf) =	vpush v2, $0x5;
	[tilespmem:$0x10600] =	vst v63  }
0x205: {  	s7 =	sor.u32 s10, s7;
	s6 =	sadd.s32 s3, s8;
	s8 =	sand.u32 $0x1FFFFFF0, s11  }
0x206: {  	[tilespmem:s5], [sflag:$0x1] =	stream.strided.gather [hbm4b:s6+s12], $0x0, s13, s12, $0x38;
	[tilespmem:$0x10600] =	vst v63  }
0x207: {  	s9 =	sadd.s32 $0x8740, s22;
	s7 =	sshrl.u32 s7, $0x3;
	s10 =	spop (v2sf)  }
0x208: {  	[tilespmem:s5], [sflag:$0x1] =	stream.linear.gather [hbm4b:s6+s2], $0x40, $0x38;
	(v2sf) =	vpush v1, $0x5;
	[tilespmem:$0x10600] =	vst v63  }
0x209: {  	s5 =	sadd.s32 s4, s7;
	s6 =	sand.u32 $0xFFFFFC00, s10;
	s7 =	spop (v2sf)  }
0x20a: {  	[tilespmem:s9], [sflag:$0x1] =	stream.strided.gather [hbm4b:s5+s12], $0x0, s13, s12, $0x38;
	(v2sf) =	vpush v0, $0x5;
	[tilespmem:$0x10600] =	vst v63  }
0x20b: {  	s6 =	sadd.s32 s6, s7;
	s7 =	sand.u32 $0x380, s10;
	s10 =	spop (v2sf)  }
0x20c: {  	[tilespmem:s9], [sflag:$0x1] =	stream.linear.gather [hbm4b:s5+s2], $0x40, $0x38;
	(v2sf) =	vpush v2, $0x6;
	[tilespmem:$0x10600] =	vst v63  }
0x20d: {  	s6 =	sor.u32 s7, s6;
	s5 =	sadd.s32 s3, s8;
	s7 =	sand.u32 $0x1FFFFFF0, s10  }
0x20e: {  	[tilespmem:s31], [sflag:$0x1] =	stream.strided.gather [hbm4b:s5+s12], $0x0, s13, s12, $0x38;
	[tilespmem:$0x10600] =	vst v63  }
0x20f: {  	s8 =	sadd.s32 $0x87C0, s22;
	s6 =	sshrl.u32 s6, $0x3;
	s9 =	spop (v2sf)  }
0x210: {  	[tilespmem:s31], [sflag:$0x1] =	stream.linear.gather [hbm4b:s5+s2], $0x40, $0x38;
	(v2sf) =	vpush v1, $0x6;
	[tilespmem:$0x10600] =	vst v63  }
0x211: {  	s5 =	sadd.s32 s4, s6;
	s6 =	sand.u32 $0xFFFFFC00, s9;
	s10 =	spop (v2sf)  }
0x212: {  	[tilespmem:s8], [sflag:$0x1] =	stream.strided.gather [hbm4b:s5+s12], $0x0, s13, s12, $0x38;
	(v2sf) =	vpush v0, $0x6;
	[tilespmem:$0x10600] =	vst v63  }
0x213: {  	s9 =	sand.u32 $0x380, s9;
	s6 =	sadd.s32 s6, s10;
	s10 =	spop (v2sf)  }
0x214: {  	[tilespmem:s8], [sflag:$0x1] =	stream.linear.gather [hbm4b:s5+s2], $0x40, $0x38;
	(v2sf) =	vpush v2, $0x7;
	[tilespmem:$0x10600] =	vst v63  }
0x215: {  	s6 =	sor.u32 s9, s6;
	s5 =	sadd.s32 s3, s7;
	s7 =	sand.u32 $0x1FFFFFF0, s10  }
0x216: {  	[tilespmem:s16], [sflag:$0x1] =	stream.strided.gather [hbm4b:s5+s12], $0x0, s13, s12, $0x38;
	[tilespmem:$0x10600] =	vst v63  }
0x217: {  	s8 =	sadd.s32 $0x8840, s22;
	s6 =	sshrl.u32 s6, $0x3;
	s9 =	spop (v2sf)  }
0x218: {  	[tilespmem:s16], [sflag:$0x1] =	stream.linear.gather [hbm4b:s5+s2], $0x40, $0x38;
	(v2sf) =	vpush v1, $0x7;
	[tilespmem:$0x10600] =	vst v63  }
0x219: {  	s5 =	sadd.s32 s4, s6;
	s6 =	sand.u32 $0xFFFFFC00, s9;
	s10 =	spop (v2sf)  }
0x21a: {  	[tilespmem:s8], [sflag:$0x1] =	stream.strided.gather [hbm4b:s5+s12], $0x0, s13, s12, $0x38;
	(v2sf) =	vpush v0, $0x7;
	[tilespmem:$0x10600] =	vst v63  }
0x21b: {  	s9 =	sand.u32 $0x380, s9;
	s6 =	sadd.s32 s6, s10;
	s10 =	spop (v2sf)  }
0x21c: {  	[tilespmem:s8], [sflag:$0x1] =	stream.linear.gather [hbm4b:s5+s2], $0x40, $0x38;
	(v2sf) =	vpush v2, $0x8;
	[tilespmem:$0x10600] =	vst v63  }
0x21d: {  	s6 =	sor.u32 s9, s6;
	s5 =	sadd.s32 s3, s7;
	s7 =	sand.u32 $0x1FFFFFF0, s10  }
0x21e: {  	[tilespmem:s30], [sflag:$0x1] =	stream.strided.gather [hbm4b:s5+s12], $0x0, s13, s12, $0x38;
	[tilespmem:$0x10600] =	vst v63  }
0x21f: {  	s8 =	sadd.s32 $0x88C0, s22;
	s6 =	sshrl.u32 s6, $0x3;
	s9 =	spop (v2sf)  }
0x220: {  	[tilespmem:s30], [sflag:$0x1] =	stream.linear.gather [hbm4b:s5+s2], $0x40, $0x38;
	(v2sf) =	vpush v1, $0x8;
	[tilespmem:$0x10600] =	vst v63  }
0x221: {  	s5 =	sadd.s32 s4, s6;
	s6 =	sand.u32 $0xFFFFFC00, s9;
	s10 =	spop (v2sf)  }
0x222: {  	[tilespmem:s8], [sflag:$0x1] =	stream.strided.gather [hbm4b:s5+s12], $0x0, s13, s12, $0x38;
	(v2sf) =	vpush v0, $0x8;
	[tilespmem:$0x10600] =	vst v63  }
0x223: {  	s9 =	sand.u32 $0x380, s9;
	s6 =	sadd.s32 s6, s10;
	s10 =	spop (v2sf)  }
0x224: {  	[tilespmem:s8], [sflag:$0x1] =	stream.linear.gather [hbm4b:s5+s2], $0x40, $0x38;
	(v2sf) =	vpush v2, $0x9;
	[tilespmem:$0x10600] =	vst v63  }
0x225: {  	s6 =	sor.u32 s9, s6;
	s5 =	sadd.s32 s3, s7;
	s7 =	sand.u32 $0x1FFFFFF0, s10  }
0x226: {  	[tilespmem:s15], [sflag:$0x1] =	stream.strided.gather [hbm4b:s5+s12], $0x0, s13, s12, $0x38;
	[tilespmem:$0x10600] =	vst v63  }
0x227: {  	s8 =	sadd.s32 $0x8940, s22;
	s6 =	sshrl.u32 s6, $0x3;
	s9 =	spop (v2sf)  }
0x228: {  	[tilespmem:s15], [sflag:$0x1] =	stream.linear.gather [hbm4b:s5+s2], $0x40, $0x38;
	(v2sf) =	vpush v1, $0x9;
	[tilespmem:$0x10600] =	vst v63  }
0x229: {  	s5 =	sadd.s32 s4, s6;
	s6 =	sand.u32 $0xFFFFFC00, s9;
	s10 =	spop (v2sf)  }
0x22a: {  	[tilespmem:s8], [sflag:$0x1] =	stream.strided.gather [hbm4b:s5+s12], $0x0, s13, s12, $0x38;
	(v2sf) =	vpush v0, $0x9;
	[tilespmem:$0x10600] =	vst v63  }
0x22b: {  	s9 =	sand.u32 $0x380, s9;
	s6 =	sadd.s32 s6, s10;
	s10 =	spop (v2sf)  }
0x22c: {  	[tilespmem:s8], [sflag:$0x1] =	stream.linear.gather [hbm4b:s5+s2], $0x40, $0x38;
	(v2sf) =	vpush v2, $0xA;
	[tilespmem:$0x10600] =	vst v63  }
0x22d: {  	s6 =	sor.u32 s9, s6;
	s5 =	sadd.s32 s3, s7;
	s7 =	sand.u32 $0x1FFFFFF0, s10  }
0x22e: {  	[tilespmem:s1], [sflag:$0x1] =	stream.strided.gather [hbm4b:s5+s12], $0x0, s13, s12, $0x38;
	[tilespmem:$0x10600] =	vst v63  }
0x22f: {  	s8 =	sadd.s32 $0x89C0, s22;
	s6 =	sshrl.u32 s6, $0x3;
	s9 =	spop (v2sf)  }
0x230: {  	[tilespmem:s1], [sflag:$0x1] =	stream.linear.gather [hbm4b:s5+s2], $0x40, $0x38;
	(v2sf) =	vpush v1, $0xA;
	[tilespmem:$0x10600] =	vst v63  }
0x231: {  	s1 =	sadd.s32 s4, s6;
	s5 =	sand.u32 $0xFFFFFC00, s9;
	s6 =	spop (v2sf)  }
0x232: {  	[tilespmem:s8], [sflag:$0x1] =	stream.strided.gather [hbm4b:s1+s12], $0x0, s13, s12, $0x38;
	(v2sf) =	vpush v0, $0xA;
	[tilespmem:$0x10600] =	vst v63  }
0x233: {  	s5 =	sadd.s32 s5, s6;
	s6 =	sand.u32 $0x380, s9;
	s9 =	spop (v2sf)  }
0x234: {  	[tilespmem:s8], [sflag:$0x1] =	stream.linear.gather [hbm4b:s1+s2], $0x40, $0x38;
	(v2sf) =	vpush v2, $0xB;
	[tilespmem:$0x10600] =	vst v63  }
0x235: {  	s5 =	sor.u32 s6, s5;
	s1 =	sadd.s32 s3, s7;
	s6 =	sand.u32 $0x1FFFFFF0, s9  }
0x236: {  	[tilespmem:s29], [sflag:$0x1] =	stream.strided.gather [hbm4b:s1+s12], $0x0, s13, s12, $0x38;
	(v2sf) =	vpush v1, $0xB;
	[tilespmem:$0x10600] =	vst v63  }
0x237: {  	s7 =	sadd.s32 $0x8A40, s22;
	s5 =	sshrl.u32 s5, $0x3;
	s8 =	spop (v2sf)  }
0x238: {  	[tilespmem:s29], [sflag:$0x1] =	stream.linear.gather [hbm4b:s1+s2], $0x40, $0x38;
	(v2sf) =	vpush v0, $0xB;
	[tilespmem:$0x10600] =	vst v63  }
0x239: {  	s1 =	sadd.s32 s4, s5;
	s5 =	sand.u32 $0xFFFFFC00, s8;
	s9 =	spop (v2sf)  }
0x23a: {  	[tilespmem:s7], [sflag:$0x1] =	stream.strided.gather [hbm4b:s1+s12], $0x0, s13, s12, $0x38;
	[tilespmem:$0x10600] =	vst v63  }
0x23b: {  	s8 =	sand.u32 $0x380, s8;
	s5 =	sadd.s32 s5, s9;
	s9 =	spop (v2sf)  }
0x23c: {  	[tilespmem:s7], [sflag:$0x1] =	stream.linear.gather [hbm4b:s1+s2], $0x40, $0x38;
	(v2sf) =	vpush v2, $0xC;
	[tilespmem:$0x10600] =	vst v63  }
0x23d: {  	s5 =	sor.u32 s8, s5;
	s1 =	sadd.s32 s3, s6;
	s6 =	sand.u32 $0x1FFFFFF0, s9  }
0x23e: {  	[tilespmem:s28], [sflag:$0x1] =	stream.strided.gather [hbm4b:s1+s12], $0x0, s13, s12, $0x38;
	[tilespmem:$0x10600] =	vst v63  }
0x23f: {  	s7 =	sadd.s32 $0x8AC0, s22;
	s5 =	sshrl.u32 s5, $0x3;
	s8 =	spop (v2sf)  }
0x240: {  	[tilespmem:s28], [sflag:$0x1] =	stream.linear.gather [hbm4b:s1+s2], $0x40, $0x38;
	(v2sf) =	vpush v1, $0xC;
	[tilespmem:$0x10600] =	vst v63  }
0x241: {  	s1 =	sadd.s32 s4, s5;
	s5 =	sand.u32 $0xFFFFFC00, s8;
	s9 =	spop (v2sf)  }
0x242: {  	[tilespmem:s7], [sflag:$0x1] =	stream.strided.gather [hbm4b:s1+s12], $0x0, s13, s12, $0x38;
	(v2sf) =	vpush v0, $0xC;
	[tilespmem:$0x10600] =	vst v63  }
0x243: {  	s8 =	sand.u32 $0x380, s8;
	s5 =	sadd.s32 s5, s9;
	s9 =	spop (v2sf)  }
0x244: {  	[tilespmem:s7], [sflag:$0x1] =	stream.linear.gather [hbm4b:s1+s2], $0x40, $0x38;
	(v2sf) =	vpush v2, $0xD;
	[tilespmem:$0x10600] =	vst v63  }
0x245: {  	s5 =	sor.u32 s8, s5;
	s1 =	sadd.s32 s3, s6;
	s6 =	spop (v2sf)  }
0x246: {  	[tilespmem:s0], [sflag:$0x1] =	stream.strided.gather [hbm4b:s1+s12], $0x0, s13, s12, $0x38;
	[tilespmem:$0x10600] =	vst v63  }
0x247: {  	s5 =	sshrl.u32 s5, $0x3;
	s7 =	sand.u32 $0xFFFFFC00, s6;
	s8 =	spop (v2sf)  }
0x248: {  	[tilespmem:s0], [sflag:$0x1] =	stream.linear.gather [hbm4b:s1+s2], $0x40, $0x38;
	(v2sf) =	vpush v1, $0xD;
	[tilespmem:$0x10600] =	vst v63  }
0x249: {  	s0 =	sadd.s32 s4, s5;
	s1 =	sadd.s32 s7, s8;
	s5 =	sand.u32 $0x380, s6  }
0x24a: {  	[tilespmem:s26], [sflag:$0x1] =	stream.strided.gather [hbm4b:s0+s12], $0x0, s13, s12, $0x38;
	(v2sf) =	vpush v0, $0xD;
	[tilespmem:$0x10600] =	vst v63  }
0x24b: {  	s6 =	sand.u32 $0x1FFFFFF0, s9;
	s1 =	sor.u32 s5, s1;
	s5 =	spop (v2sf)  }
0x24c: {  	[tilespmem:s26], [sflag:$0x1] =	stream.linear.gather [hbm4b:s0+s2], $0x40, $0x38;
	(v2sf) =	vpush v2, $0xE;
	[tilespmem:$0x10600] =	vst v63  }
0x24d: {  	s6 =	sadd.s32 s3, s6;
	s1 =	sshrl.u32 s1, $0x3;
	s5 =	sand.u32 $0x1FFFFFF0, s5  }
0x24e: {  	[tilespmem:s25], [sflag:$0x1] =	stream.strided.gather [hbm4b:s6+s12], $0x0, s13, s12, $0x38;
	[tilespmem:$0x10600] =	vst v63  }
0x24f: {  	s7 =	sadd.s32 $0x8BC0, s22;
	s0 =	sadd.s32 $0xD40, s22;
	s8 =	spop (v2sf)  }
0x250: {  	[tilespmem:s25], [sflag:$0x1] =	stream.linear.gather [hbm4b:s6+s2], $0x40, $0x38;
	(v2sf) =	vpush v1, $0xE;
	[tilespmem:$0x10600] =	vst v63  }
0x251: {  	s1 =	sadd.s32 s4, s1;
	s6 =	sand.u32 $0xFFFFFC00, s8;
	s9 =	spop (v2sf)  }
0x252: {  	[tilespmem:s7], [sflag:$0x1] =	stream.strided.gather [hbm4b:s1+s12], $0x0, s13, s12, $0x38;
	(v2sf) =	vpush v0, $0xE;
	[tilespmem:$0x10600] =	vst v63  }
0x253: {  	s8 =	sand.u32 $0x380, s8;
	s6 =	sadd.s32 s6, s9;
	s9 =	spop (v2sf)  }
0x254: {  	[tilespmem:s7], [sflag:$0x1] =	stream.linear.gather [hbm4b:s1+s2], $0x40, $0x38;
	(v2sf) =	vpush v2, $0xF;
	[tilespmem:$0x10600] =	vst v63  }
0x255: {  	s1 =	sadd.s32 s3, s5;
	s5 =	sor.u32 s8, s6;
	s6 =	sand.u32 $0x1FFFFFF0, s9  }
0x256: {  	[tilespmem:s24], [sflag:$0x1] =	stream.strided.gather [hbm4b:s1+s12], $0x0, s13, s12, $0x38;
	[tilespmem:$0x10600] =	vst v63  }
0x257: {  	s7 =	sadd.s32 $0x8C40, s22;
	s5 =	sshrl.u32 s5, $0x3;
	s8 =	spop (v2sf)  }
0x258: {  	[tilespmem:s24], [sflag:$0x1] =	stream.linear.gather [hbm4b:s1+s2], $0x40, $0x38;
	(v2sf) =	vpush v1, $0xF;
	[tilespmem:$0x10600] =	vst v63  }
0x259: {  	s1 =	sadd.s32 s4, s5;
	s5 =	sand.u32 $0xFFFFFC00, s8;
	s9 =	spop (v2sf)  }
0x25a: {  	[tilespmem:s7], [sflag:$0x1] =	stream.strided.gather [hbm4b:s1+s12], $0x0, s13, s12, $0x38;
	(v2sf) =	vpush v0, $0xF;
	[tilespmem:$0x10600] =	vst v63  }
0x25b: {  	s8 =	sand.u32 $0x380, s8;
	s5 =	sadd.s32 s5, s9;
	s9 =	spop (v2sf)  }
0x25c: {  	[tilespmem:s7], [sflag:$0x1] =	stream.linear.gather [hbm4b:s1+s2], $0x40, $0x38;
	[tilespmem:$0x10600] =	vst v63  }
0x25d: {  	s5 =	sor.u32 s8, s5;
	s1 =	sadd.s32 s3, s6;
	s6 =	sand.u32 $0x1FFFFFF0, s9  }
0x25e: {  	[tilespmem:s23], [sflag:$0x1] =	stream.strided.gather [hbm4b:s1+s12], $0x0, s13, s12, $0x38;
	[tilespmem:$0x10600] =	vst v63  }
0x25f: {  	s7 =	sadd.s32 $0x8CC0, s22;
	s5 =	sshrl.u32 s5, $0x3;
	s8 =	spop (v2sf)  }
0x260: {  	[tilespmem:s23], [sflag:$0x1] =	stream.linear.gather [hbm4b:s1+s2], $0x40, $0x38;
	[tilespmem:$0x10600] =	vst v63  }
0x261: {  	s1 =	sadd.s32 s4, s5  }
.Ltmp1:
0x262: {  	s5 =	sand.u32 $0xFFFFFC00, s8;
	s9 =	spop (v2sf);
	(pc) =	sbr.rel @p0 .LBB2_4-.Ltmp1, $4  }
0x263: {  	[tilespmem:s7], [sflag:$0x1] =	stream.strided.gather [hbm4b:s1+s12], $0x0, s13, s12, $0x38;
	[tilespmem:$0x10600] =	vst v63  }
0x264: {  	s8 =	sand.u32 $0x380, s8;
	s9 =	sadd.s32 s5, s9;
	s10 =	spop (v2sf)  }
0x265: {  	[tilespmem:s7], [sflag:$0x1] =	stream.linear.gather [hbm4b:s1+s2], $0x40, $0x38;
	[tilespmem:$0x10600] =	vst v63  }
0x266: {  	s5 =	sadd.s32 s3, s6;
	s6 =	sor.u32 s8, s9;
	s1 =	sand.u32 $0x1FFFFFF0, s10  }
0x267: {  	[tilespmem:s0], [sflag:$0x1] =	stream.strided.gather [hbm4b:s5+s12], $0x0, s13, s12, $0x38;
	[tilespmem:$0x10600] =	vst v63  }
0x268: {  	s7 =	sadd.s32 $0x8D40, s22;
	s6 =	sshrl.u32 s6, $0x3;
	s8 =	spop (v2sf)  }
0x269: {  	[tilespmem:s0], [sflag:$0x1] =	stream.linear.gather [hbm4b:s5+s2], $0x40, $0x38;
	[tilespmem:$0x10600] =	vst v63  }
0x26a: {  	s17 =	sadd.s32 s4, s6;
	s18 =	sand.u32 $0xFFFFFC00, s8;
	s19 =	spop (v2sf)  }
0x26b: {  	[tilespmem:s7], [sflag:$0x1] =	stream.strided.gather [hbm4b:s17+s12], $0x0, s13, s12, $0x38;
	[tilespmem:$0x10600] =	vst v63  }
0x26c: {  	s20 =	sand.u32 $0x380, s8;
	s5 =	sadd.s32 s18, s19  }
0x26d: {  	[tilespmem:s7], [sflag:$0x1] =	stream.linear.gather [hbm4b:s17+s2], $0x40, $0x38;
	[tilespmem:$0x10600] =	vst v63  }
0x26e: {  	s21 =	sadd.s32 $0xDC0, s22;
	s1 =	sadd.s32 s3, s1;
	s5 =	sor.u32 s20, s5  }
0x26f: {  	[tilespmem:s21], [sflag:$0x1] =	stream.strided.gather [hbm4b:s1+s12], $0x0, s13, s12, $0x38;
	[tilespmem:$0x10600] =	vst v63  }
0x270: {  	s5 =	sshrl.u32 s5, $0x3  }
0x271: {  	[tilespmem:s21], [sflag:$0x1] =	stream.linear.gather [hbm4b:s1+s2], $0x40, $0x38;
	[tilespmem:$0x10600] =	vst v63  }
0x272: {  	s22 =	sadd.s32 $0x8DC0, s22;
	s23 =	sadd.s32 s4, s5  }
0x273: {  	[tilespmem:s22], [sflag:$0x1] =	stream.strided.gather [hbm4b:s23+s12], $0x0, s13, s12, $0x38;
	[tilespmem:$0x10600] =	vst v63  }
0x274: {  	s24 =	simm.s32 $0x1  }
0x275: {  	[tilespmem:s22], [sflag:$0x1] =	stream.linear.gather [hbm4b:s23+s2], $0x40, $0x38;
	[tilespmem:$0x10600] =	vst v63  }
0x276: {  	_ =	swait.ge [sflag:s24], $0x8000  }
0x277: {  	[sflag:s24] =	ssyncset.done $0x0  }
0x278: {  	[sflag:s24] =	ssyncadd.s32 $0xFFFF8000  }
0x279: {  	_ =	swait.ge [sflag:s24], $0x8000  }
0x27a: {  	s26 =	simm.s32 $0x600;
	[sflag:s24] =	ssyncset.done $0x0  }
0x27b: {  	s5 =	simm.s32 $0x2;
	s25 =	rddreg [dreg:$0x8];
	[sflag:s24] =	ssyncadd.s32 $0xFFFF8000  }
0x27c: {  	[hbm4b:s25+s2] =	stream.linear.scatter [tilespmem:s26], [sflag:$0x2], $0x8000, $0x38;
	[tilespmem:$0x10600] =	vst v63  }
0x27d: {  	_ =	swait.ge [sflag:s5], $0x8000  }
0x27e: {  	[sflag:s5] =	ssyncset.done $0x0  }
0x27f: {  	s29 =	simm.s32 $0x8600;
	s28 =	rddreg [dreg:$0x9];
	[sflag:s5] =	ssyncadd.s32 $0xFFFF8000  }
0x280: {  	[hbm4b:s28+s2] =	stream.linear.scatter [tilespmem:s29], [sflag:$0x2], $0x8000, $0x38;
	[tilespmem:$0x10600] =	vst v63  }
0x281: {  	_ =	swait.ge [sflag:s5], $0x8000  }
0x282: {  	s30 =	rddreg [dreg:$0xb]  }
0x283: {  	s31 =	rddreg [dreg:$0xa];
	s1 =	sadd.s32 $0x1, s30  }
0x284: {  	p0 =	sne.s32 s1, s31  }
.Ltmp2:
0x285: {  	_ = 	snop;
	(pc) =	sbr.rel @p0 .LBB2_1-.Ltmp2, $3  }
0x286: {  	_ =	sdelay $0x1  }
0x287: {  	[sflag:s5] =	ssyncset.done $0x0  }
0x288: {  	[sflag:s5] =	ssyncadd.s32 $0xFFFF8000  }
0x289: {  	_ =	sfence.sel $0x180000  }
0x28a: {  	[bflag:$0x0] =	sbarrier.arrive $0xFFFF  }
0x28b: {  	_ =	strace $0x90000047  }
0x28c: {  	s0 =	stileid.u32;
	[bflag:$0x2] =	sbarrier.arrive $0xFFFF  }
0x28d: {  	p0 =	sne.s32 s0, $0x0;
	s0 =	rddreg [dreg:$0x4]  }
0x28e: {  	s0 =	sadd.s32 @!p0 $0x100000, s0  }
0x28f: {  	[sflag:s0] =	ssyncadd.tile.s32 @!p0 $0x1;
	_ =	shalt  }
.Lfunc_end2:
_tile_overlayer_lowered:
.L_overlay_start_2:
0x290: {  	(tag) =	ssettag $0x2  }
0x291: {  	s0 =	rddreg [dreg:$0x0];
	s2 =	stileid.u32  }
0x292: {  	s1 =	rddreg [dreg:$0x1];
	p0 =	sne.s32 s2, $0x0  }
0x293: {  	s3 =	rddreg [dreg:$0x2];
	[bflag:$0x3] =	sbarrier.arrive $0xFFFF;
	s2 =	simm.s32 @!p0 $0x1C02  }
0x294: {  	[timem:s3], [sflag:s2] =	dma.local @!p0 [hbm:s0], s1  }
0x295: {  	s0 =	simm.s32 @!p0 $0x2  }
0x296: {  	_ =	swait.ge @!p0 [sflag:s0], s1  }
0x297: {  	s1 =	ssub.s32 @!p0 $0x0, s1;
	[sflag:s0] =	ssyncset.done @!p0 $0x0  }
0x298: {  	[sflag:s0] =	ssyncadd.s32 @!p0 s1  }
0x299: {  	[bflag:$0x3] =	sbarrier.arrive $0xFFFF  }
0x29a: {  	_ =	shalt  }

</sc_bundles>
